<compile_context>
chip_gen: v7x
topology: tpu7x:2x2x1
jax: 0.10.2.dev20260603
libtpu: 0.0.44.dev20260713+nightly
codegen_flags: <defaults>
</compile_context>

<pallas_src>
import functools

import jax
import jax.numpy as jnp
from jax import lax
from jax.experimental import pallas as pl
from jax.experimental.pallas import tpu as pltpu
from jax.experimental.pallas import tpu_sc as plsc

N = 10000
E = 320000
G = 16
NP = 10240
DUMMY = N
NSUB = 16
NCORE = 2
CW = 128
ECW = 128
CHUNKS = 160
NBUF = 4
PER_SUB = CHUNKS * ECW
E_PAD = PER_SUB * NSUB
PER_W = E_PAD // 32
RB = 2560

_mesh = plsc.VectorSubcoreMesh(core_axis_name="c", subcore_axis_name="s")
_sc_params = pltpu.CompilerParams(needs_layout_passes=False,
                                  use_tc_tiling_on_sc=False)
_f32 = jnp.float32
_bf16 = jnp.bfloat16


@functools.partial(
    pl.kernel,
    mesh=_mesh,
    out_type=jax.ShapeDtypeStruct((32, NP), jnp.float32),
    compiler_params=_sc_params,
    scratch_types=[
        pltpu.VMEM((PER_W,), jnp.int32),
        pltpu.VMEM((NP,), jnp.float32),
    ],
)
def _deg_call(col_hbm, out_hbm, colv, hist):
    c = lax.axis_index("c")
    s = lax.axis_index("s")
    w = s * NCORE + c
    zeros16 = jnp.zeros((16,), jnp.float32)

    def zero_step(k, _):
        hist[pl.ds(k * 16, 16)] = zeros16
        return 0

    lax.fori_loop(0, NP // 16, zero_step, 0)
    pltpu.sync_copy(col_hbm.at[w], colv)
    ones16 = jnp.ones((16,), jnp.float32)

    def add_step(g, _):
        idx = colv[pl.ds(g * 16, 16)]
        plsc.addupdate_scatter(hist, [idx], ones16)
        return 0

    lax.fori_loop(0, PER_W // 16, add_step, 0)
    pltpu.sync_copy(hist, out_hbm.at[w])


@functools.partial(
    pl.kernel,
    mesh=_mesh,
    out_type=jax.ShapeDtypeStruct((NCORE, NP, CW), jnp.bfloat16),
    compiler_params=_sc_params,
    scratch_types=[
        pltpu.VMEM((CHUNKS, ECW), jnp.int32),
        pltpu.VMEM((CHUNKS, ECW), jnp.int32),
        [pltpu.VMEM((ECW, CW), jnp.bfloat16)] * NBUF,
        pltpu.VMEM_SHARED((NP, CW), jnp.bfloat16),
        [pltpu.SemaphoreType.DMA] * NBUF,
    ],
)
def _scat_call(y_hbm, row_hbm, col_hbm, z_hbm, out_hbm, rowv, colv, bufs, acc,
               sems):
    c = lax.axis_index("c")
    s = lax.axis_index("s")
    pltpu.sync_copy(col_hbm.at[s], colv)
    pltpu.sync_copy(row_hbm.at[c, s], rowv)
    pltpu.sync_copy(z_hbm, acc.at[pl.ds(s * 640, 640)])
    plsc.subcore_barrier()

    for b in range(NBUF):
        pltpu.async_copy(y_hbm.at[rowv.at[b]], bufs[b], sems[b])

    def step(g, _):
        for b in range(NBUF):
            j = g * NBUF + b
            pltpu.make_async_copy(y_hbm.at[rowv.at[j]], bufs[b],
                                  sems[b]).wait()
            pltpu.sync_copy(bufs[b], acc.at[colv.at[j]], add=True)

            @pl.when(g < CHUNKS // NBUF - 1)
            def _():
                pltpu.async_copy(y_hbm.at[rowv.at[j + NBUF]], bufs[b],
                                 sems[b])
        return 0

    lax.fori_loop(0, CHUNKS // NBUF, step, 0)
    plsc.subcore_barrier()
    pltpu.sync_copy(acc.at[pl.ds(s * 640, 640)],
                    out_hbm.at[c, pl.ds(s * 640, 640)])


def _dis_from_parts(dp):
    ones = jnp.ones((32, 1), jnp.float32)
    deg = lax.dot_general(dp, ones, (((0,), (0,)), ((), ())),
                          preferred_element_type=jnp.float32) + 1.0
    return lax.rsqrt(deg)


def _b1_body(x_ref, w_ref, dp_ref, y_ref):
    dis = _dis_from_parts(dp_ref[...])
    xw = jnp.dot(x_ref[...], w_ref[...], preferred_element_type=jnp.float32)
    y = xw * dis
    y_ref[0] = y[:, :CW].astype(_bf16)
    y_ref[1] = y[:, CW:].astype(_bf16)


def _mid_body(acc_ref, yp_ref, dp_ref, b_ref, w_ref, y_ref):
    dis = _dis_from_parts(dp_ref[...])
    b = b_ref[...]
    hl = jnp.maximum(
        dis * (acc_ref[0].astype(_f32) + yp_ref[0].astype(_f32))
        + b[:, :CW], 0.0)
    hr = jnp.maximum(
        dis * (acc_ref[1].astype(_f32) + yp_ref[1].astype(_f32))
        + b[:, CW:], 0.0)
    h = jnp.concatenate([hl, hr], axis=1)
    xw = jnp.dot(h, w_ref[...], preferred_element_type=jnp.float32)
    y = xw * dis
    y_ref[0] = y[:, :CW].astype(_bf16)
    y_ref[1] = y[:, CW:].astype(_bf16)


def _final_body(acc_ref, yp_ref, dp_ref, b_ref, bat_ref, f1w_ref, f1b_ref,
                f2w_ref, f2b_ref, out_ref, pool, cnt):
    i = pl.program_id(0)
    dis = _dis_from_parts(dp_ref[...])
    b = b_ref[...]
    hl = jnp.maximum(
        dis * (acc_ref[0].astype(_f32) + yp_ref[0].astype(_f32))
        + b[:, :CW], 0.0)
    hr = jnp.maximum(
        dis * (acc_ref[1].astype(_f32) + yp_ref[1].astype(_f32))
        + b[:, CW:], 0.0)
    h = jnp.concatenate([hl, hr], axis=1)
    bat = bat_ref[...]
    iota = lax.broadcasted_iota(jnp.int32, (RB, G), 1)
    oh = (bat == iota).astype(jnp.float32)

    @pl.when(i == 0)
    def _():
        pool[...] = jnp.zeros_like(pool)
        cnt[...] = jnp.zeros_like(cnt)

    pool[...] += lax.dot_general(oh, h, (((0,), (0,)), ((), ())),
                                 preferred_element_type=jnp.float32)
    cnt[...] += lax.dot_general(oh, jnp.ones((RB, 1), jnp.float32),
                                (((0,), (0,)), ((), ())),
                                preferred_element_type=jnp.float32)

    @pl.when(i == NP // RB - 1)
    def _():
        hg = pool[...] / jnp.maximum(cnt[...], 1.0)
        fh = jnp.maximum(jnp.dot(hg, f1w_ref[...],
                                 preferred_element_type=jnp.float32)
                         + f1b_ref[...], 0.0)
        out_ref[...] = (jnp.dot(fh, f2w_ref[...],
                                preferred_element_type=jnp.float32)
                        + f2b_ref[...])


_GRID = (NP // RB,)


def _b1_pallas(x, w1, dp):
    return pl.pallas_call(
        _b1_body,
        grid=_GRID,
        in_specs=[
            pl.BlockSpec((RB, 128), lambda i: (i, 0)),
            pl.BlockSpec((128, 256), lambda i: (0, 0)),
            pl.BlockSpec((32, RB), lambda i: (0, i)),
        ],
        out_specs=pl.BlockSpec((NCORE, RB, CW), lambda i: (0, i, 0)),
        out_shape=jax.ShapeDtypeStruct((NCORE, NP, CW), _bf16),
    )(x, w1, dp)


def _mid_pallas(acc, yp, dp, b, w):
    return pl.pallas_call(
        _mid_body,
        grid=_GRID,
        in_specs=[
            pl.BlockSpec((NCORE, RB, CW), lambda i: (0, i, 0)),
            pl.BlockSpec((NCORE, RB, CW), lambda i: (0, i, 0)),
            pl.BlockSpec((32, RB), lambda i: (0, i)),
            pl.BlockSpec((1, 256), lambda i: (0, 0)),
            pl.BlockSpec((256, 256), lambda i: (0, 0)),
        ],
        out_specs=pl.BlockSpec((NCORE, RB, CW), lambda i: (0, i, 0)),
        out_shape=jax.ShapeDtypeStruct((NCORE, NP, CW), _bf16),
    )(acc, yp, dp, b, w)


def _final_pallas(acc, yp, dp, b, bat, f1w, f1b, f2w, f2b):
    return pl.pallas_call(
        _final_body,
        grid=_GRID,
        in_specs=[
            pl.BlockSpec((NCORE, RB, CW), lambda i: (0, i, 0)),
            pl.BlockSpec((NCORE, RB, CW), lambda i: (0, i, 0)),
            pl.BlockSpec((32, RB), lambda i: (0, i)),
            pl.BlockSpec((1, 256), lambda i: (0, 0)),
            pl.BlockSpec((RB, 1), lambda i: (i, 0)),
            pl.BlockSpec((256, 128), lambda i: (0, 0)),
            pl.BlockSpec((1, 128), lambda i: (0, 0)),
            pl.BlockSpec((128, 10), lambda i: (0, 0)),
            pl.BlockSpec((1, 10), lambda i: (0, 0)),
        ],
        out_specs=pl.BlockSpec((G, 10), lambda i: (0, 0)),
        out_shape=jax.ShapeDtypeStruct((G, 10), _f32),
        scratch_shapes=[
            pltpu.VMEM((G, 256), _f32),
            pltpu.VMEM((G, 1), _f32),
        ],
    )(acc, yp, dp, b, bat, f1w, f1b, f2w, f2b)


def kernel(x, edge_index, batch, W1, b1, W2, b2, W3, b3,
           fc1_W, fc1_b, fc2_W, fc2_b):
    row = edge_index[0].astype(jnp.int32)
    col = edge_index[1].astype(jnp.int32)
    pad = E_PAD - E
    pad_ar = jnp.arange(pad, dtype=jnp.int32)
    row_p = jnp.concatenate([row, pad_ar % N])
    col_p = jnp.concatenate([col, DUMMY + pad_ar % (NP - N)])
    row3 = row_p.reshape(NSUB, CHUNKS, ECW)
    col3 = col_p.reshape(NSUB, CHUNKS, ECW)
    off = jnp.array([0, NP], jnp.int32)[:, None, None, None]
    row4 = row3[None] + off
    colA = col_p.reshape(32, PER_W)

    x_pad = jnp.concatenate([x, jnp.zeros((NP - N, x.shape[1]), _f32)])
    bat_p = jnp.concatenate([batch.astype(jnp.int32),
                             jnp.full((NP - N,), G, jnp.int32)]).reshape(NP, 1)
    zrows = jnp.zeros((640, CW), _bf16)
    b1r = b1.reshape(1, 256)
    b2r = b2.reshape(1, 256)
    b3r = b3.reshape(1, 256)
    f1br = fc1_b.reshape(1, 128)
    f2br = fc2_b.reshape(1, 10)

    dp = _deg_call(colA)
    y1 = _b1_pallas(x_pad, W1, dp)
    a1 = _scat_call(y1.reshape(NCORE * NP, CW), row4, col3, zrows)
    y2 = _mid_pallas(a1, y1, dp, b1r, W2)
    a2 = _scat_call(y2.reshape(NCORE * NP, CW), row4, col3, zrows)
    y3 = _mid_pallas(a2, y2, dp, b2r, W3)
    a3 = _scat_call(y3.reshape(NCORE * NP, CW), row4, col3, zrows)
    return _final_pallas(a3, y3, dp, b3r, bat_p, fc1_W, f1br, fc2_W, f2br)

# --- scband reference (transcript-rebuilt; emitter-appended) ---
"""Pipeline reference for scband-gcn-83751862272702 (READ-ONLY COPY).

The authoritative reference and input builder live on the scoring server;
editing this copy changes nothing except your own understanding.
"""

import jax, jax.numpy as jnp
import numpy as np

N = 10000
E = 320000
G = 16
D_IN = 128
D_H = 256
D_FC = 128
D_OUT = 10


def gcn_conv(x, edge_index, W, b, num_nodes):
    # PyG GCNConv: add self-loops, symmetric normalization, linear then propagate
    loop = jnp.arange(num_nodes, dtype=edge_index.dtype)
    ei = jnp.concatenate([edge_index, jnp.stack([loop, loop], axis=0)], axis=1)
    row, col = ei[0], ei[1]
    ones = jnp.ones(ei.shape[1], dtype=x.dtype)
    deg = jax.ops.segment_sum(ones, col, num_segments=num_nodes)
    deg_inv_sqrt = jnp.where(deg > 0, deg ** -0.5, 0.0)
    norm = deg_inv_sqrt[row] * deg_inv_sqrt[col]
    xw = x @ W
    msg = xw[row] * norm[:, None]
    out = jax.ops.segment_sum(msg, col, num_segments=num_nodes)
    return out + b


def setup_inputs(seed: int = 0):
    key = jax.random.key(seed)
    ks = jax.random.split(key, 14)
    x = jax.random.normal(ks[0], (N, D_IN), dtype=jnp.float32)
    edge_index = jax.random.randint(ks[1], (2, E), 0, N)
    batch = jnp.sort(jax.random.randint(ks[2], (N,), 0, G))
    W1 = jax.random.normal(ks[3], (D_IN, D_H), dtype=jnp.float32) * 0.05
    b1 = jnp.zeros((D_H,), dtype=jnp.float32)
    W2 = jax.random.normal(ks[4], (D_H, D_H), dtype=jnp.float32) * 0.05
    b2 = jnp.zeros((D_H,), dtype=jnp.float32)
    W3 = jax.random.normal(ks[5], (D_H, D_H), dtype=jnp.float32) * 0.05
    b3 = jnp.zeros((D_H,), dtype=jnp.float32)
    fc1_W = jax.random.normal(ks[6], (D_H, D_FC), dtype=jnp.float32) * 0.05
    fc1_b = jnp.zeros((D_FC,), dtype=jnp.float32)
    fc2_W = jax.random.normal(ks[7], (D_FC, D_OUT), dtype=jnp.float32) * 0.05
    fc2_b = jnp.zeros((D_OUT,), dtype=jnp.float32)
    return {"x": x, "edge_index": edge_index, "batch": batch,
            "W1": W1, "b1": b1, "W2": W2, "b2": b2, "W3": W3, "b3": b3,
            "fc1_W": fc1_W, "fc1_b": fc1_b, "fc2_W": fc2_W, "fc2_b": fc2_b}


def reference(x, edge_index, batch, W1, b1, W2, b2, W3, b3, fc1_W, fc1_b, fc2_W, fc2_b):
    h = jax.nn.relu(gcn_conv(x, edge_index, W1, b1, N))
    h = jax.nn.relu(gcn_conv(h, edge_index, W2, b2, N))
    h = jax.nn.relu(gcn_conv(h, edge_index, W3, b3, N))
    # global_mean_pool
    hg_sum = jax.ops.segment_sum(h, batch, num_segments=G)
    counts = jax.ops.segment_sum(jnp.ones((N, 1), dtype=h.dtype), batch, num_segments=G)
    hg = hg_sum / jnp.maximum(counts, 1.0)
    h = jax.nn.relu(hg @ fc1_W + fc1_b)
    out = h @ fc2_W + fc2_b
    return out

if __name__ == "__main__":
    import jax
    _d = setup_inputs()
    print(jax.jit(kernel)(*tuple(_d.values())))

</pallas_src>

<mosaic_0001>
#map = affine_map<(d0, d1) -> (0, 0)>
#map1 = affine_map<(d0, d1) -> (0, 0, 0, 0)>
#map2 = affine_map<(d0, d1) -> (0, 0, 0)>
module attributes {stable_mosaic.version = 14 : i64} {
  func.func @_scat_call(%arg0: i32, %arg1: i32, %arg2: memref<20480x128xbf16, #tpu.memory_space<hbm>>, %arg3: memref<2x16x160x128xi32, #tpu.memory_space<hbm>>, %arg4: memref<16x160x128xi32, #tpu.memory_space<hbm>>, %arg5: memref<640x128xbf16, #tpu.memory_space<hbm>>, %arg6: memref<2x10240x128xbf16, #tpu.memory_space<hbm>>, %arg7: memref<160x128xi32, #tpu.memory_space<vmem>>, %arg8: memref<160x128xi32, #tpu.memory_space<vmem>>, %arg9: memref<128x128xbf16, #tpu.memory_space<vmem>>, %arg10: memref<128x128xbf16, #tpu.memory_space<vmem>>, %arg11: memref<128x128xbf16, #tpu.memory_space<vmem>>, %arg12: memref<128x128xbf16, #tpu.memory_space<vmem>>, %arg13: memref<10240x128xbf16, #tpu.memory_space<vmem_shared>>, %arg14: memref<!tpu.dma_semaphore, #tpu.memory_space<semaphore_mem>>, %arg15: memref<!tpu.dma_semaphore, #tpu.memory_space<semaphore_mem>>, %arg16: memref<!tpu.dma_semaphore, #tpu.memory_space<semaphore_mem>>, %arg17: memref<!tpu.dma_semaphore, #tpu.memory_space<semaphore_mem>>) attributes {dimension_semantics = [#tpu.dimension_semantics<core_parallel>, #tpu.dimension_semantics<subcore_parallel>], iteration_bounds = array<i64: 2, 16>, scalar_prefetch = 0 : i64, scratch_operands = 11 : i64, tpu.core_type = #tpu.core_type<sc_vector_subcore>, window_params = [{transform_indices = #map}, {transform_indices = #map1}, {transform_indices = #map2}, {transform_indices = #map}, {transform_indices = #map2}]} {
    "tpu.region"() ({
      %run_scoped3A = tpu.sem_alloc : memref<!tpu.dma_semaphore, #tpu.memory_space<semaphore_mem>>
      %dma_start3A_39 = arith.constant 0 : i32
      %dma_start3A_40 = arith.constant 0 : i32
      %dma_start3A_41 = tpu.memref_slice %arg4[%arg1, %dma_start3A_39, %dma_start3A_40] : memref<16x160x128xi32, #tpu.memory_space<hbm>> -> memref<1x160x128xi32, #tpu.memory_space<hbm>>
      %dma_start3A_42 = tpu.memref_squeeze %dma_start3A_41 : memref<1x160x128xi32, #tpu.memory_space<hbm>> -> memref<160x128xi32, #tpu.memory_space<hbm>>
      %dma_start3A_43 = arith.constant 0 : i32
      %dma_start3A_44 = arith.constant 0 : i32
      %dma_start3A_45 = tpu.memref_slice %arg4[%arg1, %dma_start3A_43, %dma_start3A_44] : memref<16x160x128xi32, #tpu.memory_space<hbm>> -> memref<1x160x128xi32, #tpu.memory_space<hbm>>
      %dma_start3A_46 = tpu.memref_squeeze %dma_start3A_45 : memref<1x160x128xi32, #tpu.memory_space<hbm>> -> memref<160x128xi32, #tpu.memory_space<hbm>>
      tpu.enqueue_dma source(%dma_start3A_46 : memref<160x128xi32, #tpu.memory_space<hbm>>) target(%arg8 : memref<160x128xi32, #tpu.memory_space<vmem>>) target_semaphore(%run_scoped3A : memref<!tpu.dma_semaphore, #tpu.memory_space<semaphore_mem>>)
      %dma_wait3A = arith.constant 0 : i32
      %dma_wait3A_47 = arith.constant 0 : i32
      %dma_wait3A_48 = tpu.memref_slice %arg4[%arg1, %dma_wait3A, %dma_wait3A_47] : memref<16x160x128xi32, #tpu.memory_space<hbm>> -> memref<1x160x128xi32, #tpu.memory_space<hbm>>
      %dma_wait3A_49 = tpu.memref_squeeze %dma_wait3A_48 : memref<1x160x128xi32, #tpu.memory_space<hbm>> -> memref<160x128xi32, #tpu.memory_space<hbm>>
      %dma_wait3A_50 = arith.constant 0 : i32
      %dma_wait3A_51 = arith.constant 0 : i32
      %dma_wait3A_52 = tpu.memref_slice %arg4[%arg1, %dma_wait3A_50, %dma_wait3A_51] : memref<16x160x128xi32, #tpu.memory_space<hbm>> -> memref<1x160x128xi32, #tpu.memory_space<hbm>>
      %dma_wait3A_53 = tpu.memref_squeeze %dma_wait3A_52 : memref<1x160x128xi32, #tpu.memory_space<hbm>> -> memref<160x128xi32, #tpu.memory_space<hbm>>
      tpu.wait_dma2 semaphore(%run_scoped3A : memref<!tpu.dma_semaphore, #tpu.memory_space<semaphore_mem>>) src(%dma_wait3A_53 : memref<160x128xi32, #tpu.memory_space<hbm>>) dst(%arg8 : memref<160x128xi32, #tpu.memory_space<vmem>>)
      tpu.yield
    }) : () -> ()
    "tpu.region"() ({
      %run_scoped3A = tpu.sem_alloc : memref<!tpu.dma_semaphore, #tpu.memory_space<semaphore_mem>>
      %dma_start3A_39 = arith.constant 0 : i32
      %dma_start3A_40 = arith.constant 0 : i32
      %dma_start3A_41 = tpu.memref_slice %arg3[%arg0, %arg1, %dma_start3A_39, %dma_start3A_40] : memref<2x16x160x128xi32, #tpu.memory_space<hbm>> -> memref<1x1x160x128xi32, #tpu.memory_space<hbm>>
      %dma_start3A_42 = tpu.memref_squeeze %dma_start3A_41 : memref<1x1x160x128xi32, #tpu.memory_space<hbm>> -> memref<160x128xi32, #tpu.memory_space<hbm>>
      %dma_start3A_43 = arith.constant 0 : i32
      %dma_start3A_44 = arith.constant 0 : i32
      %dma_start3A_45 = tpu.memref_slice %arg3[%arg0, %arg1, %dma_start3A_43, %dma_start3A_44] : memref<2x16x160x128xi32, #tpu.memory_space<hbm>> -> memref<1x1x160x128xi32, #tpu.memory_space<hbm>>
      %dma_start3A_46 = tpu.memref_squeeze %dma_start3A_45 : memref<1x1x160x128xi32, #tpu.memory_space<hbm>> -> memref<160x128xi32, #tpu.memory_space<hbm>>
      tpu.enqueue_dma source(%dma_start3A_46 : memref<160x128xi32, #tpu.memory_space<hbm>>) target(%arg7 : memref<160x128xi32, #tpu.memory_space<vmem>>) target_semaphore(%run_scoped3A : memref<!tpu.dma_semaphore, #tpu.memory_space<semaphore_mem>>)
      %dma_wait3A = arith.constant 0 : i32
      %dma_wait3A_47 = arith.constant 0 : i32
      %dma_wait3A_48 = tpu.memref_slice %arg3[%arg0, %arg1, %dma_wait3A, %dma_wait3A_47] : memref<2x16x160x128xi32, #tpu.memory_space<hbm>> -> memref<1x1x160x128xi32, #tpu.memory_space<hbm>>
      %dma_wait3A_49 = tpu.memref_squeeze %dma_wait3A_48 : memref<1x1x160x128xi32, #tpu.memory_space<hbm>> -> memref<160x128xi32, #tpu.memory_space<hbm>>
      %dma_wait3A_50 = arith.constant 0 : i32
      %dma_wait3A_51 = arith.constant 0 : i32
      %dma_wait3A_52 = tpu.memref_slice %arg3[%arg0, %arg1, %dma_wait3A_50, %dma_wait3A_51] : memref<2x16x160x128xi32, #tpu.memory_space<hbm>> -> memref<1x1x160x128xi32, #tpu.memory_space<hbm>>
      %dma_wait3A_53 = tpu.memref_squeeze %dma_wait3A_52 : memref<1x1x160x128xi32, #tpu.memory_space<hbm>> -> memref<160x128xi32, #tpu.memory_space<hbm>>
      tpu.wait_dma2 semaphore(%run_scoped3A : memref<!tpu.dma_semaphore, #tpu.memory_space<semaphore_mem>>) src(%dma_wait3A_53 : memref<160x128xi32, #tpu.memory_space<hbm>>) dst(%arg7 : memref<160x128xi32, #tpu.memory_space<vmem>>)
      tpu.yield
    }) : () -> ()
    %mul3A = arith.constant 640 : i32
    %mul3A_0 = arith.muli %arg1, %mul3A : i32
    "tpu.region"() ({
      %run_scoped3A = tpu.sem_alloc : memref<!tpu.dma_semaphore, #tpu.memory_space<semaphore_mem>>
      %dma_start3A_39 = arith.constant 0 : i32
      %dma_start3A_40 = tpu.memref_slice %arg13[%mul3A_0, %dma_start3A_39] : memref<10240x128xbf16, #tpu.memory_space<vmem_shared>> -> memref<640x128xbf16, #tpu.memory_space<vmem_shared>>
      tpu.enqueue_dma source(%arg5 : memref<640x128xbf16, #tpu.memory_space<hbm>>) target(%dma_start3A_40 : memref<640x128xbf16, #tpu.memory_space<vmem_shared>>) target_semaphore(%run_scoped3A : memref<!tpu.dma_semaphore, #tpu.memory_space<semaphore_mem>>)
      %dma_wait3A = arith.constant 0 : i32
      %dma_wait3A_41 = tpu.memref_slice %arg13[%mul3A_0, %dma_wait3A] : memref<10240x128xbf16, #tpu.memory_space<vmem_shared>> -> memref<640x128xbf16, #tpu.memory_space<vmem_shared>>
      tpu.wait_dma2 semaphore(%run_scoped3A : memref<!tpu.dma_semaphore, #tpu.memory_space<semaphore_mem>>) src(%arg5 : memref<640x128xbf16, #tpu.memory_space<hbm>>) dst(%dma_wait3A_41 : memref<640x128xbf16, #tpu.memory_space<vmem_shared>>)
      tpu.yield
    }) : () -> ()
    %barrier3A = arith.constant 0 : index
    tpu.barrier barrier_id(%barrier3A)
    %dma_start3A = arith.constant 0 : i32
    %dma_start3A_1 = arith.constant 0 : i32
    %dma_start3A_2 = tpu.memref_slice %arg7[%dma_start3A, %dma_start3A_1] : memref<160x128xi32, #tpu.memory_space<vmem>> -> memref<1x128xi32, #tpu.memory_space<vmem>>
    %dma_start3A_3 = tpu.memref_squeeze %dma_start3A_2 : memref<1x128xi32, #tpu.memory_space<vmem>> -> memref<128xi32, #tpu.memory_space<vmem>>
    %dma_start3A_4 = arith.constant 0 : i32
    %dma_start3A_5 = arith.constant 0 : i32
    %dma_start3A_6 = tpu.memref_slice %arg2[%dma_start3A_4, %dma_start3A_5] : memref<20480x128xbf16, #tpu.memory_space<hbm>> -> memref<20480x128xbf16, #tpu.memory_space<hbm>>
    tpu.enqueue_indirect_dma source(%dma_start3A_6 : memref<20480x128xbf16, #tpu.memory_space<hbm>>) target(%arg9 : memref<128x128xbf16, #tpu.memory_space<vmem>>) offsets(%dma_start3A_3 : memref<128xi32, #tpu.memory_space<vmem>>) semaphore(%arg14 : memref<!tpu.dma_semaphore, #tpu.memory_space<semaphore_mem>>)
    %dma_start3A_7 = arith.constant 1 : i32
    %dma_start3A_8 = arith.constant 0 : i32
    %dma_start3A_9 = tpu.memref_slice %arg7[%dma_start3A_7, %dma_start3A_8] : memref<160x128xi32, #tpu.memory_space<vmem>> -> memref<1x128xi32, #tpu.memory_space<vmem>>
    %dma_start3A_10 = tpu.memref_squeeze %dma_start3A_9 : memref<1x128xi32, #tpu.memory_space<vmem>> -> memref<128xi32, #tpu.memory_space<vmem>>
    %dma_start3A_11 = arith.constant 0 : i32
    %dma_start3A_12 = arith.constant 0 : i32
    %dma_start3A_13 = tpu.memref_slice %arg2[%dma_start3A_11, %dma_start3A_12] : memref<20480x128xbf16, #tpu.memory_space<hbm>> -> memref<20480x128xbf16, #tpu.memory_space<hbm>>
    tpu.enqueue_indirect_dma source(%dma_start3A_13 : memref<20480x128xbf16, #tpu.memory_space<hbm>>) target(%arg10 : memref<128x128xbf16, #tpu.memory_space<vmem>>) offsets(%dma_start3A_10 : memref<128xi32, #tpu.memory_space<vmem>>) semaphore(%arg15 : memref<!tpu.dma_semaphore, #tpu.memory_space<semaphore_mem>>)
    %dma_start3A_14 = arith.constant 2 : i32
    %dma_start3A_15 = arith.constant 0 : i32
    %dma_start3A_16 = tpu.memref_slice %arg7[%dma_start3A_14, %dma_start3A_15] : memref<160x128xi32, #tpu.memory_space<vmem>> -> memref<1x128xi32, #tpu.memory_space<vmem>>
    %dma_start3A_17 = tpu.memref_squeeze %dma_start3A_16 : memref<1x128xi32, #tpu.memory_space<vmem>> -> memref<128xi32, #tpu.memory_space<vmem>>
    %dma_start3A_18 = arith.constant 0 : i32
    %dma_start3A_19 = arith.constant 0 : i32
    %dma_start3A_20 = tpu.memref_slice %arg2[%dma_start3A_18, %dma_start3A_19] : memref<20480x128xbf16, #tpu.memory_space<hbm>> -> memref<20480x128xbf16, #tpu.memory_space<hbm>>
    tpu.enqueue_indirect_dma source(%dma_start3A_20 : memref<20480x128xbf16, #tpu.memory_space<hbm>>) target(%arg11 : memref<128x128xbf16, #tpu.memory_space<vmem>>) offsets(%dma_start3A_17 : memref<128xi32, #tpu.memory_space<vmem>>) semaphore(%arg16 : memref<!tpu.dma_semaphore, #tpu.memory_space<semaphore_mem>>)
    %dma_start3A_21 = arith.constant 3 : i32
    %dma_start3A_22 = arith.constant 0 : i32
    %dma_start3A_23 = tpu.memref_slice %arg7[%dma_start3A_21, %dma_start3A_22] : memref<160x128xi32, #tpu.memory_space<vmem>> -> memref<1x128xi32, #tpu.memory_space<vmem>>
    %dma_start3A_24 = tpu.memref_squeeze %dma_start3A_23 : memref<1x128xi32, #tpu.memory_space<vmem>> -> memref<128xi32, #tpu.memory_space<vmem>>
    %dma_start3A_25 = arith.constant 0 : i32
    %dma_start3A_26 = arith.constant 0 : i32
    %dma_start3A_27 = tpu.memref_slice %arg2[%dma_start3A_25, %dma_start3A_26] : memref<20480x128xbf16, #tpu.memory_space<hbm>> -> memref<20480x128xbf16, #tpu.memory_space<hbm>>
    tpu.enqueue_indirect_dma source(%dma_start3A_27 : memref<20480x128xbf16, #tpu.memory_space<hbm>>) target(%arg12 : memref<128x128xbf16, #tpu.memory_space<vmem>>) offsets(%dma_start3A_24 : memref<128xi32, #tpu.memory_space<vmem>>) semaphore(%arg17 : memref<!tpu.dma_semaphore, #tpu.memory_space<semaphore_mem>>)
    %scan3A = arith.constant 0 : i32
    %scan3A_28 = arith.constant 0 : i32
    %scan3A_29 = arith.constant 40 : i32
    %scan3A_30 = arith.addi %scan3A_28, %scan3A_29 : i32
    %scan3A_31 = arith.constant 1 : i32
    %scan3A_32 = scf.for %scan3A_39 = %scan3A_28 to %scan3A_30 step %scan3A_31 iter_args(%scan3A_40 = %scan3A) -> (i32)  : i32 {
      %mul3A_41 = arith.constant 4 : i32
      %mul3A_42 = arith.muli %scan3A_39, %mul3A_41 : i32
      %add3A = arith.constant 0 : i32
      %add3A_43 = arith.addi %mul3A_42, %add3A : i32
      %dma_wait3A = arith.constant 0 : i32
      %dma_wait3A_44 = tpu.memref_slice %arg7[%add3A_43, %dma_wait3A] : memref<160x128xi32, #tpu.memory_space<vmem>> -> memref<1x128xi32, #tpu.memory_space<vmem>>
      %dma_wait3A_45 = tpu.memref_squeeze %dma_wait3A_44 : memref<1x128xi32, #tpu.memory_space<vmem>> -> memref<128xi32, #tpu.memory_space<vmem>>
      %dma_wait3A_46 = arith.constant 0 : i32
      %dma_wait3A_47 = arith.constant 0 : i32
      %dma_wait3A_48 = tpu.memref_slice %arg2[%dma_wait3A_46, %dma_wait3A_47] : memref<20480x128xbf16, #tpu.memory_space<hbm>> -> memref<20480x128xbf16, #tpu.memory_space<hbm>>
      tpu.wait_indirect_dma semaphore(%arg14 : memref<!tpu.dma_semaphore, #tpu.memory_space<semaphore_mem>>) src(%dma_wait3A_48 : memref<20480x128xbf16, #tpu.memory_space<hbm>>) dst(%arg9 : memref<128x128xbf16, #tpu.memory_space<vmem>>)
      "tpu.region"() ({
        %run_scoped3A = tpu.sem_alloc : memref<!tpu.dma_semaphore, #tpu.memory_space<semaphore_mem>>
        %dma_start3A_97 = arith.constant 0 : i32
        %dma_start3A_98 = tpu.memref_slice %arg8[%add3A_43, %dma_start3A_97] : memref<160x128xi32, #tpu.memory_space<vmem>> -> memref<1x128xi32, #tpu.memory_space<vmem>>
        %dma_start3A_99 = tpu.memref_squeeze %dma_start3A_98 : memref<1x128xi32, #tpu.memory_space<vmem>> -> memref<128xi32, #tpu.memory_space<vmem>>
        %dma_start3A_100 = arith.constant 0 : i32
        %dma_start3A_101 = arith.constant 0 : i32
        %dma_start3A_102 = tpu.memref_slice %arg13[%dma_start3A_100, %dma_start3A_101] : memref<10240x128xbf16, #tpu.memory_space<vmem_shared>> -> memref<10240x128xbf16, #tpu.memory_space<vmem_shared>>
        tpu.enqueue_indirect_dma source(%arg9 : memref<128x128xbf16, #tpu.memory_space<vmem>>) target(%dma_start3A_102 : memref<10240x128xbf16, #tpu.memory_space<vmem_shared>>) offsets(%dma_start3A_99 : memref<128xi32, #tpu.memory_space<vmem>>) semaphore(%run_scoped3A : memref<!tpu.dma_semaphore, #tpu.memory_space<semaphore_mem>>) {add = true}
        %dma_wait3A_103 = arith.constant 0 : i32
        %dma_wait3A_104 = tpu.memref_slice %arg8[%add3A_43, %dma_wait3A_103] : memref<160x128xi32, #tpu.memory_space<vmem>> -> memref<1x128xi32, #tpu.memory_space<vmem>>
        %dma_wait3A_105 = tpu.memref_squeeze %dma_wait3A_104 : memref<1x128xi32, #tpu.memory_space<vmem>> -> memref<128xi32, #tpu.memory_space<vmem>>
        %dma_wait3A_106 = arith.constant 0 : i32
        %dma_wait3A_107 = arith.constant 0 : i32
        %dma_wait3A_108 = tpu.memref_slice %arg13[%dma_wait3A_106, %dma_wait3A_107] : memref<10240x128xbf16, #tpu.memory_space<vmem_shared>> -> memref<10240x128xbf16, #tpu.memory_space<vmem_shared>>
        tpu.wait_indirect_dma semaphore(%run_scoped3A : memref<!tpu.dma_semaphore, #tpu.memory_space<semaphore_mem>>) src(%arg9 : memref<128x128xbf16, #tpu.memory_space<vmem>>) dst(%dma_wait3A_108 : memref<10240x128xbf16, #tpu.memory_space<vmem_shared>>)
        tpu.yield
      }) : () -> ()
      %lt3A = arith.constant 39 : i32
      %lt3A_49 = arith.cmpi slt, %scan3A_39, %lt3A : i32
      %convert_element_type3A = arith.extui %lt3A_49 : i1 to i32
      %cond3A = arith.constant 0 : i32
      %cond3A_50 = arith.cmpi ne, %convert_element_type3A, %cond3A : i32
      scf.if %cond3A_50 {
        %add3A_97 = arith.constant 4 : i32
        %add3A_98 = arith.addi %add3A_43, %add3A_97 : i32
        %dma_start3A_99 = arith.constant 0 : i32
        %dma_start3A_100 = tpu.memref_slice %arg7[%add3A_98, %dma_start3A_99] : memref<160x128xi32, #tpu.memory_space<vmem>> -> memref<1x128xi32, #tpu.memory_space<vmem>>
        %dma_start3A_101 = tpu.memref_squeeze %dma_start3A_100 : memref<1x128xi32, #tpu.memory_space<vmem>> -> memref<128xi32, #tpu.memory_space<vmem>>
        %dma_start3A_102 = arith.constant 0 : i32
        %dma_start3A_103 = arith.constant 0 : i32
        %dma_start3A_104 = tpu.memref_slice %arg2[%dma_start3A_102, %dma_start3A_103] : memref<20480x128xbf16, #tpu.memory_space<hbm>> -> memref<20480x128xbf16, #tpu.memory_space<hbm>>
        tpu.enqueue_indirect_dma source(%dma_start3A_104 : memref<20480x128xbf16, #tpu.memory_space<hbm>>) target(%arg9 : memref<128x128xbf16, #tpu.memory_space<vmem>>) offsets(%dma_start3A_101 : memref<128xi32, #tpu.memory_space<vmem>>) semaphore(%arg14 : memref<!tpu.dma_semaphore, #tpu.memory_space<semaphore_mem>>)
      } else {
      }
      %mul3A_51 = arith.constant 4 : i32
      %mul3A_52 = arith.muli %scan3A_39, %mul3A_51 : i32
      %add3A_53 = arith.constant 1 : i32
      %add3A_54 = arith.addi %mul3A_52, %add3A_53 : i32
      %dma_wait3A_55 = arith.constant 0 : i32
      %dma_wait3A_56 = tpu.memref_slice %arg7[%add3A_54, %dma_wait3A_55] : memref<160x128xi32, #tpu.memory_space<vmem>> -> memref<1x128xi32, #tpu.memory_space<vmem>>
      %dma_wait3A_57 = tpu.memref_squeeze %dma_wait3A_56 : memref<1x128xi32, #tpu.memory_space<vmem>> -> memref<128xi32, #tpu.memory_space<vmem>>
      %dma_wait3A_58 = arith.constant 0 : i32
      %dma_wait3A_59 = arith.constant 0 : i32
      %dma_wait3A_60 = tpu.memref_slice %arg2[%dma_wait3A_58, %dma_wait3A_59] : memref<20480x128xbf16, #tpu.memory_space<hbm>> -> memref<20480x128xbf16, #tpu.memory_space<hbm>>
      tpu.wait_indirect_dma semaphore(%arg15 : memref<!tpu.dma_semaphore, #tpu.memory_space<semaphore_mem>>) src(%dma_wait3A_60 : memref<20480x128xbf16, #tpu.memory_space<hbm>>) dst(%arg10 : memref<128x128xbf16, #tpu.memory_space<vmem>>)
      "tpu.region"() ({
        %run_scoped3A = tpu.sem_alloc : memref<!tpu.dma_semaphore, #tpu.memory_space<semaphore_mem>>
        %dma_start3A_97 = arith.constant 0 : i32
        %dma_start3A_98 = tpu.memref_slice %arg8[%add3A_54, %dma_start3A_97] : memref<160x128xi32, #tpu.memory_space<vmem>> -> memref<1x128xi32, #tpu.memory_space<vmem>>
        %dma_start3A_99 = tpu.memref_squeeze %dma_start3A_98 : memref<1x128xi32, #tpu.memory_space<vmem>> -> memref<128xi32, #tpu.memory_space<vmem>>
        %dma_start3A_100 = arith.constant 0 : i32
        %dma_start3A_101 = arith.constant 0 : i32
        %dma_start3A_102 = tpu.memref_slice %arg13[%dma_start3A_100, %dma_start3A_101] : memref<10240x128xbf16, #tpu.memory_space<vmem_shared>> -> memref<10240x128xbf16, #tpu.memory_space<vmem_shared>>
        tpu.enqueue_indirect_dma source(%arg10 : memref<128x128xbf16, #tpu.memory_space<vmem>>) target(%dma_start3A_102 : memref<10240x128xbf16, #tpu.memory_space<vmem_shared>>) offsets(%dma_start3A_99 : memref<128xi32, #tpu.memory_space<vmem>>) semaphore(%run_scoped3A : memref<!tpu.dma_semaphore, #tpu.memory_space<semaphore_mem>>) {add = true}
        %dma_wait3A_103 = arith.constant 0 : i32
        %dma_wait3A_104 = tpu.memref_slice %arg8[%add3A_54, %dma_wait3A_103] : memref<160x128xi32, #tpu.memory_space<vmem>> -> memref<1x128xi32, #tpu.memory_space<vmem>>
        %dma_wait3A_105 = tpu.memref_squeeze %dma_wait3A_104 : memref<1x128xi32, #tpu.memory_space<vmem>> -> memref<128xi32, #tpu.memory_space<vmem>>
        %dma_wait3A_106 = arith.constant 0 : i32
        %dma_wait3A_107 = arith.constant 0 : i32
        %dma_wait3A_108 = tpu.memref_slice %arg13[%dma_wait3A_106, %dma_wait3A_107] : memref<10240x128xbf16, #tpu.memory_space<vmem_shared>> -> memref<10240x128xbf16, #tpu.memory_space<vmem_shared>>
        tpu.wait_indirect_dma semaphore(%run_scoped3A : memref<!tpu.dma_semaphore, #tpu.memory_space<semaphore_mem>>) src(%arg10 : memref<128x128xbf16, #tpu.memory_space<vmem>>) dst(%dma_wait3A_108 : memref<10240x128xbf16, #tpu.memory_space<vmem_shared>>)
        tpu.yield
      }) : () -> ()
      %lt3A_61 = arith.constant 39 : i32
      %lt3A_62 = arith.cmpi slt, %scan3A_39, %lt3A_61 : i32
      %convert_element_type3A_63 = arith.extui %lt3A_62 : i1 to i32
      %cond3A_64 = arith.constant 0 : i32
      %cond3A_65 = arith.cmpi ne, %convert_element_type3A_63, %cond3A_64 : i32
      scf.if %cond3A_65 {
        %add3A_97 = arith.constant 4 : i32
        %add3A_98 = arith.addi %add3A_54, %add3A_97 : i32
        %dma_start3A_99 = arith.constant 0 : i32
        %dma_start3A_100 = tpu.memref_slice %arg7[%add3A_98, %dma_start3A_99] : memref<160x128xi32, #tpu.memory_space<vmem>> -> memref<1x128xi32, #tpu.memory_space<vmem>>
        %dma_start3A_101 = tpu.memref_squeeze %dma_start3A_100 : memref<1x128xi32, #tpu.memory_space<vmem>> -> memref<128xi32, #tpu.memory_space<vmem>>
        %dma_start3A_102 = arith.constant 0 : i32
        %dma_start3A_103 = arith.constant 0 : i32
        %dma_start3A_104 = tpu.memref_slice %arg2[%dma_start3A_102, %dma_start3A_103] : memref<20480x128xbf16, #tpu.memory_space<hbm>> -> memref<20480x128xbf16, #tpu.memory_space<hbm>>
        tpu.enqueue_indirect_dma source(%dma_start3A_104 : memref<20480x128xbf16, #tpu.memory_space<hbm>>) target(%arg10 : memref<128x128xbf16, #tpu.memory_space<vmem>>) offsets(%dma_start3A_101 : memref<128xi32, #tpu.memory_space<vmem>>) semaphore(%arg15 : memref<!tpu.dma_semaphore, #tpu.memory_space<semaphore_mem>>)
      } else {
      }
      %mul3A_66 = arith.constant 4 : i32
      %mul3A_67 = arith.muli %scan3A_39, %mul3A_66 : i32
      %add3A_68 = arith.constant 2 : i32
      %add3A_69 = arith.addi %mul3A_67, %add3A_68 : i32
      %dma_wait3A_70 = arith.constant 0 : i32
      %dma_wait3A_71 = tpu.memref_slice %arg7[%add3A_69, %dma_wait3A_70] : memref<160x128xi32, #tpu.memory_space<vmem>> -> memref<1x128xi32, #tpu.memory_space<vmem>>
      %dma_wait3A_72 = tpu.memref_squeeze %dma_wait3A_71 : memref<1x128xi32, #tpu.memory_space<vmem>> -> memref<128xi32, #tpu.memory_space<vmem>>
      %dma_wait3A_73 = arith.constant 0 : i32
      %dma_wait3A_74 = arith.constant 0 : i32
      %dma_wait3A_75 = tpu.memref_slice %arg2[%dma_wait3A_73, %dma_wait3A_74] : memref<20480x128xbf16, #tpu.memory_space<hbm>> -> memref<20480x128xbf16, #tpu.memory_space<hbm>>
      tpu.wait_indirect_dma semaphore(%arg16 : memref<!tpu.dma_semaphore, #tpu.memory_space<semaphore_mem>>) src(%dma_wait3A_75 : memref<20480x128xbf16, #tpu.memory_space<hbm>>) dst(%arg11 : memref<128x128xbf16, #tpu.memory_space<vmem>>)
      "tpu.region"() ({
        %run_scoped3A = tpu.sem_alloc : memref<!tpu.dma_semaphore, #tpu.memory_space<semaphore_mem>>
        %dma_start3A_97 = arith.constant 0 : i32
        %dma_start3A_98 = tpu.memref_slice %arg8[%add3A_69, %dma_start3A_97] : memref<160x128xi32, #tpu.memory_space<vmem>> -> memref<1x128xi32, #tpu.memory_space<vmem>>
        %dma_start3A_99 = tpu.memref_squeeze %dma_start3A_98 : memref<1x128xi32, #tpu.memory_space<vmem>> -> memref<128xi32, #tpu.memory_space<vmem>>
        %dma_start3A_100 = arith.constant 0 : i32
        %dma_start3A_101 = arith.constant 0 : i32
        %dma_start3A_102 = tpu.memref_slice %arg13[%dma_start3A_100, %dma_start3A_101] : memref<10240x128xbf16, #tpu.memory_space<vmem_shared>> -> memref<10240x128xbf16, #tpu.memory_space<vmem_shared>>
        tpu.enqueue_indirect_dma source(%arg11 : memref<128x128xbf16, #tpu.memory_space<vmem>>) target(%dma_start3A_102 : memref<10240x128xbf16, #tpu.memory_space<vmem_shared>>) offsets(%dma_start3A_99 : memref<128xi32, #tpu.memory_space<vmem>>) semaphore(%run_scoped3A : memref<!tpu.dma_semaphore, #tpu.memory_space<semaphore_mem>>) {add = true}
        %dma_wait3A_103 = arith.constant 0 : i32
        %dma_wait3A_104 = tpu.memref_slice %arg8[%add3A_69, %dma_wait3A_103] : memref<160x128xi32, #tpu.memory_space<vmem>> -> memref<1x128xi32, #tpu.memory_space<vmem>>
        %dma_wait3A_105 = tpu.memref_squeeze %dma_wait3A_104 : memref<1x128xi32, #tpu.memory_space<vmem>> -> memref<128xi32, #tpu.memory_space<vmem>>
        %dma_wait3A_106 = arith.constant 0 : i32
        %dma_wait3A_107 = arith.constant 0 : i32
        %dma_wait3A_108 = tpu.memref_slice %arg13[%dma_wait3A_106, %dma_wait3A_107] : memref<10240x128xbf16, #tpu.memory_space<vmem_shared>> -> memref<10240x128xbf16, #tpu.memory_space<vmem_shared>>
        tpu.wait_indirect_dma semaphore(%run_scoped3A : memref<!tpu.dma_semaphore, #tpu.memory_space<semaphore_mem>>) src(%arg11 : memref<128x128xbf16, #tpu.memory_space<vmem>>) dst(%dma_wait3A_108 : memref<10240x128xbf16, #tpu.memory_space<vmem_shared>>)
        tpu.yield
      }) : () -> ()
      %lt3A_76 = arith.constant 39 : i32
      %lt3A_77 = arith.cmpi slt, %scan3A_39, %lt3A_76 : i32
      %convert_element_type3A_78 = arith.extui %lt3A_77 : i1 to i32
      %cond3A_79 = arith.constant 0 : i32
      %cond3A_80 = arith.cmpi ne, %convert_element_type3A_78, %cond3A_79 : i32
      scf.if %cond3A_80 {
        %add3A_97 = arith.constant 4 : i32
        %add3A_98 = arith.addi %add3A_69, %add3A_97 : i32
        %dma_start3A_99 = arith.constant 0 : i32
        %dma_start3A_100 = tpu.memref_slice %arg7[%add3A_98, %dma_start3A_99] : memref<160x128xi32, #tpu.memory_space<vmem>> -> memref<1x128xi32, #tpu.memory_space<vmem>>
        %dma_start3A_101 = tpu.memref_squeeze %dma_start3A_100 : memref<1x128xi32, #tpu.memory_space<vmem>> -> memref<128xi32, #tpu.memory_space<vmem>>
        %dma_start3A_102 = arith.constant 0 : i32
        %dma_start3A_103 = arith.constant 0 : i32
        %dma_start3A_104 = tpu.memref_slice %arg2[%dma_start3A_102, %dma_start3A_103] : memref<20480x128xbf16, #tpu.memory_space<hbm>> -> memref<20480x128xbf16, #tpu.memory_space<hbm>>
        tpu.enqueue_indirect_dma source(%dma_start3A_104 : memref<20480x128xbf16, #tpu.memory_space<hbm>>) target(%arg11 : memref<128x128xbf16, #tpu.memory_space<vmem>>) offsets(%dma_start3A_101 : memref<128xi32, #tpu.memory_space<vmem>>) semaphore(%arg16 : memref<!tpu.dma_semaphore, #tpu.memory_space<semaphore_mem>>)
      } else {
      }
      %mul3A_81 = arith.constant 4 : i32
      %mul3A_82 = arith.muli %scan3A_39, %mul3A_81 : i32
      %add3A_83 = arith.constant 3 : i32
      %add3A_84 = arith.addi %mul3A_82, %add3A_83 : i32
      %dma_wait3A_85 = arith.constant 0 : i32
      %dma_wait3A_86 = tpu.memref_slice %arg7[%add3A_84, %dma_wait3A_85] : memref<160x128xi32, #tpu.memory_space<vmem>> -> memref<1x128xi32, #tpu.memory_space<vmem>>
      %dma_wait3A_87 = tpu.memref_squeeze %dma_wait3A_86 : memref<1x128xi32, #tpu.memory_space<vmem>> -> memref<128xi32, #tpu.memory_space<vmem>>
      %dma_wait3A_88 = arith.constant 0 : i32
      %dma_wait3A_89 = arith.constant 0 : i32
      %dma_wait3A_90 = tpu.memref_slice %arg2[%dma_wait3A_88, %dma_wait3A_89] : memref<20480x128xbf16, #tpu.memory_space<hbm>> -> memref<20480x128xbf16, #tpu.memory_space<hbm>>
      tpu.wait_indirect_dma semaphore(%arg17 : memref<!tpu.dma_semaphore, #tpu.memory_space<semaphore_mem>>) src(%dma_wait3A_90 : memref<20480x128xbf16, #tpu.memory_space<hbm>>) dst(%arg12 : memref<128x128xbf16, #tpu.memory_space<vmem>>)
      "tpu.region"() ({
        %run_scoped3A = tpu.sem_alloc : memref<!tpu.dma_semaphore, #tpu.memory_space<semaphore_mem>>
        %dma_start3A_97 = arith.constant 0 : i32
        %dma_start3A_98 = tpu.memref_slice %arg8[%add3A_84, %dma_start3A_97] : memref<160x128xi32, #tpu.memory_space<vmem>> -> memref<1x128xi32, #tpu.memory_space<vmem>>
        %dma_start3A_99 = tpu.memref_squeeze %dma_start3A_98 : memref<1x128xi32, #tpu.memory_space<vmem>> -> memref<128xi32, #tpu.memory_space<vmem>>
        %dma_start3A_100 = arith.constant 0 : i32
        %dma_start3A_101 = arith.constant 0 : i32
        %dma_start3A_102 = tpu.memref_slice %arg13[%dma_start3A_100, %dma_start3A_101] : memref<10240x128xbf16, #tpu.memory_space<vmem_shared>> -> memref<10240x128xbf16, #tpu.memory_space<vmem_shared>>
        tpu.enqueue_indirect_dma source(%arg12 : memref<128x128xbf16, #tpu.memory_space<vmem>>) target(%dma_start3A_102 : memref<10240x128xbf16, #tpu.memory_space<vmem_shared>>) offsets(%dma_start3A_99 : memref<128xi32, #tpu.memory_space<vmem>>) semaphore(%run_scoped3A : memref<!tpu.dma_semaphore, #tpu.memory_space<semaphore_mem>>) {add = true}
        %dma_wait3A_103 = arith.constant 0 : i32
        %dma_wait3A_104 = tpu.memref_slice %arg8[%add3A_84, %dma_wait3A_103] : memref<160x128xi32, #tpu.memory_space<vmem>> -> memref<1x128xi32, #tpu.memory_space<vmem>>
        %dma_wait3A_105 = tpu.memref_squeeze %dma_wait3A_104 : memref<1x128xi32, #tpu.memory_space<vmem>> -> memref<128xi32, #tpu.memory_space<vmem>>
        %dma_wait3A_106 = arith.constant 0 : i32
        %dma_wait3A_107 = arith.constant 0 : i32
        %dma_wait3A_108 = tpu.memref_slice %arg13[%dma_wait3A_106, %dma_wait3A_107] : memref<10240x128xbf16, #tpu.memory_space<vmem_shared>> -> memref<10240x128xbf16, #tpu.memory_space<vmem_shared>>
        tpu.wait_indirect_dma semaphore(%run_scoped3A : memref<!tpu.dma_semaphore, #tpu.memory_space<semaphore_mem>>) src(%arg12 : memref<128x128xbf16, #tpu.memory_space<vmem>>) dst(%dma_wait3A_108 : memref<10240x128xbf16, #tpu.memory_space<vmem_shared>>)
        tpu.yield
      }) : () -> ()
      %lt3A_91 = arith.constant 39 : i32
      %lt3A_92 = arith.cmpi slt, %scan3A_39, %lt3A_91 : i32
      %convert_element_type3A_93 = arith.extui %lt3A_92 : i1 to i32
      %cond3A_94 = arith.constant 0 : i32
      %cond3A_95 = arith.cmpi ne, %convert_element_type3A_93, %cond3A_94 : i32
      scf.if %cond3A_95 {
        %add3A_97 = arith.constant 4 : i32
        %add3A_98 = arith.addi %add3A_84, %add3A_97 : i32
        %dma_start3A_99 = arith.constant 0 : i32
        %dma_start3A_100 = tpu.memref_slice %arg7[%add3A_98, %dma_start3A_99] : memref<160x128xi32, #tpu.memory_space<vmem>> -> memref<1x128xi32, #tpu.memory_space<vmem>>
        %dma_start3A_101 = tpu.memref_squeeze %dma_start3A_100 : memref<1x128xi32, #tpu.memory_space<vmem>> -> memref<128xi32, #tpu.memory_space<vmem>>
        %dma_start3A_102 = arith.constant 0 : i32
        %dma_start3A_103 = arith.constant 0 : i32
        %dma_start3A_104 = tpu.memref_slice %arg2[%dma_start3A_102, %dma_start3A_103] : memref<20480x128xbf16, #tpu.memory_space<hbm>> -> memref<20480x128xbf16, #tpu.memory_space<hbm>>
        tpu.enqueue_indirect_dma source(%dma_start3A_104 : memref<20480x128xbf16, #tpu.memory_space<hbm>>) target(%arg12 : memref<128x128xbf16, #tpu.memory_space<vmem>>) offsets(%dma_start3A_101 : memref<128xi32, #tpu.memory_space<vmem>>) semaphore(%arg17 : memref<!tpu.dma_semaphore, #tpu.memory_space<semaphore_mem>>)
      } else {
      }
      %scan3A_96 = arith.constant 0 : i32
      scf.yield %scan3A_96 : i32
    }
    %scan3A_33 = arith.constant 40 : i32
    %barrier3A_34 = arith.constant 0 : index
    tpu.barrier barrier_id(%barrier3A_34)
    %mul3A_35 = arith.constant 640 : i32
    %mul3A_36 = arith.muli %arg1, %mul3A_35 : i32
    %mul3A_37 = arith.constant 640 : i32
    %mul3A_38 = arith.muli %arg1, %mul3A_37 : i32
    "tpu.region"() ({
      %run_scoped3A = tpu.sem_alloc : memref<!tpu.dma_semaphore, #tpu.memory_space<semaphore_mem>>
      %dma_start3A_39 = arith.constant 0 : i32
      %dma_start3A_40 = tpu.memref_slice %arg6[%arg0, %mul3A_38, %dma_start3A_39] : memref<2x10240x128xbf16, #tpu.memory_space<hbm>> -> memref<1x640x128xbf16, #tpu.memory_space<hbm>>
      %dma_start3A_41 = tpu.memref_squeeze %dma_start3A_40 : memref<1x640x128xbf16, #tpu.memory_space<hbm>> -> memref<640x128xbf16, #tpu.memory_space<hbm>>
      %dma_start3A_42 = arith.constant 0 : i32
      %dma_start3A_43 = tpu.memref_slice %arg13[%mul3A_36, %dma_start3A_42] : memref<10240x128xbf16, #tpu.memory_space<vmem_shared>> -> memref<640x128xbf16, #tpu.memory_space<vmem_shared>>
      tpu.enqueue_dma source(%dma_start3A_43 : memref<640x128xbf16, #tpu.memory_space<vmem_shared>>) target(%dma_start3A_41 : memref<640x128xbf16, #tpu.memory_space<hbm>>) target_semaphore(%run_scoped3A : memref<!tpu.dma_semaphore, #tpu.memory_space<semaphore_mem>>)
      %dma_wait3A = arith.constant 0 : i32
      %dma_wait3A_44 = tpu.memref_slice %arg6[%arg0, %mul3A_38, %dma_wait3A] : memref<2x10240x128xbf16, #tpu.memory_space<hbm>> -> memref<1x640x128xbf16, #tpu.memory_space<hbm>>
      %dma_wait3A_45 = tpu.memref_squeeze %dma_wait3A_44 : memref<1x640x128xbf16, #tpu.memory_space<hbm>> -> memref<640x128xbf16, #tpu.memory_space<hbm>>
      %dma_wait3A_46 = arith.constant 0 : i32
      %dma_wait3A_47 = tpu.memref_slice %arg13[%mul3A_36, %dma_wait3A_46] : memref<10240x128xbf16, #tpu.memory_space<vmem_shared>> -> memref<640x128xbf16, #tpu.memory_space<vmem_shared>>
      tpu.wait_dma2 semaphore(%run_scoped3A : memref<!tpu.dma_semaphore, #tpu.memory_space<semaphore_mem>>) src(%dma_wait3A_47 : memref<640x128xbf16, #tpu.memory_space<vmem_shared>>) dst(%dma_wait3A_45 : memref<640x128xbf16, #tpu.memory_space<hbm>>)
      tpu.yield
    }) : () -> ()
    return
  }
}

#map = affine_map<(d0, d1) -> (0, 0)>
module attributes {stable_mosaic.version = 14 : i64} {
  func.func @_deg_call(%arg0: i32, %arg1: i32, %arg2: memref<32x10240xi32, #tpu.memory_space<hbm>>, %arg3: memref<32x10240xf32, #tpu.memory_space<hbm>>, %arg4: memref<10240xi32, #tpu.memory_space<vmem>>, %arg5: memref<10240xf32, #tpu.memory_space<vmem>>) attributes {dimension_semantics = [#tpu.dimension_semantics<core_parallel>, #tpu.dimension_semantics<subcore_parallel>], iteration_bounds = array<i64: 2, 16>, scalar_prefetch = 0 : i64, scratch_operands = 2 : i64, tpu.core_type = #tpu.core_type<sc_vector_subcore>, window_params = [{transform_indices = #map}, {transform_indices = #map}]} {
    %mul3A = arith.constant 2 : i32
    %mul3A_0 = arith.muli %arg1, %mul3A : i32
    %add3A = arith.addi %mul3A_0, %arg0 : i32
    %broadcast_in_dim3A = arith.constant 0.000000e+00 : f32
    %broadcast_in_dim3A_1 = vector.broadcast %broadcast_in_dim3A : f32 to vector<16xf32>
    %scan3A = arith.constant 0 : i32
    %scan3A_2 = arith.constant 0 : i32
    %scan3A_3 = arith.constant 640 : i32
    %scan3A_4 = arith.addi %scan3A_2, %scan3A_3 : i32
    %scan3A_5 = arith.constant 1 : i32
    %scan3A_6 = scf.for %scan3A_17 = %scan3A_2 to %scan3A_4 step %scan3A_5 iter_args(%scan3A_18 = %scan3A) -> (i32)  : i32 {
      %mul3A_19 = arith.constant 16 : i32
      %mul3A_20 = arith.muli %scan3A_17, %mul3A_19 : i32
      %swap3A = arith.index_cast %mul3A_20 : i32 to index
      %swap3A_21 = tpu.vector_load %arg5[%swap3A] {strides = array<i32>} : memref<10240xf32, #tpu.memory_space<vmem>>, vector<16xf32>,
      tpu.vector_store %arg5[%swap3A], %broadcast_in_dim3A_1 {strides = array<i32>} : memref<10240xf32, #tpu.memory_space<vmem>>, vector<16xf32>,
      %scan3A_22 = arith.constant 0 : i32
      scf.yield %scan3A_22 : i32
    }
    %scan3A_7 = arith.constant 640 : i32
    "tpu.region"() ({
      %run_scoped3A = tpu.sem_alloc : memref<!tpu.dma_semaphore, #tpu.memory_space<semaphore_mem>>
      %dma_start3A = arith.constant 0 : i32
      %dma_start3A_17 = tpu.memref_slice %arg2[%add3A, %dma_start3A] : memref<32x10240xi32, #tpu.memory_space<hbm>> -> memref<1x10240xi32, #tpu.memory_space<hbm>>
      %dma_start3A_18 = tpu.memref_squeeze %dma_start3A_17 : memref<1x10240xi32, #tpu.memory_space<hbm>> -> memref<10240xi32, #tpu.memory_space<hbm>>
      %dma_start3A_19 = arith.constant 0 : i32
      %dma_start3A_20 = tpu.memref_slice %arg2[%add3A, %dma_start3A_19] : memref<32x10240xi32, #tpu.memory_space<hbm>> -> memref<1x10240xi32, #tpu.memory_space<hbm>>
      %dma_start3A_21 = tpu.memref_squeeze %dma_start3A_20 : memref<1x10240xi32, #tpu.memory_space<hbm>> -> memref<10240xi32, #tpu.memory_space<hbm>>
      tpu.enqueue_dma source(%dma_start3A_21 : memref<10240xi32, #tpu.memory_space<hbm>>) target(%arg4 : memref<10240xi32, #tpu.memory_space<vmem>>) target_semaphore(%run_scoped3A : memref<!tpu.dma_semaphore, #tpu.memory_space<semaphore_mem>>)
      %dma_wait3A = arith.constant 0 : i32
      %dma_wait3A_22 = tpu.memref_slice %arg2[%add3A, %dma_wait3A] : memref<32x10240xi32, #tpu.memory_space<hbm>> -> memref<1x10240xi32, #tpu.memory_space<hbm>>
      %dma_wait3A_23 = tpu.memref_squeeze %dma_wait3A_22 : memref<1x10240xi32, #tpu.memory_space<hbm>> -> memref<10240xi32, #tpu.memory_space<hbm>>
      %dma_wait3A_24 = arith.constant 0 : i32
      %dma_wait3A_25 = tpu.memref_slice %arg2[%add3A, %dma_wait3A_24] : memref<32x10240xi32, #tpu.memory_space<hbm>> -> memref<1x10240xi32, #tpu.memory_space<hbm>>
      %dma_wait3A_26 = tpu.memref_squeeze %dma_wait3A_25 : memref<1x10240xi32, #tpu.memory_space<hbm>> -> memref<10240xi32, #tpu.memory_space<hbm>>
      tpu.wait_dma2 semaphore(%run_scoped3A : memref<!tpu.dma_semaphore, #tpu.memory_space<semaphore_mem>>) src(%dma_wait3A_26 : memref<10240xi32, #tpu.memory_space<hbm>>) dst(%arg4 : memref<10240xi32, #tpu.memory_space<vmem>>)
      tpu.yield
    }) : () -> ()
    %broadcast_in_dim3A_8 = arith.constant 1.000000e+00 : f32
    %broadcast_in_dim3A_9 = vector.broadcast %broadcast_in_dim3A_8 : f32 to vector<16xf32>
    %scan3A_10 = arith.constant 0 : i32
    %scan3A_11 = arith.constant 0 : i32
    %scan3A_12 = arith.constant 640 : i32
    %scan3A_13 = arith.addi %scan3A_11, %scan3A_12 : i32
    %scan3A_14 = arith.constant 1 : i32
    %scan3A_15 = scf.for %scan3A_17 = %scan3A_11 to %scan3A_13 step %scan3A_14 iter_args(%scan3A_18 = %scan3A_10) -> (i32)  : i32 {
      %mul3A_19 = arith.constant 16 : i32
      %mul3A_20 = arith.muli %scan3A_17, %mul3A_19 : i32
      %get3A = arith.index_cast %mul3A_20 : i32 to index
      %get3A_21 = tpu.vector_load %arg4[%get3A] {strides = array<i32>} : memref<10240xi32, #tpu.memory_space<vmem>>, vector<16xi32>,
      tpu.vector_store_idx %arg5[%get3A_21], %broadcast_in_dim3A_9 {add = true} : memref<10240xf32, #tpu.memory_space<vmem>>[vector<16xi32>], vector<16xf32>,
      %scan3A_22 = arith.constant 0 : i32
      scf.yield %scan3A_22 : i32
    }
    %scan3A_16 = arith.constant 640 : i32
    "tpu.region"() ({
      %run_scoped3A = tpu.sem_alloc : memref<!tpu.dma_semaphore, #tpu.memory_space<semaphore_mem>>
      %dma_start3A = arith.constant 0 : i32
      %dma_start3A_17 = tpu.memref_slice %arg3[%add3A, %dma_start3A] : memref<32x10240xf32, #tpu.memory_space<hbm>> -> memref<1x10240xf32, #tpu.memory_space<hbm>>
      %dma_start3A_18 = tpu.memref_squeeze %dma_start3A_17 : memref<1x10240xf32, #tpu.memory_space<hbm>> -> memref<10240xf32, #tpu.memory_space<hbm>>
      %dma_start3A_19 = arith.constant 0 : i32
      %dma_start3A_20 = tpu.memref_slice %arg3[%add3A, %dma_start3A_19] : memref<32x10240xf32, #tpu.memory_space<hbm>> -> memref<1x10240xf32, #tpu.memory_space<hbm>>
      %dma_start3A_21 = tpu.memref_squeeze %dma_start3A_20 : memref<1x10240xf32, #tpu.memory_space<hbm>> -> memref<10240xf32, #tpu.memory_space<hbm>>
      tpu.enqueue_dma source(%arg5 : memref<10240xf32, #tpu.memory_space<vmem>>) target(%dma_start3A_21 : memref<10240xf32, #tpu.memory_space<hbm>>) target_semaphore(%run_scoped3A : memref<!tpu.dma_semaphore, #tpu.memory_space<semaphore_mem>>)
      %dma_wait3A = arith.constant 0 : i32
      %dma_wait3A_22 = tpu.memref_slice %arg3[%add3A, %dma_wait3A] : memref<32x10240xf32, #tpu.memory_space<hbm>> -> memref<1x10240xf32, #tpu.memory_space<hbm>>
      %dma_wait3A_23 = tpu.memref_squeeze %dma_wait3A_22 : memref<1x10240xf32, #tpu.memory_space<hbm>> -> memref<10240xf32, #tpu.memory_space<hbm>>
      %dma_wait3A_24 = arith.constant 0 : i32
      %dma_wait3A_25 = tpu.memref_slice %arg3[%add3A, %dma_wait3A_24] : memref<32x10240xf32, #tpu.memory_space<hbm>> -> memref<1x10240xf32, #tpu.memory_space<hbm>>
      %dma_wait3A_26 = tpu.memref_squeeze %dma_wait3A_25 : memref<1x10240xf32, #tpu.memory_space<hbm>> -> memref<10240xf32, #tpu.memory_space<hbm>>
      tpu.wait_dma2 semaphore(%run_scoped3A : memref<!tpu.dma_semaphore, #tpu.memory_space<semaphore_mem>>) src(%arg5 : memref<10240xf32, #tpu.memory_space<vmem>>) dst(%dma_wait3A_26 : memref<10240xf32, #tpu.memory_space<hbm>>)
      tpu.yield
    }) : () -> ()
    return
  }
}

#map = affine_map<(d0, d1) -> (0, 0)>
#map1 = affine_map<(d0, d1) -> (0, 0, 0, 0)>
#map2 = affine_map<(d0, d1) -> (0, 0, 0)>
module attributes {stable_mosaic.version = 14 : i64} {
  func.func @_scat_call(%arg0: i32, %arg1: i32, %arg2: memref<20480x128xbf16, #tpu.memory_space<hbm>>, %arg3: memref<2x16x160x128xi32, #tpu.memory_space<hbm>>, %arg4: memref<16x160x128xi32, #tpu.memory_space<hbm>>, %arg5: memref<640x128xbf16, #tpu.memory_space<hbm>>, %arg6: memref<2x10240x128xbf16, #tpu.memory_space<hbm>>, %arg7: memref<160x128xi32, #tpu.memory_space<vmem>>, %arg8: memref<160x128xi32, #tpu.memory_space<vmem>>, %arg9: memref<128x128xbf16, #tpu.memory_space<vmem>>, %arg10: memref<128x128xbf16, #tpu.memory_space<vmem>>, %arg11: memref<128x128xbf16, #tpu.memory_space<vmem>>, %arg12: memref<128x128xbf16, #tpu.memory_space<vmem>>, %arg13: memref<10240x128xbf16, #tpu.memory_space<vmem_shared>>, %arg14: memref<!tpu.dma_semaphore, #tpu.memory_space<semaphore_mem>>, %arg15: memref<!tpu.dma_semaphore, #tpu.memory_space<semaphore_mem>>, %arg16: memref<!tpu.dma_semaphore, #tpu.memory_space<semaphore_mem>>, %arg17: memref<!tpu.dma_semaphore, #tpu.memory_space<semaphore_mem>>) attributes {dimension_semantics = [#tpu.dimension_semantics<core_parallel>, #tpu.dimension_semantics<subcore_parallel>], iteration_bounds = array<i64: 2, 16>, scalar_prefetch = 0 : i64, scratch_operands = 11 : i64, tpu.core_type = #tpu.core_type<sc_vector_subcore>, window_params = [{transform_indices = #map}, {transform_indices = #map1}, {transform_indices = #map2}, {transform_indices = #map}, {transform_indices = #map2}]} {
    "tpu.region"() ({
      %run_scoped3A = tpu.sem_alloc : memref<!tpu.dma_semaphore, #tpu.memory_space<semaphore_mem>>
      %dma_start3A_39 = arith.constant 0 : i32
      %dma_start3A_40 = arith.constant 0 : i32
      %dma_start3A_41 = tpu.memref_slice %arg4[%arg1, %dma_start3A_39, %dma_start3A_40] : memref<16x160x128xi32, #tpu.memory_space<hbm>> -> memref<1x160x128xi32, #tpu.memory_space<hbm>>
      %dma_start3A_42 = tpu.memref_squeeze %dma_start3A_41 : memref<1x160x128xi32, #tpu.memory_space<hbm>> -> memref<160x128xi32, #tpu.memory_space<hbm>>
      %dma_start3A_43 = arith.constant 0 : i32
      %dma_start3A_44 = arith.constant 0 : i32
      %dma_start3A_45 = tpu.memref_slice %arg4[%arg1, %dma_start3A_43, %dma_start3A_44] : memref<16x160x128xi32, #tpu.memory_space<hbm>> -> memref<1x160x128xi32, #tpu.memory_space<hbm>>
      %dma_start3A_46 = tpu.memref_squeeze %dma_start3A_45 : memref<1x160x128xi32, #tpu.memory_space<hbm>> -> memref<160x128xi32, #tpu.memory_space<hbm>>
      tpu.enqueue_dma source(%dma_start3A_46 : memref<160x128xi32, #tpu.memory_space<hbm>>) target(%arg8 : memref<160x128xi32, #tpu.memory_space<vmem>>) target_semaphore(%run_scoped3A : memref<!tpu.dma_semaphore, #tpu.memory_space<semaphore_mem>>)
      %dma_wait3A = arith.constant 0 : i32
      %dma_wait3A_47 = arith.constant 0 : i32
      %dma_wait3A_48 = tpu.memref_slice %arg4[%arg1, %dma_wait3A, %dma_wait3A_47] : memref<16x160x128xi32, #tpu.memory_space<hbm>> -> memref<1x160x128xi32, #tpu.memory_space<hbm>>
      %dma_wait3A_49 = tpu.memref_squeeze %dma_wait3A_48 : memref<1x160x128xi32, #tpu.memory_space<hbm>> -> memref<160x128xi32, #tpu.memory_space<hbm>>
      %dma_wait3A_50 = arith.constant 0 : i32
      %dma_wait3A_51 = arith.constant 0 : i32
      %dma_wait3A_52 = tpu.memref_slice %arg4[%arg1, %dma_wait3A_50, %dma_wait3A_51] : memref<16x160x128xi32, #tpu.memory_space<hbm>> -> memref<1x160x128xi32, #tpu.memory_space<hbm>>
      %dma_wait3A_53 = tpu.memref_squeeze %dma_wait3A_52 : memref<1x160x128xi32, #tpu.memory_space<hbm>> -> memref<160x128xi32, #tpu.memory_space<hbm>>
      tpu.wait_dma2 semaphore(%run_scoped3A : memref<!tpu.dma_semaphore, #tpu.memory_space<semaphore_mem>>) src(%dma_wait3A_53 : memref<160x128xi32, #tpu.memory_space<hbm>>) dst(%arg8 : memref<160x128xi32, #tpu.memory_space<vmem>>)
      tpu.yield
    }) : () -> ()
    "tpu.region"() ({
      %run_scoped3A = tpu.sem_alloc : memref<!tpu.dma_semaphore, #tpu.memory_space<semaphore_mem>>
      %dma_start3A_39 = arith.constant 0 : i32
      %dma_start3A_40 = arith.constant 0 : i32
      %dma_start3A_41 = tpu.memref_slice %arg3[%arg0, %arg1, %dma_start3A_39, %dma_start3A_40] : memref<2x16x160x128xi32, #tpu.memory_space<hbm>> -> memref<1x1x160x128xi32, #tpu.memory_space<hbm>>
      %dma_start3A_42 = tpu.memref_squeeze %dma_start3A_41 : memref<1x1x160x128xi32, #tpu.memory_space<hbm>> -> memref<160x128xi32, #tpu.memory_space<hbm>>
      %dma_start3A_43 = arith.constant 0 : i32
      %dma_start3A_44 = arith.constant 0 : i32
      %dma_start3A_45 = tpu.memref_slice %arg3[%arg0, %arg1, %dma_start3A_43, %dma_start3A_44] : memref<2x16x160x128xi32, #tpu.memory_space<hbm>> -> memref<1x1x160x128xi32, #tpu.memory_space<hbm>>
      %dma_start3A_46 = tpu.memref_squeeze %dma_start3A_45 : memref<1x1x160x128xi32, #tpu.memory_space<hbm>> -> memref<160x128xi32, #tpu.memory_space<hbm>>
      tpu.enqueue_dma source(%dma_start3A_46 : memref<160x128xi32, #tpu.memory_space<hbm>>) target(%arg7 : memref<160x128xi32, #tpu.memory_space<vmem>>) target_semaphore(%run_scoped3A : memref<!tpu.dma_semaphore, #tpu.memory_space<semaphore_mem>>)
      %dma_wait3A = arith.constant 0 : i32
      %dma_wait3A_47 = arith.constant 0 : i32
      %dma_wait3A_48 = tpu.memref_slice %arg3[%arg0, %arg1, %dma_wait3A, %dma_wait3A_47] : memref<2x16x160x128xi32, #tpu.memory_space<hbm>> -> memref<1x1x160x128xi32, #tpu.memory_space<hbm>>
      %dma_wait3A_49 = tpu.memref_squeeze %dma_wait3A_48 : memref<1x1x160x128xi32, #tpu.memory_space<hbm>> -> memref<160x128xi32, #tpu.memory_space<hbm>>
      %dma_wait3A_50 = arith.constant 0 : i32
      %dma_wait3A_51 = arith.constant 0 : i32
      %dma_wait3A_52 = tpu.memref_slice %arg3[%arg0, %arg1, %dma_wait3A_50, %dma_wait3A_51] : memref<2x16x160x128xi32, #tpu.memory_space<hbm>> -> memref<1x1x160x128xi32, #tpu.memory_space<hbm>>
      %dma_wait3A_53 = tpu.memref_squeeze %dma_wait3A_52 : memref<1x1x160x128xi32, #tpu.memory_space<hbm>> -> memref<160x128xi32, #tpu.memory_space<hbm>>
      tpu.wait_dma2 semaphore(%run_scoped3A : memref<!tpu.dma_semaphore, #tpu.memory_space<semaphore_mem>>) src(%dma_wait3A_53 : memref<160x128xi32, #tpu.memory_space<hbm>>) dst(%arg7 : memref<160x128xi32, #tpu.memory_space<vmem>>)
      tpu.yield
    }) : () -> ()
    %mul3A = arith.constant 640 : i32
    %mul3A_0 = arith.muli %arg1, %mul3A : i32
    "tpu.region"() ({
      %run_scoped3A = tpu.sem_alloc : memref<!tpu.dma_semaphore, #tpu.memory_space<semaphore_mem>>
      %dma_start3A_39 = arith.constant 0 : i32
      %dma_start3A_40 = tpu.memref_slice %arg13[%mul3A_0, %dma_start3A_39] : memref<10240x128xbf16, #tpu.memory_space<vmem_shared>> -> memref<640x128xbf16, #tpu.memory_space<vmem_shared>>
      tpu.enqueue_dma source(%arg5 : memref<640x128xbf16, #tpu.memory_space<hbm>>) target(%dma_start3A_40 : memref<640x128xbf16, #tpu.memory_space<vmem_shared>>) target_semaphore(%run_scoped3A : memref<!tpu.dma_semaphore, #tpu.memory_space<semaphore_mem>>)
      %dma_wait3A = arith.constant 0 : i32
      %dma_wait3A_41 = tpu.memref_slice %arg13[%mul3A_0, %dma_wait3A] : memref<10240x128xbf16, #tpu.memory_space<vmem_shared>> -> memref<640x128xbf16, #tpu.memory_space<vmem_shared>>
      tpu.wait_dma2 semaphore(%run_scoped3A : memref<!tpu.dma_semaphore, #tpu.memory_space<semaphore_mem>>) src(%arg5 : memref<640x128xbf16, #tpu.memory_space<hbm>>) dst(%dma_wait3A_41 : memref<640x128xbf16, #tpu.memory_space<vmem_shared>>)
      tpu.yield
    }) : () -> ()
    %barrier3A = arith.constant 0 : index
    tpu.barrier barrier_id(%barrier3A)
    %dma_start3A = arith.constant 0 : i32
    %dma_start3A_1 = arith.constant 0 : i32
    %dma_start3A_2 = tpu.memref_slice %arg7[%dma_start3A, %dma_start3A_1] : memref<160x128xi32, #tpu.memory_space<vmem>> -> memref<1x128xi32, #tpu.memory_space<vmem>>
    %dma_start3A_3 = tpu.memref_squeeze %dma_start3A_2 : memref<1x128xi32, #tpu.memory_space<vmem>> -> memref<128xi32, #tpu.memory_space<vmem>>
    %dma_start3A_4 = arith.constant 0 : i32
    %dma_start3A_5 = arith.constant 0 : i32
    %dma_start3A_6 = tpu.memref_slice %arg2[%dma_start3A_4, %dma_start3A_5] : memref<20480x128xbf16, #tpu.memory_space<hbm>> -> memref<20480x128xbf16, #tpu.memory_space<hbm>>
    tpu.enqueue_indirect_dma source(%dma_start3A_6 : memref<20480x128xbf16, #tpu.memory_space<hbm>>) target(%arg9 : memref<128x128xbf16, #tpu.memory_space<vmem>>) offsets(%dma_start3A_3 : memref<128xi32, #tpu.memory_space<vmem>>) semaphore(%arg14 : memref<!tpu.dma_semaphore, #tpu.memory_space<semaphore_mem>>)
    %dma_start3A_7 = arith.constant 1 : i32
    %dma_start3A_8 = arith.constant 0 : i32
    %dma_start3A_9 = tpu.memref_slice %arg7[%dma_start3A_7, %dma_start3A_8] : memref<160x128xi32, #tpu.memory_space<vmem>> -> memref<1x128xi32, #tpu.memory_space<vmem>>
    %dma_start3A_10 = tpu.memref_squeeze %dma_start3A_9 : memref<1x128xi32, #tpu.memory_space<vmem>> -> memref<128xi32, #tpu.memory_space<vmem>>
    %dma_start3A_11 = arith.constant 0 : i32
    %dma_start3A_12 = arith.constant 0 : i32
    %dma_start3A_13 = tpu.memref_slice %arg2[%dma_start3A_11, %dma_start3A_12] : memref<20480x128xbf16, #tpu.memory_space<hbm>> -> memref<20480x128xbf16, #tpu.memory_space<hbm>>
    tpu.enqueue_indirect_dma source(%dma_start3A_13 : memref<20480x128xbf16, #tpu.memory_space<hbm>>) target(%arg10 : memref<128x128xbf16, #tpu.memory_space<vmem>>) offsets(%dma_start3A_10 : memref<128xi32, #tpu.memory_space<vmem>>) semaphore(%arg15 : memref<!tpu.dma_semaphore, #tpu.memory_space<semaphore_mem>>)
    %dma_start3A_14 = arith.constant 2 : i32
    %dma_start3A_15 = arith.constant 0 : i32
    %dma_start3A_16 = tpu.memref_slice %arg7[%dma_start3A_14, %dma_start3A_15] : memref<160x128xi32, #tpu.memory_space<vmem>> -> memref<1x128xi32, #tpu.memory_space<vmem>>
    %dma_start3A_17 = tpu.memref_squeeze %dma_start3A_16 : memref<1x128xi32, #tpu.memory_space<vmem>> -> memref<128xi32, #tpu.memory_space<vmem>>
    %dma_start3A_18 = arith.constant 0 : i32
    %dma_start3A_19 = arith.constant 0 : i32
    %dma_start3A_20 = tpu.memref_slice %arg2[%dma_start3A_18, %dma_start3A_19] : memref<20480x128xbf16, #tpu.memory_space<hbm>> -> memref<20480x128xbf16, #tpu.memory_space<hbm>>
    tpu.enqueue_indirect_dma source(%dma_start3A_20 : memref<20480x128xbf16, #tpu.memory_space<hbm>>) target(%arg11 : memref<128x128xbf16, #tpu.memory_space<vmem>>) offsets(%dma_start3A_17 : memref<128xi32, #tpu.memory_space<vmem>>) semaphore(%arg16 : memref<!tpu.dma_semaphore, #tpu.memory_space<semaphore_mem>>)
    %dma_start3A_21 = arith.constant 3 : i32
    %dma_start3A_22 = arith.constant 0 : i32
    %dma_start3A_23 = tpu.memref_slice %arg7[%dma_start3A_21, %dma_start3A_22] : memref<160x128xi32, #tpu.memory_space<vmem>> -> memref<1x128xi32, #tpu.memory_space<vmem>>
    %dma_start3A_24 = tpu.memref_squeeze %dma_start3A_23 : memref<1x128xi32, #tpu.memory_space<vmem>> -> memref<128xi32, #tpu.memory_space<vmem>>
    %dma_start3A_25 = arith.constant 0 : i32
    %dma_start3A_26 = arith.constant 0 : i32
    %dma_start3A_27 = tpu.memref_slice %arg2[%dma_start3A_25, %dma_start3A_26] : memref<20480x128xbf16, #tpu.memory_space<hbm>> -> memref<20480x128xbf16, #tpu.memory_space<hbm>>
    tpu.enqueue_indirect_dma source(%dma_start3A_27 : memref<20480x128xbf16, #tpu.memory_space<hbm>>) target(%arg12 : memref<128x128xbf16, #tpu.memory_space<vmem>>) offsets(%dma_start3A_24 : memref<128xi32, #tpu.memory_space<vmem>>) semaphore(%arg17 : memref<!tpu.dma_semaphore, #tpu.memory_space<semaphore_mem>>)
    %scan3A = arith.constant 0 : i32
    %scan3A_28 = arith.constant 0 : i32
    %scan3A_29 = arith.constant 40 : i32
    %scan3A_30 = arith.addi %scan3A_28, %scan3A_29 : i32
    %scan3A_31 = arith.constant 1 : i32
    %scan3A_32 = scf.for %scan3A_39 = %scan3A_28 to %scan3A_30 step %scan3A_31 iter_args(%scan3A_40 = %scan3A) -> (i32)  : i32 {
      %mul3A_41 = arith.constant 4 : i32
      %mul3A_42 = arith.muli %scan3A_39, %mul3A_41 : i32
      %add3A = arith.constant 0 : i32
      %add3A_43 = arith.addi %mul3A_42, %add3A : i32
      %dma_wait3A = arith.constant 0 : i32
      %dma_wait3A_44 = tpu.memref_slice %arg7[%add3A_43, %dma_wait3A] : memref<160x128xi32, #tpu.memory_space<vmem>> -> memref<1x128xi32, #tpu.memory_space<vmem>>
      %dma_wait3A_45 = tpu.memref_squeeze %dma_wait3A_44 : memref<1x128xi32, #tpu.memory_space<vmem>> -> memref<128xi32, #tpu.memory_space<vmem>>
      %dma_wait3A_46 = arith.constant 0 : i32
      %dma_wait3A_47 = arith.constant 0 : i32
      %dma_wait3A_48 = tpu.memref_slice %arg2[%dma_wait3A_46, %dma_wait3A_47] : memref<20480x128xbf16, #tpu.memory_space<hbm>> -> memref<20480x128xbf16, #tpu.memory_space<hbm>>
      tpu.wait_indirect_dma semaphore(%arg14 : memref<!tpu.dma_semaphore, #tpu.memory_space<semaphore_mem>>) src(%dma_wait3A_48 : memref<20480x128xbf16, #tpu.memory_space<hbm>>) dst(%arg9 : memref<128x128xbf16, #tpu.memory_space<vmem>>)
      "tpu.region"() ({
        %run_scoped3A = tpu.sem_alloc : memref<!tpu.dma_semaphore, #tpu.memory_space<semaphore_mem>>
        %dma_start3A_97 = arith.constant 0 : i32
        %dma_start3A_98 = tpu.memref_slice %arg8[%add3A_43, %dma_start3A_97] : memref<160x128xi32, #tpu.memory_space<vmem>> -> memref<1x128xi32, #tpu.memory_space<vmem>>
        %dma_start3A_99 = tpu.memref_squeeze %dma_start3A_98 : memref<1x128xi32, #tpu.memory_space<vmem>> -> memref<128xi32, #tpu.memory_space<vmem>>
        %dma_start3A_100 = arith.constant 0 : i32
        %dma_start3A_101 = arith.constant 0 : i32
        %dma_start3A_102 = tpu.memref_slice %arg13[%dma_start3A_100, %dma_start3A_101] : memref<10240x128xbf16, #tpu.memory_space<vmem_shared>> -> memref<10240x128xbf16, #tpu.memory_space<vmem_shared>>
        tpu.enqueue_indirect_dma source(%arg9 : memref<128x128xbf16, #tpu.memory_space<vmem>>) target(%dma_start3A_102 : memref<10240x128xbf16, #tpu.memory_space<vmem_shared>>) offsets(%dma_start3A_99 : memref<128xi32, #tpu.memory_space<vmem>>) semaphore(%run_scoped3A : memref<!tpu.dma_semaphore, #tpu.memory_space<semaphore_mem>>) {add = true}
        %dma_wait3A_103 = arith.constant 0 : i32
        %dma_wait3A_104 = tpu.memref_slice %arg8[%add3A_43, %dma_wait3A_103] : memref<160x128xi32, #tpu.memory_space<vmem>> -> memref<1x128xi32, #tpu.memory_space<vmem>>
        %dma_wait3A_105 = tpu.memref_squeeze %dma_wait3A_104 : memref<1x128xi32, #tpu.memory_space<vmem>> -> memref<128xi32, #tpu.memory_space<vmem>>
        %dma_wait3A_106 = arith.constant 0 : i32
        %dma_wait3A_107 = arith.constant 0 : i32
        %dma_wait3A_108 = tpu.memref_slice %arg13[%dma_wait3A_106, %dma_wait3A_107] : memref<10240x128xbf16, #tpu.memory_space<vmem_shared>> -> memref<10240x128xbf16, #tpu.memory_space<vmem_shared>>
        tpu.wait_indirect_dma semaphore(%run_scoped3A : memref<!tpu.dma_semaphore, #tpu.memory_space<semaphore_mem>>) src(%arg9 : memref<128x128xbf16, #tpu.memory_space<vmem>>) dst(%dma_wait3A_108 : memref<10240x128xbf16, #tpu.memory_space<vmem_shared>>)
        tpu.yield
      }) : () -> ()
      %lt3A = arith.constant 39 : i32
      %lt3A_49 = arith.cmpi slt, %scan3A_39, %lt3A : i32
      %convert_element_type3A = arith.extui %lt3A_49 : i1 to i32
      %cond3A = arith.constant 0 : i32
      %cond3A_50 = arith.cmpi ne, %convert_element_type3A, %cond3A : i32
      scf.if %cond3A_50 {
        %add3A_97 = arith.constant 4 : i32
        %add3A_98 = arith.addi %add3A_43, %add3A_97 : i32
        %dma_start3A_99 = arith.constant 0 : i32
        %dma_start3A_100 = tpu.memref_slice %arg7[%add3A_98, %dma_start3A_99] : memref<160x128xi32, #tpu.memory_space<vmem>> -> memref<1x128xi32, #tpu.memory_space<vmem>>
        %dma_start3A_101 = tpu.memref_squeeze %dma_start3A_100 : memref<1x128xi32, #tpu.memory_space<vmem>> -> memref<128xi32, #tpu.memory_space<vmem>>
        %dma_start3A_102 = arith.constant 0 : i32
        %dma_start3A_103 = arith.constant 0 : i32
        %dma_start3A_104 = tpu.memref_slice %arg2[%dma_start3A_102, %dma_start3A_103] : memref<20480x128xbf16, #tpu.memory_space<hbm>> -> memref<20480x128xbf16, #tpu.memory_space<hbm>>
        tpu.enqueue_indirect_dma source(%dma_start3A_104 : memref<20480x128xbf16, #tpu.memory_space<hbm>>) target(%arg9 : memref<128x128xbf16, #tpu.memory_space<vmem>>) offsets(%dma_start3A_101 : memref<128xi32, #tpu.memory_space<vmem>>) semaphore(%arg14 : memref<!tpu.dma_semaphore, #tpu.memory_space<semaphore_mem>>)
      } else {
      }
      %mul3A_51 = arith.constant 4 : i32
      %mul3A_52 = arith.muli %scan3A_39, %mul3A_51 : i32
      %add3A_53 = arith.constant 1 : i32
      %add3A_54 = arith.addi %mul3A_52, %add3A_53 : i32
      %dma_wait3A_55 = arith.constant 0 : i32
      %dma_wait3A_56 = tpu.memref_slice %arg7[%add3A_54, %dma_wait3A_55] : memref<160x128xi32, #tpu.memory_space<vmem>> -> memref<1x128xi32, #tpu.memory_space<vmem>>
      %dma_wait3A_57 = tpu.memref_squeeze %dma_wait3A_56 : memref<1x128xi32, #tpu.memory_space<vmem>> -> memref<128xi32, #tpu.memory_space<vmem>>
      %dma_wait3A_58 = arith.constant 0 : i32
      %dma_wait3A_59 = arith.constant 0 : i32
      %dma_wait3A_60 = tpu.memref_slice %arg2[%dma_wait3A_58, %dma_wait3A_59] : memref<20480x128xbf16, #tpu.memory_space<hbm>> -> memref<20480x128xbf16, #tpu.memory_space<hbm>>
      tpu.wait_indirect_dma semaphore(%arg15 : memref<!tpu.dma_semaphore, #tpu.memory_space<semaphore_mem>>) src(%dma_wait3A_60 : memref<20480x128xbf16, #tpu.memory_space<hbm>>) dst(%arg10 : memref<128x128xbf16, #tpu.memory_space<vmem>>)
      "tpu.region"() ({
        %run_scoped3A = tpu.sem_alloc : memref<!tpu.dma_semaphore, #tpu.memory_space<semaphore_mem>>
        %dma_start3A_97 = arith.constant 0 : i32
        %dma_start3A_98 = tpu.memref_slice %arg8[%add3A_54, %dma_start3A_97] : memref<160x128xi32, #tpu.memory_space<vmem>> -> memref<1x128xi32, #tpu.memory_space<vmem>>
        %dma_start3A_99 = tpu.memref_squeeze %dma_start3A_98 : memref<1x128xi32, #tpu.memory_space<vmem>> -> memref<128xi32, #tpu.memory_space<vmem>>
        %dma_start3A_100 = arith.constant 0 : i32
        %dma_start3A_101 = arith.constant 0 : i32
        %dma_start3A_102 = tpu.memref_slice %arg13[%dma_start3A_100, %dma_start3A_101] : memref<10240x128xbf16, #tpu.memory_space<vmem_shared>> -> memref<10240x128xbf16, #tpu.memory_space<vmem_shared>>
        tpu.enqueue_indirect_dma source(%arg10 : memref<128x128xbf16, #tpu.memory_space<vmem>>) target(%dma_start3A_102 : memref<10240x128xbf16, #tpu.memory_space<vmem_shared>>) offsets(%dma_start3A_99 : memref<128xi32, #tpu.memory_space<vmem>>) semaphore(%run_scoped3A : memref<!tpu.dma_semaphore, #tpu.memory_space<semaphore_mem>>) {add = true}
        %dma_wait3A_103 = arith.constant 0 : i32
        %dma_wait3A_104 = tpu.memref_slice %arg8[%add3A_54, %dma_wait3A_103] : memref<160x128xi32, #tpu.memory_space<vmem>> -> memref<1x128xi32, #tpu.memory_space<vmem>>
        %dma_wait3A_105 = tpu.memref_squeeze %dma_wait3A_104 : memref<1x128xi32, #tpu.memory_space<vmem>> -> memref<128xi32, #tpu.memory_space<vmem>>
        %dma_wait3A_106 = arith.constant 0 : i32
        %dma_wait3A_107 = arith.constant 0 : i32
        %dma_wait3A_108 = tpu.memref_slice %arg13[%dma_wait3A_106, %dma_wait3A_107] : memref<10240x128xbf16, #tpu.memory_space<vmem_shared>> -> memref<10240x128xbf16, #tpu.memory_space<vmem_shared>>
        tpu.wait_indirect_dma semaphore(%run_scoped3A : memref<!tpu.dma_semaphore, #tpu.memory_space<semaphore_mem>>) src(%arg10 : memref<128x128xbf16, #tpu.memory_space<vmem>>) dst(%dma_wait3A_108 : memref<10240x128xbf16, #tpu.memory_space<vmem_shared>>)
        tpu.yield
      }) : () -> ()
      %lt3A_61 = arith.constant 39 : i32
      %lt3A_62 = arith.cmpi slt, %scan3A_39, %lt3A_61 : i32
      %convert_element_type3A_63 = arith.extui %lt3A_62 : i1 to i32
      %cond3A_64 = arith.constant 0 : i32
      %cond3A_65 = arith.cmpi ne, %convert_element_type3A_63, %cond3A_64 : i32
      scf.if %cond3A_65 {
        %add3A_97 = arith.constant 4 : i32
        %add3A_98 = arith.addi %add3A_54, %add3A_97 : i32
        %dma_start3A_99 = arith.constant 0 : i32
        %dma_start3A_100 = tpu.memref_slice %arg7[%add3A_98, %dma_start3A_99] : memref<160x128xi32, #tpu.memory_space<vmem>> -> memref<1x128xi32, #tpu.memory_space<vmem>>
        %dma_start3A_101 = tpu.memref_squeeze %dma_start3A_100 : memref<1x128xi32, #tpu.memory_space<vmem>> -> memref<128xi32, #tpu.memory_space<vmem>>
        %dma_start3A_102 = arith.constant 0 : i32
        %dma_start3A_103 = arith.constant 0 : i32
        %dma_start3A_104 = tpu.memref_slice %arg2[%dma_start3A_102, %dma_start3A_103] : memref<20480x128xbf16, #tpu.memory_space<hbm>> -> memref<20480x128xbf16, #tpu.memory_space<hbm>>
        tpu.enqueue_indirect_dma source(%dma_start3A_104 : memref<20480x128xbf16, #tpu.memory_space<hbm>>) target(%arg10 : memref<128x128xbf16, #tpu.memory_space<vmem>>) offsets(%dma_start3A_101 : memref<128xi32, #tpu.memory_space<vmem>>) semaphore(%arg15 : memref<!tpu.dma_semaphore, #tpu.memory_space<semaphore_mem>>)
      } else {
      }
      %mul3A_66 = arith.constant 4 : i32
      %mul3A_67 = arith.muli %scan3A_39, %mul3A_66 : i32
      %add3A_68 = arith.constant 2 : i32
      %add3A_69 = arith.addi %mul3A_67, %add3A_68 : i32
      %dma_wait3A_70 = arith.constant 0 : i32
      %dma_wait3A_71 = tpu.memref_slice %arg7[%add3A_69, %dma_wait3A_70] : memref<160x128xi32, #tpu.memory_space<vmem>> -> memref<1x128xi32, #tpu.memory_space<vmem>>
      %dma_wait3A_72 = tpu.memref_squeeze %dma_wait3A_71 : memref<1x128xi32, #tpu.memory_space<vmem>> -> memref<128xi32, #tpu.memory_space<vmem>>
      %dma_wait3A_73 = arith.constant 0 : i32
      %dma_wait3A_74 = arith.constant 0 : i32
      %dma_wait3A_75 = tpu.memref_slice %arg2[%dma_wait3A_73, %dma_wait3A_74] : memref<20480x128xbf16, #tpu.memory_space<hbm>> -> memref<20480x128xbf16, #tpu.memory_space<hbm>>
      tpu.wait_indirect_dma semaphore(%arg16 : memref<!tpu.dma_semaphore, #tpu.memory_space<semaphore_mem>>) src(%dma_wait3A_75 : memref<20480x128xbf16, #tpu.memory_space<hbm>>) dst(%arg11 : memref<128x128xbf16, #tpu.memory_space<vmem>>)
      "tpu.region"() ({
        %run_scoped3A = tpu.sem_alloc : memref<!tpu.dma_semaphore, #tpu.memory_space<semaphore_mem>>
        %dma_start3A_97 = arith.constant 0 : i32
        %dma_start3A_98 = tpu.memref_slice %arg8[%add3A_69, %dma_start3A_97] : memref<160x128xi32, #tpu.memory_space<vmem>> -> memref<1x128xi32, #tpu.memory_space<vmem>>
        %dma_start3A_99 = tpu.memref_squeeze %dma_start3A_98 : memref<1x128xi32, #tpu.memory_space<vmem>> -> memref<128xi32, #tpu.memory_space<vmem>>
        %dma_start3A_100 = arith.constant 0 : i32
        %dma_start3A_101 = arith.constant 0 : i32
        %dma_start3A_102 = tpu.memref_slice %arg13[%dma_start3A_100, %dma_start3A_101] : memref<10240x128xbf16, #tpu.memory_space<vmem_shared>> -> memref<10240x128xbf16, #tpu.memory_space<vmem_shared>>
        tpu.enqueue_indirect_dma source(%arg11 : memref<128x128xbf16, #tpu.memory_space<vmem>>) target(%dma_start3A_102 : memref<10240x128xbf16, #tpu.memory_space<vmem_shared>>) offsets(%dma_start3A_99 : memref<128xi32, #tpu.memory_space<vmem>>) semaphore(%run_scoped3A : memref<!tpu.dma_semaphore, #tpu.memory_space<semaphore_mem>>) {add = true}
        %dma_wait3A_103 = arith.constant 0 : i32
        %dma_wait3A_104 = tpu.memref_slice %arg8[%add3A_69, %dma_wait3A_103] : memref<160x128xi32, #tpu.memory_space<vmem>> -> memref<1x128xi32, #tpu.memory_space<vmem>>
        %dma_wait3A_105 = tpu.memref_squeeze %dma_wait3A_104 : memref<1x128xi32, #tpu.memory_space<vmem>> -> memref<128xi32, #tpu.memory_space<vmem>>
        %dma_wait3A_106 = arith.constant 0 : i32
        %dma_wait3A_107 = arith.constant 0 : i32
        %dma_wait3A_108 = tpu.memref_slice %arg13[%dma_wait3A_106, %dma_wait3A_107] : memref<10240x128xbf16, #tpu.memory_space<vmem_shared>> -> memref<10240x128xbf16, #tpu.memory_space<vmem_shared>>
        tpu.wait_indirect_dma semaphore(%run_scoped3A : memref<!tpu.dma_semaphore, #tpu.memory_space<semaphore_mem>>) src(%arg11 : memref<128x128xbf16, #tpu.memory_space<vmem>>) dst(%dma_wait3A_108 : memref<10240x128xbf16, #tpu.memory_space<vmem_shared>>)
        tpu.yield
      }) : () -> ()
      %lt3A_76 = arith.constant 39 : i32
      %lt3A_77 = arith.cmpi slt, %scan3A_39, %lt3A_76 : i32
      %convert_element_type3A_78 = arith.extui %lt3A_77 : i1 to i32
      %cond3A_79 = arith.constant 0 : i32
      %cond3A_80 = arith.cmpi ne, %convert_element_type3A_78, %cond3A_79 : i32
      scf.if %cond3A_80 {
        %add3A_97 = arith.constant 4 : i32
        %add3A_98 = arith.addi %add3A_69, %add3A_97 : i32
        %dma_start3A_99 = arith.constant 0 : i32
        %dma_start3A_100 = tpu.memref_slice %arg7[%add3A_98, %dma_start3A_99] : memref<160x128xi32, #tpu.memory_space<vmem>> -> memref<1x128xi32, #tpu.memory_space<vmem>>
        %dma_start3A_101 = tpu.memref_squeeze %dma_start3A_100 : memref<1x128xi32, #tpu.memory_space<vmem>> -> memref<128xi32, #tpu.memory_space<vmem>>
        %dma_start3A_102 = arith.constant 0 : i32
        %dma_start3A_103 = arith.constant 0 : i32
        %dma_start3A_104 = tpu.memref_slice %arg2[%dma_start3A_102, %dma_start3A_103] : memref<20480x128xbf16, #tpu.memory_space<hbm>> -> memref<20480x128xbf16, #tpu.memory_space<hbm>>
        tpu.enqueue_indirect_dma source(%dma_start3A_104 : memref<20480x128xbf16, #tpu.memory_space<hbm>>) target(%arg11 : memref<128x128xbf16, #tpu.memory_space<vmem>>) offsets(%dma_start3A_101 : memref<128xi32, #tpu.memory_space<vmem>>) semaphore(%arg16 : memref<!tpu.dma_semaphore, #tpu.memory_space<semaphore_mem>>)
      } else {
      }
      %mul3A_81 = arith.constant 4 : i32
      %mul3A_82 = arith.muli %scan3A_39, %mul3A_81 : i32
      %add3A_83 = arith.constant 3 : i32
      %add3A_84 = arith.addi %mul3A_82, %add3A_83 : i32
      %dma_wait3A_85 = arith.constant 0 : i32
      %dma_wait3A_86 = tpu.memref_slice %arg7[%add3A_84, %dma_wait3A_85] : memref<160x128xi32, #tpu.memory_space<vmem>> -> memref<1x128xi32, #tpu.memory_space<vmem>>
      %dma_wait3A_87 = tpu.memref_squeeze %dma_wait3A_86 : memref<1x128xi32, #tpu.memory_space<vmem>> -> memref<128xi32, #tpu.memory_space<vmem>>
      %dma_wait3A_88 = arith.constant 0 : i32
      %dma_wait3A_89 = arith.constant 0 : i32
      %dma_wait3A_90 = tpu.memref_slice %arg2[%dma_wait3A_88, %dma_wait3A_89] : memref<20480x128xbf16, #tpu.memory_space<hbm>> -> memref<20480x128xbf16, #tpu.memory_space<hbm>>
      tpu.wait_indirect_dma semaphore(%arg17 : memref<!tpu.dma_semaphore, #tpu.memory_space<semaphore_mem>>) src(%dma_wait3A_90 : memref<20480x128xbf16, #tpu.memory_space<hbm>>) dst(%arg12 : memref<128x128xbf16, #tpu.memory_space<vmem>>)
      "tpu.region"() ({
        %run_scoped3A = tpu.sem_alloc : memref<!tpu.dma_semaphore, #tpu.memory_space<semaphore_mem>>
        %dma_start3A_97 = arith.constant 0 : i32
        %dma_start3A_98 = tpu.memref_slice %arg8[%add3A_84, %dma_start3A_97] : memref<160x128xi32, #tpu.memory_space<vmem>> -> memref<1x128xi32, #tpu.memory_space<vmem>>
        %dma_start3A_99 = tpu.memref_squeeze %dma_start3A_98 : memref<1x128xi32, #tpu.memory_space<vmem>> -> memref<128xi32, #tpu.memory_space<vmem>>
        %dma_start3A_100 = arith.constant 0 : i32
        %dma_start3A_101 = arith.constant 0 : i32
        %dma_start3A_102 = tpu.memref_slice %arg13[%dma_start3A_100, %dma_start3A_101] : memref<10240x128xbf16, #tpu.memory_space<vmem_shared>> -> memref<10240x128xbf16, #tpu.memory_space<vmem_shared>>
        tpu.enqueue_indirect_dma source(%arg12 : memref<128x128xbf16, #tpu.memory_space<vmem>>) target(%dma_start3A_102 : memref<10240x128xbf16, #tpu.memory_space<vmem_shared>>) offsets(%dma_start3A_99 : memref<128xi32, #tpu.memory_space<vmem>>) semaphore(%run_scoped3A : memref<!tpu.dma_semaphore, #tpu.memory_space<semaphore_mem>>) {add = true}
        %dma_wait3A_103 = arith.constant 0 : i32
        %dma_wait3A_104 = tpu.memref_slice %arg8[%add3A_84, %dma_wait3A_103] : memref<160x128xi32, #tpu.memory_space<vmem>> -> memref<1x128xi32, #tpu.memory_space<vmem>>
        %dma_wait3A_105 = tpu.memref_squeeze %dma_wait3A_104 : memref<1x128xi32, #tpu.memory_space<vmem>> -> memref<128xi32, #tpu.memory_space<vmem>>
        %dma_wait3A_106 = arith.constant 0 : i32
        %dma_wait3A_107 = arith.constant 0 : i32
        %dma_wait3A_108 = tpu.memref_slice %arg13[%dma_wait3A_106, %dma_wait3A_107] : memref<10240x128xbf16, #tpu.memory_space<vmem_shared>> -> memref<10240x128xbf16, #tpu.memory_space<vmem_shared>>
        tpu.wait_indirect_dma semaphore(%run_scoped3A : memref<!tpu.dma_semaphore, #tpu.memory_space<semaphore_mem>>) src(%arg12 : memref<128x128xbf16, #tpu.memory_space<vmem>>) dst(%dma_wait3A_108 : memref<10240x128xbf16, #tpu.memory_space<vmem_shared>>)
        tpu.yield
      }) : () -> ()
      %lt3A_91 = arith.constant 39 : i32
      %lt3A_92 = arith.cmpi slt, %scan3A_39, %lt3A_91 : i32
      %convert_element_type3A_93 = arith.extui %lt3A_92 : i1 to i32
      %cond3A_94 = arith.constant 0 : i32
      %cond3A_95 = arith.cmpi ne, %convert_element_type3A_93, %cond3A_94 : i32
      scf.if %cond3A_95 {
        %add3A_97 = arith.constant 4 : i32
        %add3A_98 = arith.addi %add3A_84, %add3A_97 : i32
        %dma_start3A_99 = arith.constant 0 : i32
        %dma_start3A_100 = tpu.memref_slice %arg7[%add3A_98, %dma_start3A_99] : memref<160x128xi32, #tpu.memory_space<vmem>> -> memref<1x128xi32, #tpu.memory_space<vmem>>
        %dma_start3A_101 = tpu.memref_squeeze %dma_start3A_100 : memref<1x128xi32, #tpu.memory_space<vmem>> -> memref<128xi32, #tpu.memory_space<vmem>>
        %dma_start3A_102 = arith.constant 0 : i32
        %dma_start3A_103 = arith.constant 0 : i32
        %dma_start3A_104 = tpu.memref_slice %arg2[%dma_start3A_102, %dma_start3A_103] : memref<20480x128xbf16, #tpu.memory_space<hbm>> -> memref<20480x128xbf16, #tpu.memory_space<hbm>>
        tpu.enqueue_indirect_dma source(%dma_start3A_104 : memref<20480x128xbf16, #tpu.memory_space<hbm>>) target(%arg12 : memref<128x128xbf16, #tpu.memory_space<vmem>>) offsets(%dma_start3A_101 : memref<128xi32, #tpu.memory_space<vmem>>) semaphore(%arg17 : memref<!tpu.dma_semaphore, #tpu.memory_space<semaphore_mem>>)
      } else {
      }
      %scan3A_96 = arith.constant 0 : i32
      scf.yield %scan3A_96 : i32
    }
    %scan3A_33 = arith.constant 40 : i32
    %barrier3A_34 = arith.constant 0 : index
    tpu.barrier barrier_id(%barrier3A_34)
    %mul3A_35 = arith.constant 640 : i32
    %mul3A_36 = arith.muli %arg1, %mul3A_35 : i32
    %mul3A_37 = arith.constant 640 : i32
    %mul3A_38 = arith.muli %arg1, %mul3A_37 : i32
    "tpu.region"() ({
      %run_scoped3A = tpu.sem_alloc : memref<!tpu.dma_semaphore, #tpu.memory_space<semaphore_mem>>
      %dma_start3A_39 = arith.constant 0 : i32
      %dma_start3A_40 = tpu.memref_slice %arg6[%arg0, %mul3A_38, %dma_start3A_39] : memref<2x10240x128xbf16, #tpu.memory_space<hbm>> -> memref<1x640x128xbf16, #tpu.memory_space<hbm>>
      %dma_start3A_41 = tpu.memref_squeeze %dma_start3A_40 : memref<1x640x128xbf16, #tpu.memory_space<hbm>> -> memref<640x128xbf16, #tpu.memory_space<hbm>>
      %dma_start3A_42 = arith.constant 0 : i32
      %dma_start3A_43 = tpu.memref_slice %arg13[%mul3A_36, %dma_start3A_42] : memref<10240x128xbf16, #tpu.memory_space<vmem_shared>> -> memref<640x128xbf16, #tpu.memory_space<vmem_shared>>
      tpu.enqueue_dma source(%dma_start3A_43 : memref<640x128xbf16, #tpu.memory_space<vmem_shared>>) target(%dma_start3A_41 : memref<640x128xbf16, #tpu.memory_space<hbm>>) target_semaphore(%run_scoped3A : memref<!tpu.dma_semaphore, #tpu.memory_space<semaphore_mem>>)
      %dma_wait3A = arith.constant 0 : i32
      %dma_wait3A_44 = tpu.memref_slice %arg6[%arg0, %mul3A_38, %dma_wait3A] : memref<2x10240x128xbf16, #tpu.memory_space<hbm>> -> memref<1x640x128xbf16, #tpu.memory_space<hbm>>
      %dma_wait3A_45 = tpu.memref_squeeze %dma_wait3A_44 : memref<1x640x128xbf16, #tpu.memory_space<hbm>> -> memref<640x128xbf16, #tpu.memory_space<hbm>>
      %dma_wait3A_46 = arith.constant 0 : i32
      %dma_wait3A_47 = tpu.memref_slice %arg13[%mul3A_36, %dma_wait3A_46] : memref<10240x128xbf16, #tpu.memory_space<vmem_shared>> -> memref<640x128xbf16, #tpu.memory_space<vmem_shared>>
      tpu.wait_dma2 semaphore(%run_scoped3A : memref<!tpu.dma_semaphore, #tpu.memory_space<semaphore_mem>>) src(%dma_wait3A_47 : memref<640x128xbf16, #tpu.memory_space<vmem_shared>>) dst(%dma_wait3A_45 : memref<640x128xbf16, #tpu.memory_space<hbm>>)
      tpu.yield
    }) : () -> ()
    return
  }
}

#map = affine_map<(d0, d1) -> (0, 0)>
#map1 = affine_map<(d0, d1) -> (0, 0, 0, 0)>
#map2 = affine_map<(d0, d1) -> (0, 0, 0)>
module attributes {stable_mosaic.version = 14 : i64} {
  func.func @_scat_call(%arg0: i32, %arg1: i32, %arg2: memref<20480x128xbf16, #tpu.memory_space<hbm>>, %arg3: memref<2x16x160x128xi32, #tpu.memory_space<hbm>>, %arg4: memref<16x160x128xi32, #tpu.memory_space<hbm>>, %arg5: memref<640x128xbf16, #tpu.memory_space<hbm>>, %arg6: memref<2x10240x128xbf16, #tpu.memory_space<hbm>>, %arg7: memref<160x128xi32, #tpu.memory_space<vmem>>, %arg8: memref<160x128xi32, #tpu.memory_space<vmem>>, %arg9: memref<128x128xbf16, #tpu.memory_space<vmem>>, %arg10: memref<128x128xbf16, #tpu.memory_space<vmem>>, %arg11: memref<128x128xbf16, #tpu.memory_space<vmem>>, %arg12: memref<128x128xbf16, #tpu.memory_space<vmem>>, %arg13: memref<10240x128xbf16, #tpu.memory_space<vmem_shared>>, %arg14: memref<!tpu.dma_semaphore, #tpu.memory_space<semaphore_mem>>, %arg15: memref<!tpu.dma_semaphore, #tpu.memory_space<semaphore_mem>>, %arg16: memref<!tpu.dma_semaphore, #tpu.memory_space<semaphore_mem>>, %arg17: memref<!tpu.dma_semaphore, #tpu.memory_space<semaphore_mem>>) attributes {dimension_semantics = [#tpu.dimension_semantics<core_parallel>, #tpu.dimension_semantics<subcore_parallel>], iteration_bounds = array<i64: 2, 16>, scalar_prefetch = 0 : i64, scratch_operands = 11 : i64, tpu.core_type = #tpu.core_type<sc_vector_subcore>, window_params = [{transform_indices = #map}, {transform_indices = #map1}, {transform_indices = #map2}, {transform_indices = #map}, {transform_indices = #map2}]} {
    "tpu.region"() ({
      %run_scoped3A = tpu.sem_alloc : memref<!tpu.dma_semaphore, #tpu.memory_space<semaphore_mem>>
      %dma_start3A_39 = arith.constant 0 : i32
      %dma_start3A_40 = arith.constant 0 : i32
      %dma_start3A_41 = tpu.memref_slice %arg4[%arg1, %dma_start3A_39, %dma_start3A_40] : memref<16x160x128xi32, #tpu.memory_space<hbm>> -> memref<1x160x128xi32, #tpu.memory_space<hbm>>
      %dma_start3A_42 = tpu.memref_squeeze %dma_start3A_41 : memref<1x160x128xi32, #tpu.memory_space<hbm>> -> memref<160x128xi32, #tpu.memory_space<hbm>>
      %dma_start3A_43 = arith.constant 0 : i32
      %dma_start3A_44 = arith.constant 0 : i32
      %dma_start3A_45 = tpu.memref_slice %arg4[%arg1, %dma_start3A_43, %dma_start3A_44] : memref<16x160x128xi32, #tpu.memory_space<hbm>> -> memref<1x160x128xi32, #tpu.memory_space<hbm>>
      %dma_start3A_46 = tpu.memref_squeeze %dma_start3A_45 : memref<1x160x128xi32, #tpu.memory_space<hbm>> -> memref<160x128xi32, #tpu.memory_space<hbm>>
      tpu.enqueue_dma source(%dma_start3A_46 : memref<160x128xi32, #tpu.memory_space<hbm>>) target(%arg8 : memref<160x128xi32, #tpu.memory_space<vmem>>) target_semaphore(%run_scoped3A : memref<!tpu.dma_semaphore, #tpu.memory_space<semaphore_mem>>)
      %dma_wait3A = arith.constant 0 : i32
      %dma_wait3A_47 = arith.constant 0 : i32
      %dma_wait3A_48 = tpu.memref_slice %arg4[%arg1, %dma_wait3A, %dma_wait3A_47] : memref<16x160x128xi32, #tpu.memory_space<hbm>> -> memref<1x160x128xi32, #tpu.memory_space<hbm>>
      %dma_wait3A_49 = tpu.memref_squeeze %dma_wait3A_48 : memref<1x160x128xi32, #tpu.memory_space<hbm>> -> memref<160x128xi32, #tpu.memory_space<hbm>>
      %dma_wait3A_50 = arith.constant 0 : i32
      %dma_wait3A_51 = arith.constant 0 : i32
      %dma_wait3A_52 = tpu.memref_slice %arg4[%arg1, %dma_wait3A_50, %dma_wait3A_51] : memref<16x160x128xi32, #tpu.memory_space<hbm>> -> memref<1x160x128xi32, #tpu.memory_space<hbm>>
      %dma_wait3A_53 = tpu.memref_squeeze %dma_wait3A_52 : memref<1x160x128xi32, #tpu.memory_space<hbm>> -> memref<160x128xi32, #tpu.memory_space<hbm>>
      tpu.wait_dma2 semaphore(%run_scoped3A : memref<!tpu.dma_semaphore, #tpu.memory_space<semaphore_mem>>) src(%dma_wait3A_53 : memref<160x128xi32, #tpu.memory_space<hbm>>) dst(%arg8 : memref<160x128xi32, #tpu.memory_space<vmem>>)
      tpu.yield
    }) : () -> ()
    "tpu.region"() ({
      %run_scoped3A = tpu.sem_alloc : memref<!tpu.dma_semaphore, #tpu.memory_space<semaphore_mem>>
      %dma_start3A_39 = arith.constant 0 : i32
      %dma_start3A_40 = arith.constant 0 : i32
      %dma_start3A_41 = tpu.memref_slice %arg3[%arg0, %arg1, %dma_start3A_39, %dma_start3A_40] : memref<2x16x160x128xi32, #tpu.memory_space<hbm>> -> memref<1x1x160x128xi32, #tpu.memory_space<hbm>>
      %dma_start3A_42 = tpu.memref_squeeze %dma_start3A_41 : memref<1x1x160x128xi32, #tpu.memory_space<hbm>> -> memref<160x128xi32, #tpu.memory_space<hbm>>
      %dma_start3A_43 = arith.constant 0 : i32
      %dma_start3A_44 = arith.constant 0 : i32
      %dma_start3A_45 = tpu.memref_slice %arg3[%arg0, %arg1, %dma_start3A_43, %dma_start3A_44] : memref<2x16x160x128xi32, #tpu.memory_space<hbm>> -> memref<1x1x160x128xi32, #tpu.memory_space<hbm>>
      %dma_start3A_46 = tpu.memref_squeeze %dma_start3A_45 : memref<1x1x160x128xi32, #tpu.memory_space<hbm>> -> memref<160x128xi32, #tpu.memory_space<hbm>>
      tpu.enqueue_dma source(%dma_start3A_46 : memref<160x128xi32, #tpu.memory_space<hbm>>) target(%arg7 : memref<160x128xi32, #tpu.memory_space<vmem>>) target_semaphore(%run_scoped3A : memref<!tpu.dma_semaphore, #tpu.memory_space<semaphore_mem>>)
      %dma_wait3A = arith.constant 0 : i32
      %dma_wait3A_47 = arith.constant 0 : i32
      %dma_wait3A_48 = tpu.memref_slice %arg3[%arg0, %arg1, %dma_wait3A, %dma_wait3A_47] : memref<2x16x160x128xi32, #tpu.memory_space<hbm>> -> memref<1x1x160x128xi32, #tpu.memory_space<hbm>>
      %dma_wait3A_49 = tpu.memref_squeeze %dma_wait3A_48 : memref<1x1x160x128xi32, #tpu.memory_space<hbm>> -> memref<160x128xi32, #tpu.memory_space<hbm>>
      %dma_wait3A_50 = arith.constant 0 : i32
      %dma_wait3A_51 = arith.constant 0 : i32
      %dma_wait3A_52 = tpu.memref_slice %arg3[%arg0, %arg1, %dma_wait3A_50, %dma_wait3A_51] : memref<2x16x160x128xi32, #tpu.memory_space<hbm>> -> memref<1x1x160x128xi32, #tpu.memory_space<hbm>>
      %dma_wait3A_53 = tpu.memref_squeeze %dma_wait3A_52 : memref<1x1x160x128xi32, #tpu.memory_space<hbm>> -> memref<160x128xi32, #tpu.memory_space<hbm>>
      tpu.wait_dma2 semaphore(%run_scoped3A : memref<!tpu.dma_semaphore, #tpu.memory_space<semaphore_mem>>) src(%dma_wait3A_53 : memref<160x128xi32, #tpu.memory_space<hbm>>) dst(%arg7 : memref<160x128xi32, #tpu.memory_space<vmem>>)
      tpu.yield
    }) : () -> ()
    %mul3A = arith.constant 640 : i32
    %mul3A_0 = arith.muli %arg1, %mul3A : i32
    "tpu.region"() ({
      %run_scoped3A = tpu.sem_alloc : memref<!tpu.dma_semaphore, #tpu.memory_space<semaphore_mem>>
      %dma_start3A_39 = arith.constant 0 : i32
      %dma_start3A_40 = tpu.memref_slice %arg13[%mul3A_0, %dma_start3A_39] : memref<10240x128xbf16, #tpu.memory_space<vmem_shared>> -> memref<640x128xbf16, #tpu.memory_space<vmem_shared>>
      tpu.enqueue_dma source(%arg5 : memref<640x128xbf16, #tpu.memory_space<hbm>>) target(%dma_start3A_40 : memref<640x128xbf16, #tpu.memory_space<vmem_shared>>) target_semaphore(%run_scoped3A : memref<!tpu.dma_semaphore, #tpu.memory_space<semaphore_mem>>)
      %dma_wait3A = arith.constant 0 : i32
      %dma_wait3A_41 = tpu.memref_slice %arg13[%mul3A_0, %dma_wait3A] : memref<10240x128xbf16, #tpu.memory_space<vmem_shared>> -> memref<640x128xbf16, #tpu.memory_space<vmem_shared>>
      tpu.wait_dma2 semaphore(%run_scoped3A : memref<!tpu.dma_semaphore, #tpu.memory_space<semaphore_mem>>) src(%arg5 : memref<640x128xbf16, #tpu.memory_space<hbm>>) dst(%dma_wait3A_41 : memref<640x128xbf16, #tpu.memory_space<vmem_shared>>)
      tpu.yield
    }) : () -> ()
    %barrier3A = arith.constant 0 : index
    tpu.barrier barrier_id(%barrier3A)
    %dma_start3A = arith.constant 0 : i32
    %dma_start3A_1 = arith.constant 0 : i32
    %dma_start3A_2 = tpu.memref_slice %arg7[%dma_start3A, %dma_start3A_1] : memref<160x128xi32, #tpu.memory_space<vmem>> -> memref<1x128xi32, #tpu.memory_space<vmem>>
    %dma_start3A_3 = tpu.memref_squeeze %dma_start3A_2 : memref<1x128xi32, #tpu.memory_space<vmem>> -> memref<128xi32, #tpu.memory_space<vmem>>
    %dma_start3A_4 = arith.constant 0 : i32
    %dma_start3A_5 = arith.constant 0 : i32
    %dma_start3A_6 = tpu.memref_slice %arg2[%dma_start3A_4, %dma_start3A_5] : memref<20480x128xbf16, #tpu.memory_space<hbm>> -> memref<20480x128xbf16, #tpu.memory_space<hbm>>
    tpu.enqueue_indirect_dma source(%dma_start3A_6 : memref<20480x128xbf16, #tpu.memory_space<hbm>>) target(%arg9 : memref<128x128xbf16, #tpu.memory_space<vmem>>) offsets(%dma_start3A_3 : memref<128xi32, #tpu.memory_space<vmem>>) semaphore(%arg14 : memref<!tpu.dma_semaphore, #tpu.memory_space<semaphore_mem>>)
    %dma_start3A_7 = arith.constant 1 : i32
    %dma_start3A_8 = arith.constant 0 : i32
    %dma_start3A_9 = tpu.memref_slice %arg7[%dma_start3A_7, %dma_start3A_8] : memref<160x128xi32, #tpu.memory_space<vmem>> -> memref<1x128xi32, #tpu.memory_space<vmem>>
    %dma_start3A_10 = tpu.memref_squeeze %dma_start3A_9 : memref<1x128xi32, #tpu.memory_space<vmem>> -> memref<128xi32, #tpu.memory_space<vmem>>
    %dma_start3A_11 = arith.constant 0 : i32
    %dma_start3A_12 = arith.constant 0 : i32
    %dma_start3A_13 = tpu.memref_slice %arg2[%dma_start3A_11, %dma_start3A_12] : memref<20480x128xbf16, #tpu.memory_space<hbm>> -> memref<20480x128xbf16, #tpu.memory_space<hbm>>
    tpu.enqueue_indirect_dma source(%dma_start3A_13 : memref<20480x128xbf16, #tpu.memory_space<hbm>>) target(%arg10 : memref<128x128xbf16, #tpu.memory_space<vmem>>) offsets(%dma_start3A_10 : memref<128xi32, #tpu.memory_space<vmem>>) semaphore(%arg15 : memref<!tpu.dma_semaphore, #tpu.memory_space<semaphore_mem>>)
    %dma_start3A_14 = arith.constant 2 : i32
    %dma_start3A_15 = arith.constant 0 : i32
    %dma_start3A_16 = tpu.memref_slice %arg7[%dma_start3A_14, %dma_start3A_15] : memref<160x128xi32, #tpu.memory_space<vmem>> -> memref<1x128xi32, #tpu.memory_space<vmem>>
    %dma_start3A_17 = tpu.memref_squeeze %dma_start3A_16 : memref<1x128xi32, #tpu.memory_space<vmem>> -> memref<128xi32, #tpu.memory_space<vmem>>
    %dma_start3A_18 = arith.constant 0 : i32
    %dma_start3A_19 = arith.constant 0 : i32
    %dma_start3A_20 = tpu.memref_slice %arg2[%dma_start3A_18, %dma_start3A_19] : memref<20480x128xbf16, #tpu.memory_space<hbm>> -> memref<20480x128xbf16, #tpu.memory_space<hbm>>
    tpu.enqueue_indirect_dma source(%dma_start3A_20 : memref<20480x128xbf16, #tpu.memory_space<hbm>>) target(%arg11 : memref<128x128xbf16, #tpu.memory_space<vmem>>) offsets(%dma_start3A_17 : memref<128xi32, #tpu.memory_space<vmem>>) semaphore(%arg16 : memref<!tpu.dma_semaphore, #tpu.memory_space<semaphore_mem>>)
    %dma_start3A_21 = arith.constant 3 : i32
    %dma_start3A_22 = arith.constant 0 : i32
    %dma_start3A_23 = tpu.memref_slice %arg7[%dma_start3A_21, %dma_start3A_22] : memref<160x128xi32, #tpu.memory_space<vmem>> -> memref<1x128xi32, #tpu.memory_space<vmem>>
    %dma_start3A_24 = tpu.memref_squeeze %dma_start3A_23 : memref<1x128xi32, #tpu.memory_space<vmem>> -> memref<128xi32, #tpu.memory_space<vmem>>
    %dma_start3A_25 = arith.constant 0 : i32
    %dma_start3A_26 = arith.constant 0 : i32
    %dma_start3A_27 = tpu.memref_slice %arg2[%dma_start3A_25, %dma_start3A_26] : memref<20480x128xbf16, #tpu.memory_space<hbm>> -> memref<20480x128xbf16, #tpu.memory_space<hbm>>
    tpu.enqueue_indirect_dma source(%dma_start3A_27 : memref<20480x128xbf16, #tpu.memory_space<hbm>>) target(%arg12 : memref<128x128xbf16, #tpu.memory_space<vmem>>) offsets(%dma_start3A_24 : memref<128xi32, #tpu.memory_space<vmem>>) semaphore(%arg17 : memref<!tpu.dma_semaphore, #tpu.memory_space<semaphore_mem>>)
    %scan3A = arith.constant 0 : i32
    %scan3A_28 = arith.constant 0 : i32
    %scan3A_29 = arith.constant 40 : i32
    %scan3A_30 = arith.addi %scan3A_28, %scan3A_29 : i32
    %scan3A_31 = arith.constant 1 : i32
    %scan3A_32 = scf.for %scan3A_39 = %scan3A_28 to %scan3A_30 step %scan3A_31 iter_args(%scan3A_40 = %scan3A) -> (i32)  : i32 {
      %mul3A_41 = arith.constant 4 : i32
      %mul3A_42 = arith.muli %scan3A_39, %mul3A_41 : i32
      %add3A = arith.constant 0 : i32
      %add3A_43 = arith.addi %mul3A_42, %add3A : i32
      %dma_wait3A = arith.constant 0 : i32
      %dma_wait3A_44 = tpu.memref_slice %arg7[%add3A_43, %dma_wait3A] : memref<160x128xi32, #tpu.memory_space<vmem>> -> memref<1x128xi32, #tpu.memory_space<vmem>>
      %dma_wait3A_45 = tpu.memref_squeeze %dma_wait3A_44 : memref<1x128xi32, #tpu.memory_space<vmem>> -> memref<128xi32, #tpu.memory_space<vmem>>
      %dma_wait3A_46 = arith.constant 0 : i32
      %dma_wait3A_47 = arith.constant 0 : i32
      %dma_wait3A_48 = tpu.memref_slice %arg2[%dma_wait3A_46, %dma_wait3A_47] : memref<20480x128xbf16, #tpu.memory_space<hbm>> -> memref<20480x128xbf16, #tpu.memory_space<hbm>>
      tpu.wait_indirect_dma semaphore(%arg14 : memref<!tpu.dma_semaphore, #tpu.memory_space<semaphore_mem>>) src(%dma_wait3A_48 : memref<20480x128xbf16, #tpu.memory_space<hbm>>) dst(%arg9 : memref<128x128xbf16, #tpu.memory_space<vmem>>)
      "tpu.region"() ({
        %run_scoped3A = tpu.sem_alloc : memref<!tpu.dma_semaphore, #tpu.memory_space<semaphore_mem>>
        %dma_start3A_97 = arith.constant 0 : i32
        %dma_start3A_98 = tpu.memref_slice %arg8[%add3A_43, %dma_start3A_97] : memref<160x128xi32, #tpu.memory_space<vmem>> -> memref<1x128xi32, #tpu.memory_space<vmem>>
        %dma_start3A_99 = tpu.memref_squeeze %dma_start3A_98 : memref<1x128xi32, #tpu.memory_space<vmem>> -> memref<128xi32, #tpu.memory_space<vmem>>
        %dma_start3A_100 = arith.constant 0 : i32
        %dma_start3A_101 = arith.constant 0 : i32
        %dma_start3A_102 = tpu.memref_slice %arg13[%dma_start3A_100, %dma_start3A_101] : memref<10240x128xbf16, #tpu.memory_space<vmem_shared>> -> memref<10240x128xbf16, #tpu.memory_space<vmem_shared>>
        tpu.enqueue_indirect_dma source(%arg9 : memref<128x128xbf16, #tpu.memory_space<vmem>>) target(%dma_start3A_102 : memref<10240x128xbf16, #tpu.memory_space<vmem_shared>>) offsets(%dma_start3A_99 : memref<128xi32, #tpu.memory_space<vmem>>) semaphore(%run_scoped3A : memref<!tpu.dma_semaphore, #tpu.memory_space<semaphore_mem>>) {add = true}
        %dma_wait3A_103 = arith.constant 0 : i32
        %dma_wait3A_104 = tpu.memref_slice %arg8[%add3A_43, %dma_wait3A_103] : memref<160x128xi32, #tpu.memory_space<vmem>> -> memref<1x128xi32, #tpu.memory_space<vmem>>
        %dma_wait3A_105 = tpu.memref_squeeze %dma_wait3A_104 : memref<1x128xi32, #tpu.memory_space<vmem>> -> memref<128xi32, #tpu.memory_space<vmem>>
        %dma_wait3A_106 = arith.constant 0 : i32
        %dma_wait3A_107 = arith.constant 0 : i32
        %dma_wait3A_108 = tpu.memref_slice %arg13[%dma_wait3A_106, %dma_wait3A_107] : memref<10240x128xbf16, #tpu.memory_space<vmem_shared>> -> memref<10240x128xbf16, #tpu.memory_space<vmem_shared>>
        tpu.wait_indirect_dma semaphore(%run_scoped3A : memref<!tpu.dma_semaphore, #tpu.memory_space<semaphore_mem>>) src(%arg9 : memref<128x128xbf16, #tpu.memory_space<vmem>>) dst(%dma_wait3A_108 : memref<10240x128xbf16, #tpu.memory_space<vmem_shared>>)
        tpu.yield
      }) : () -> ()
      %lt3A = arith.constant 39 : i32
      %lt3A_49 = arith.cmpi slt, %scan3A_39, %lt3A : i32
      %convert_element_type3A = arith.extui %lt3A_49 : i1 to i32
      %cond3A = arith.constant 0 : i32
      %cond3A_50 = arith.cmpi ne, %convert_element_type3A, %cond3A : i32
      scf.if %cond3A_50 {
        %add3A_97 = arith.constant 4 : i32
        %add3A_98 = arith.addi %add3A_43, %add3A_97 : i32
        %dma_start3A_99 = arith.constant 0 : i32
        %dma_start3A_100 = tpu.memref_slice %arg7[%add3A_98, %dma_start3A_99] : memref<160x128xi32, #tpu.memory_space<vmem>> -> memref<1x128xi32, #tpu.memory_space<vmem>>
        %dma_start3A_101 = tpu.memref_squeeze %dma_start3A_100 : memref<1x128xi32, #tpu.memory_space<vmem>> -> memref<128xi32, #tpu.memory_space<vmem>>
        %dma_start3A_102 = arith.constant 0 : i32
        %dma_start3A_103 = arith.constant 0 : i32
        %dma_start3A_104 = tpu.memref_slice %arg2[%dma_start3A_102, %dma_start3A_103] : memref<20480x128xbf16, #tpu.memory_space<hbm>> -> memref<20480x128xbf16, #tpu.memory_space<hbm>>
        tpu.enqueue_indirect_dma source(%dma_start3A_104 : memref<20480x128xbf16, #tpu.memory_space<hbm>>) target(%arg9 : memref<128x128xbf16, #tpu.memory_space<vmem>>) offsets(%dma_start3A_101 : memref<128xi32, #tpu.memory_space<vmem>>) semaphore(%arg14 : memref<!tpu.dma_semaphore, #tpu.memory_space<semaphore_mem>>)
      } else {
      }
      %mul3A_51 = arith.constant 4 : i32
      %mul3A_52 = arith.muli %scan3A_39, %mul3A_51 : i32
      %add3A_53 = arith.constant 1 : i32
      %add3A_54 = arith.addi %mul3A_52, %add3A_53 : i32
      %dma_wait3A_55 = arith.constant 0 : i32
      %dma_wait3A_56 = tpu.memref_slice %arg7[%add3A_54, %dma_wait3A_55] : memref<160x128xi32, #tpu.memory_space<vmem>> -> memref<1x128xi32, #tpu.memory_space<vmem>>
      %dma_wait3A_57 = tpu.memref_squeeze %dma_wait3A_56 : memref<1x128xi32, #tpu.memory_space<vmem>> -> memref<128xi32, #tpu.memory_space<vmem>>
      %dma_wait3A_58 = arith.constant 0 : i32
      %dma_wait3A_59 = arith.constant 0 : i32
      %dma_wait3A_60 = tpu.memref_slice %arg2[%dma_wait3A_58, %dma_wait3A_59] : memref<20480x128xbf16, #tpu.memory_space<hbm>> -> memref<20480x128xbf16, #tpu.memory_space<hbm>>
      tpu.wait_indirect_dma semaphore(%arg15 : memref<!tpu.dma_semaphore, #tpu.memory_space<semaphore_mem>>) src(%dma_wait3A_60 : memref<20480x128xbf16, #tpu.memory_space<hbm>>) dst(%arg10 : memref<128x128xbf16, #tpu.memory_space<vmem>>)
      "tpu.region"() ({
        %run_scoped3A = tpu.sem_alloc : memref<!tpu.dma_semaphore, #tpu.memory_space<semaphore_mem>>
        %dma_start3A_97 = arith.constant 0 : i32
        %dma_start3A_98 = tpu.memref_slice %arg8[%add3A_54, %dma_start3A_97] : memref<160x128xi32, #tpu.memory_space<vmem>> -> memref<1x128xi32, #tpu.memory_space<vmem>>
        %dma_start3A_99 = tpu.memref_squeeze %dma_start3A_98 : memref<1x128xi32, #tpu.memory_space<vmem>> -> memref<128xi32, #tpu.memory_space<vmem>>
        %dma_start3A_100 = arith.constant 0 : i32
        %dma_start3A_101 = arith.constant 0 : i32
        %dma_start3A_102 = tpu.memref_slice %arg13[%dma_start3A_100, %dma_start3A_101] : memref<10240x128xbf16, #tpu.memory_space<vmem_shared>> -> memref<10240x128xbf16, #tpu.memory_space<vmem_shared>>
        tpu.enqueue_indirect_dma source(%arg10 : memref<128x128xbf16, #tpu.memory_space<vmem>>) target(%dma_start3A_102 : memref<10240x128xbf16, #tpu.memory_space<vmem_shared>>) offsets(%dma_start3A_99 : memref<128xi32, #tpu.memory_space<vmem>>) semaphore(%run_scoped3A : memref<!tpu.dma_semaphore, #tpu.memory_space<semaphore_mem>>) {add = true}
        %dma_wait3A_103 = arith.constant 0 : i32
        %dma_wait3A_104 = tpu.memref_slice %arg8[%add3A_54, %dma_wait3A_103] : memref<160x128xi32, #tpu.memory_space<vmem>> -> memref<1x128xi32, #tpu.memory_space<vmem>>
        %dma_wait3A_105 = tpu.memref_squeeze %dma_wait3A_104 : memref<1x128xi32, #tpu.memory_space<vmem>> -> memref<128xi32, #tpu.memory_space<vmem>>
        %dma_wait3A_106 = arith.constant 0 : i32
        %dma_wait3A_107 = arith.constant 0 : i32
        %dma_wait3A_108 = tpu.memref_slice %arg13[%dma_wait3A_106, %dma_wait3A_107] : memref<10240x128xbf16, #tpu.memory_space<vmem_shared>> -> memref<10240x128xbf16, #tpu.memory_space<vmem_shared>>
        tpu.wait_indirect_dma semaphore(%run_scoped3A : memref<!tpu.dma_semaphore, #tpu.memory_space<semaphore_mem>>) src(%arg10 : memref<128x128xbf16, #tpu.memory_space<vmem>>) dst(%dma_wait3A_108 : memref<10240x128xbf16, #tpu.memory_space<vmem_shared>>)
        tpu.yield
      }) : () -> ()
      %lt3A_61 = arith.constant 39 : i32
      %lt3A_62 = arith.cmpi slt, %scan3A_39, %lt3A_61 : i32
      %convert_element_type3A_63 = arith.extui %lt3A_62 : i1 to i32
      %cond3A_64 = arith.constant 0 : i32
      %cond3A_65 = arith.cmpi ne, %convert_element_type3A_63, %cond3A_64 : i32
      scf.if %cond3A_65 {
        %add3A_97 = arith.constant 4 : i32
        %add3A_98 = arith.addi %add3A_54, %add3A_97 : i32
        %dma_start3A_99 = arith.constant 0 : i32
        %dma_start3A_100 = tpu.memref_slice %arg7[%add3A_98, %dma_start3A_99] : memref<160x128xi32, #tpu.memory_space<vmem>> -> memref<1x128xi32, #tpu.memory_space<vmem>>
        %dma_start3A_101 = tpu.memref_squeeze %dma_start3A_100 : memref<1x128xi32, #tpu.memory_space<vmem>> -> memref<128xi32, #tpu.memory_space<vmem>>
        %dma_start3A_102 = arith.constant 0 : i32
        %dma_start3A_103 = arith.constant 0 : i32
        %dma_start3A_104 = tpu.memref_slice %arg2[%dma_start3A_102, %dma_start3A_103] : memref<20480x128xbf16, #tpu.memory_space<hbm>> -> memref<20480x128xbf16, #tpu.memory_space<hbm>>
        tpu.enqueue_indirect_dma source(%dma_start3A_104 : memref<20480x128xbf16, #tpu.memory_space<hbm>>) target(%arg10 : memref<128x128xbf16, #tpu.memory_space<vmem>>) offsets(%dma_start3A_101 : memref<128xi32, #tpu.memory_space<vmem>>) semaphore(%arg15 : memref<!tpu.dma_semaphore, #tpu.memory_space<semaphore_mem>>)
      } else {
      }
      %mul3A_66 = arith.constant 4 : i32
      %mul3A_67 = arith.muli %scan3A_39, %mul3A_66 : i32
      %add3A_68 = arith.constant 2 : i32
      %add3A_69 = arith.addi %mul3A_67, %add3A_68 : i32
      %dma_wait3A_70 = arith.constant 0 : i32
      %dma_wait3A_71 = tpu.memref_slice %arg7[%add3A_69, %dma_wait3A_70] : memref<160x128xi32, #tpu.memory_space<vmem>> -> memref<1x128xi32, #tpu.memory_space<vmem>>
      %dma_wait3A_72 = tpu.memref_squeeze %dma_wait3A_71 : memref<1x128xi32, #tpu.memory_space<vmem>> -> memref<128xi32, #tpu.memory_space<vmem>>
      %dma_wait3A_73 = arith.constant 0 : i32
      %dma_wait3A_74 = arith.constant 0 : i32
      %dma_wait3A_75 = tpu.memref_slice %arg2[%dma_wait3A_73, %dma_wait3A_74] : memref<20480x128xbf16, #tpu.memory_space<hbm>> -> memref<20480x128xbf16, #tpu.memory_space<hbm>>
      tpu.wait_indirect_dma semaphore(%arg16 : memref<!tpu.dma_semaphore, #tpu.memory_space<semaphore_mem>>) src(%dma_wait3A_75 : memref<20480x128xbf16, #tpu.memory_space<hbm>>) dst(%arg11 : memref<128x128xbf16, #tpu.memory_space<vmem>>)
      "tpu.region"() ({
        %run_scoped3A = tpu.sem_alloc : memref<!tpu.dma_semaphore, #tpu.memory_space<semaphore_mem>>
        %dma_start3A_97 = arith.constant 0 : i32
        %dma_start3A_98 = tpu.memref_slice %arg8[%add3A_69, %dma_start3A_97] : memref<160x128xi32, #tpu.memory_space<vmem>> -> memref<1x128xi32, #tpu.memory_space<vmem>>
        %dma_start3A_99 = tpu.memref_squeeze %dma_start3A_98 : memref<1x128xi32, #tpu.memory_space<vmem>> -> memref<128xi32, #tpu.memory_space<vmem>>
        %dma_start3A_100 = arith.constant 0 : i32
        %dma_start3A_101 = arith.constant 0 : i32
        %dma_start3A_102 = tpu.memref_slice %arg13[%dma_start3A_100, %dma_start3A_101] : memref<10240x128xbf16, #tpu.memory_space<vmem_shared>> -> memref<10240x128xbf16, #tpu.memory_space<vmem_shared>>
        tpu.enqueue_indirect_dma source(%arg11 : memref<128x128xbf16, #tpu.memory_space<vmem>>) target(%dma_start3A_102 : memref<10240x128xbf16, #tpu.memory_space<vmem_shared>>) offsets(%dma_start3A_99 : memref<128xi32, #tpu.memory_space<vmem>>) semaphore(%run_scoped3A : memref<!tpu.dma_semaphore, #tpu.memory_space<semaphore_mem>>) {add = true}
        %dma_wait3A_103 = arith.constant 0 : i32
        %dma_wait3A_104 = tpu.memref_slice %arg8[%add3A_69, %dma_wait3A_103] : memref<160x128xi32, #tpu.memory_space<vmem>> -> memref<1x128xi32, #tpu.memory_space<vmem>>
        %dma_wait3A_105 = tpu.memref_squeeze %dma_wait3A_104 : memref<1x128xi32, #tpu.memory_space<vmem>> -> memref<128xi32, #tpu.memory_space<vmem>>
        %dma_wait3A_106 = arith.constant 0 : i32
        %dma_wait3A_107 = arith.constant 0 : i32
        %dma_wait3A_108 = tpu.memref_slice %arg13[%dma_wait3A_106, %dma_wait3A_107] : memref<10240x128xbf16, #tpu.memory_space<vmem_shared>> -> memref<10240x128xbf16, #tpu.memory_space<vmem_shared>>
        tpu.wait_indirect_dma semaphore(%run_scoped3A : memref<!tpu.dma_semaphore, #tpu.memory_space<semaphore_mem>>) src(%arg11 : memref<128x128xbf16, #tpu.memory_space<vmem>>) dst(%dma_wait3A_108 : memref<10240x128xbf16, #tpu.memory_space<vmem_shared>>)
        tpu.yield
      }) : () -> ()
      %lt3A_76 = arith.constant 39 : i32
      %lt3A_77 = arith.cmpi slt, %scan3A_39, %lt3A_76 : i32
      %convert_element_type3A_78 = arith.extui %lt3A_77 : i1 to i32
      %cond3A_79 = arith.constant 0 : i32
      %cond3A_80 = arith.cmpi ne, %convert_element_type3A_78, %cond3A_79 : i32
      scf.if %cond3A_80 {
        %add3A_97 = arith.constant 4 : i32
        %add3A_98 = arith.addi %add3A_69, %add3A_97 : i32
        %dma_start3A_99 = arith.constant 0 : i32
        %dma_start3A_100 = tpu.memref_slice %arg7[%add3A_98, %dma_start3A_99] : memref<160x128xi32, #tpu.memory_space<vmem>> -> memref<1x128xi32, #tpu.memory_space<vmem>>
        %dma_start3A_101 = tpu.memref_squeeze %dma_start3A_100 : memref<1x128xi32, #tpu.memory_space<vmem>> -> memref<128xi32, #tpu.memory_space<vmem>>
        %dma_start3A_102 = arith.constant 0 : i32
        %dma_start3A_103 = arith.constant 0 : i32
        %dma_start3A_104 = tpu.memref_slice %arg2[%dma_start3A_102, %dma_start3A_103] : memref<20480x128xbf16, #tpu.memory_space<hbm>> -> memref<20480x128xbf16, #tpu.memory_space<hbm>>
        tpu.enqueue_indirect_dma source(%dma_start3A_104 : memref<20480x128xbf16, #tpu.memory_space<hbm>>) target(%arg11 : memref<128x128xbf16, #tpu.memory_space<vmem>>) offsets(%dma_start3A_101 : memref<128xi32, #tpu.memory_space<vmem>>) semaphore(%arg16 : memref<!tpu.dma_semaphore, #tpu.memory_space<semaphore_mem>>)
      } else {
      }
      %mul3A_81 = arith.constant 4 : i32
      %mul3A_82 = arith.muli %scan3A_39, %mul3A_81 : i32
      %add3A_83 = arith.constant 3 : i32
      %add3A_84 = arith.addi %mul3A_82, %add3A_83 : i32
      %dma_wait3A_85 = arith.constant 0 : i32
      %dma_wait3A_86 = tpu.memref_slice %arg7[%add3A_84, %dma_wait3A_85] : memref<160x128xi32, #tpu.memory_space<vmem>> -> memref<1x128xi32, #tpu.memory_space<vmem>>
      %dma_wait3A_87 = tpu.memref_squeeze %dma_wait3A_86 : memref<1x128xi32, #tpu.memory_space<vmem>> -> memref<128xi32, #tpu.memory_space<vmem>>
      %dma_wait3A_88 = arith.constant 0 : i32
      %dma_wait3A_89 = arith.constant 0 : i32
      %dma_wait3A_90 = tpu.memref_slice %arg2[%dma_wait3A_88, %dma_wait3A_89] : memref<20480x128xbf16, #tpu.memory_space<hbm>> -> memref<20480x128xbf16, #tpu.memory_space<hbm>>
      tpu.wait_indirect_dma semaphore(%arg17 : memref<!tpu.dma_semaphore, #tpu.memory_space<semaphore_mem>>) src(%dma_wait3A_90 : memref<20480x128xbf16, #tpu.memory_space<hbm>>) dst(%arg12 : memref<128x128xbf16, #tpu.memory_space<vmem>>)
      "tpu.region"() ({
        %run_scoped3A = tpu.sem_alloc : memref<!tpu.dma_semaphore, #tpu.memory_space<semaphore_mem>>
        %dma_start3A_97 = arith.constant 0 : i32
        %dma_start3A_98 = tpu.memref_slice %arg8[%add3A_84, %dma_start3A_97] : memref<160x128xi32, #tpu.memory_space<vmem>> -> memref<1x128xi32, #tpu.memory_space<vmem>>
        %dma_start3A_99 = tpu.memref_squeeze %dma_start3A_98 : memref<1x128xi32, #tpu.memory_space<vmem>> -> memref<128xi32, #tpu.memory_space<vmem>>
        %dma_start3A_100 = arith.constant 0 : i32
        %dma_start3A_101 = arith.constant 0 : i32
        %dma_start3A_102 = tpu.memref_slice %arg13[%dma_start3A_100, %dma_start3A_101] : memref<10240x128xbf16, #tpu.memory_space<vmem_shared>> -> memref<10240x128xbf16, #tpu.memory_space<vmem_shared>>
        tpu.enqueue_indirect_dma source(%arg12 : memref<128x128xbf16, #tpu.memory_space<vmem>>) target(%dma_start3A_102 : memref<10240x128xbf16, #tpu.memory_space<vmem_shared>>) offsets(%dma_start3A_99 : memref<128xi32, #tpu.memory_space<vmem>>) semaphore(%run_scoped3A : memref<!tpu.dma_semaphore, #tpu.memory_space<semaphore_mem>>) {add = true}
        %dma_wait3A_103 = arith.constant 0 : i32
        %dma_wait3A_104 = tpu.memref_slice %arg8[%add3A_84, %dma_wait3A_103] : memref<160x128xi32, #tpu.memory_space<vmem>> -> memref<1x128xi32, #tpu.memory_space<vmem>>
        %dma_wait3A_105 = tpu.memref_squeeze %dma_wait3A_104 : memref<1x128xi32, #tpu.memory_space<vmem>> -> memref<128xi32, #tpu.memory_space<vmem>>
        %dma_wait3A_106 = arith.constant 0 : i32
        %dma_wait3A_107 = arith.constant 0 : i32
        %dma_wait3A_108 = tpu.memref_slice %arg13[%dma_wait3A_106, %dma_wait3A_107] : memref<10240x128xbf16, #tpu.memory_space<vmem_shared>> -> memref<10240x128xbf16, #tpu.memory_space<vmem_shared>>
        tpu.wait_indirect_dma semaphore(%run_scoped3A : memref<!tpu.dma_semaphore, #tpu.memory_space<semaphore_mem>>) src(%arg12 : memref<128x128xbf16, #tpu.memory_space<vmem>>) dst(%dma_wait3A_108 : memref<10240x128xbf16, #tpu.memory_space<vmem_shared>>)
        tpu.yield
      }) : () -> ()
      %lt3A_91 = arith.constant 39 : i32
      %lt3A_92 = arith.cmpi slt, %scan3A_39, %lt3A_91 : i32
      %convert_element_type3A_93 = arith.extui %lt3A_92 : i1 to i32
      %cond3A_94 = arith.constant 0 : i32
      %cond3A_95 = arith.cmpi ne, %convert_element_type3A_93, %cond3A_94 : i32
      scf.if %cond3A_95 {
        %add3A_97 = arith.constant 4 : i32
        %add3A_98 = arith.addi %add3A_84, %add3A_97 : i32
        %dma_start3A_99 = arith.constant 0 : i32
        %dma_start3A_100 = tpu.memref_slice %arg7[%add3A_98, %dma_start3A_99] : memref<160x128xi32, #tpu.memory_space<vmem>> -> memref<1x128xi32, #tpu.memory_space<vmem>>
        %dma_start3A_101 = tpu.memref_squeeze %dma_start3A_100 : memref<1x128xi32, #tpu.memory_space<vmem>> -> memref<128xi32, #tpu.memory_space<vmem>>
        %dma_start3A_102 = arith.constant 0 : i32
        %dma_start3A_103 = arith.constant 0 : i32
        %dma_start3A_104 = tpu.memref_slice %arg2[%dma_start3A_102, %dma_start3A_103] : memref<20480x128xbf16, #tpu.memory_space<hbm>> -> memref<20480x128xbf16, #tpu.memory_space<hbm>>
        tpu.enqueue_indirect_dma source(%dma_start3A_104 : memref<20480x128xbf16, #tpu.memory_space<hbm>>) target(%arg12 : memref<128x128xbf16, #tpu.memory_space<vmem>>) offsets(%dma_start3A_101 : memref<128xi32, #tpu.memory_space<vmem>>) semaphore(%arg17 : memref<!tpu.dma_semaphore, #tpu.memory_space<semaphore_mem>>)
      } else {
      }
      %scan3A_96 = arith.constant 0 : i32
      scf.yield %scan3A_96 : i32
    }
    %scan3A_33 = arith.constant 40 : i32
    %barrier3A_34 = arith.constant 0 : index
    tpu.barrier barrier_id(%barrier3A_34)
    %mul3A_35 = arith.constant 640 : i32
    %mul3A_36 = arith.muli %arg1, %mul3A_35 : i32
    %mul3A_37 = arith.constant 640 : i32
    %mul3A_38 = arith.muli %arg1, %mul3A_37 : i32
    "tpu.region"() ({
      %run_scoped3A = tpu.sem_alloc : memref<!tpu.dma_semaphore, #tpu.memory_space<semaphore_mem>>
      %dma_start3A_39 = arith.constant 0 : i32
      %dma_start3A_40 = tpu.memref_slice %arg6[%arg0, %mul3A_38, %dma_start3A_39] : memref<2x10240x128xbf16, #tpu.memory_space<hbm>> -> memref<1x640x128xbf16, #tpu.memory_space<hbm>>
      %dma_start3A_41 = tpu.memref_squeeze %dma_start3A_40 : memref<1x640x128xbf16, #tpu.memory_space<hbm>> -> memref<640x128xbf16, #tpu.memory_space<hbm>>
      %dma_start3A_42 = arith.constant 0 : i32
      %dma_start3A_43 = tpu.memref_slice %arg13[%mul3A_36, %dma_start3A_42] : memref<10240x128xbf16, #tpu.memory_space<vmem_shared>> -> memref<640x128xbf16, #tpu.memory_space<vmem_shared>>
      tpu.enqueue_dma source(%dma_start3A_43 : memref<640x128xbf16, #tpu.memory_space<vmem_shared>>) target(%dma_start3A_41 : memref<640x128xbf16, #tpu.memory_space<hbm>>) target_semaphore(%run_scoped3A : memref<!tpu.dma_semaphore, #tpu.memory_space<semaphore_mem>>)
      %dma_wait3A = arith.constant 0 : i32
      %dma_wait3A_44 = tpu.memref_slice %arg6[%arg0, %mul3A_38, %dma_wait3A] : memref<2x10240x128xbf16, #tpu.memory_space<hbm>> -> memref<1x640x128xbf16, #tpu.memory_space<hbm>>
      %dma_wait3A_45 = tpu.memref_squeeze %dma_wait3A_44 : memref<1x640x128xbf16, #tpu.memory_space<hbm>> -> memref<640x128xbf16, #tpu.memory_space<hbm>>
      %dma_wait3A_46 = arith.constant 0 : i32
      %dma_wait3A_47 = tpu.memref_slice %arg13[%mul3A_36, %dma_wait3A_46] : memref<10240x128xbf16, #tpu.memory_space<vmem_shared>> -> memref<640x128xbf16, #tpu.memory_space<vmem_shared>>
      tpu.wait_dma2 semaphore(%run_scoped3A : memref<!tpu.dma_semaphore, #tpu.memory_space<semaphore_mem>>) src(%dma_wait3A_47 : memref<640x128xbf16, #tpu.memory_space<vmem_shared>>) dst(%dma_wait3A_45 : memref<640x128xbf16, #tpu.memory_space<hbm>>)
      tpu.yield
    }) : () -> ()
    return
  }
}

module attributes {stable_mosaic.version = 14 : i64} {
  func.func @_b1_body(%arg0: i32, %arg1: memref<2560x128xf32, #tpu.memory_space<vmem>>, %arg2: memref<128x256xf32, #tpu.memory_space<vmem>>, %arg3: memref<32x2560xf32, #tpu.memory_space<vmem>>, %arg4: memref<2x2560x128xbf16, #tpu.memory_space<vmem>>) attributes {dimension_semantics = [#tpu.dimension_semantics<arbitrary>], iteration_bounds = array<i64: 4>, scalar_prefetch = 0 : i64, scratch_operands = 0 : i64, tpu.core_type = #tpu.core_type<tc>, window_params = [{transform_indices = @transform_0, window_bounds = array<i64: 2560, 128>}, {pipeline_mode = #tpu.pipeline_mode<synchronous>, transform_indices = @transform_1, window_bounds = array<i64: 128, 256>}, {transform_indices = @transform_2, window_bounds = array<i64: 32, 2560>}, {transform_indices = @transform_3, window_bounds = array<i64: 2, 2560, 128>}]} {
    %get3A = arith.constant 0 : index
    %get3A_0 = arith.constant 0 : index
    %get3A_1 = vector.load %arg3[%get3A, %get3A_0] : memref<32x2560xf32, #tpu.memory_space<vmem>>, vector<32x2560xf32>
    %broadcast_in_dim3A = arith.constant 1.000000e+00 : f32
    %broadcast_in_dim3A_2 = vector.broadcast %broadcast_in_dim3A : f32 to vector<32x1xf32>
    %dot_general3A = arith.constant dense<0.000000e+00> : vector<2560x1xf32>
    %dot_general3A_3 = tpu.matmul %get3A_1, %broadcast_in_dim3A_2, %dot_general3A {dimension_numbers = #tpu.dot_dimension_numbers<[0], [0], [1], [1], [0, 1, 1, 1], [], []>, transpose_lhs_hint = false} : vector<32x2560xf32>, vector<32x1xf32>, vector<2560x1xf32> -> vector<2560x1xf32>
    %add3A = arith.constant 1.000000e+00 : f32
    %add3A_4 = vector.broadcast %add3A : f32 to vector<2560x1xf32>
    %add3A_5 = arith.addf %dot_general3A_3, %add3A_4 : vector<2560x1xf32>
    %rsqrt3A = math.rsqrt %add3A_5 : vector<2560x1xf32>
    %get3A_6 = arith.constant 0 : index
    %get3A_7 = arith.constant 0 : index
    %get3A_8 = vector.load %arg1[%get3A_6, %get3A_7] : memref<2560x128xf32, #tpu.memory_space<vmem>>, vector<2560x128xf32>
    %get3A_9 = arith.constant 0 : index
    %get3A_10 = arith.constant 0 : index
    %get3A_11 = vector.load %arg2[%get3A_9, %get3A_10] : memref<128x256xf32, #tpu.memory_space<vmem>>, vector<128x256xf32>
    %dot_general3A_12 = arith.constant dense<0.000000e+00> : vector<2560x256xf32>
    %dot_general3A_13 = tpu.matmul %get3A_8, %get3A_11, %dot_general3A_12 {dimension_numbers = #tpu.dot_dimension_numbers<[1], [0], [0], [1], [0, 0, 1, 1], [], []>, transpose_lhs_hint = false} : vector<2560x128xf32>, vector<128x256xf32>, vector<2560x256xf32> -> vector<2560x256xf32>
    %mul3A = vector.broadcast %rsqrt3A : vector<2560x1xf32> to vector<2560x256xf32>
    %mul3A_14 = arith.mulf %dot_general3A_13, %mul3A : vector<2560x256xf32>
    %slice3A = vector.extract_strided_slice %mul3A_14 {offsets = [0, 0], sizes = [2560, 128], strides = [1, 1]} : vector<2560x256xf32> to vector<2560x128xf32>
    %convert_element_type3A = arith.truncf %slice3A : vector<2560x128xf32> to vector<2560x128xbf16>
    %swap3A = arith.constant 0 : index
    %swap3A_15 = arith.constant 0 : index
    %swap3A_16 = arith.constant 0 : index
    %swap3A_17 = vector.load %arg4[%swap3A, %swap3A_15, %swap3A_16] : memref<2x2560x128xbf16, #tpu.memory_space<vmem>>, vector<1x2560x128xbf16>
    %swap3A_18 = vector.shape_cast %swap3A_17 : vector<1x2560x128xbf16> to vector<2560x128xbf16>
    %swap3A_19 = vector.shape_cast %convert_element_type3A : vector<2560x128xbf16> to vector<1x2560x128xbf16>
    tpu.vector_store %arg4[%swap3A, %swap3A_15, %swap3A_16], %swap3A_19 {strides = array<i32>} : memref<2x2560x128xbf16, #tpu.memory_space<vmem>>, vector<1x2560x128xbf16>,
    %slice3A_20 = vector.extract_strided_slice %mul3A_14 {offsets = [0, 128], sizes = [2560, 128], strides = [1, 1]} : vector<2560x256xf32> to vector<2560x128xf32>
    %convert_element_type3A_21 = arith.truncf %slice3A_20 : vector<2560x128xf32> to vector<2560x128xbf16>
    %swap3A_22 = arith.constant 1 : index
    %swap3A_23 = arith.constant 0 : index
    %swap3A_24 = arith.constant 0 : index
    %swap3A_25 = vector.load %arg4[%swap3A_22, %swap3A_23, %swap3A_24] : memref<2x2560x128xbf16, #tpu.memory_space<vmem>>, vector<1x2560x128xbf16>
    %swap3A_26 = vector.shape_cast %swap3A_25 : vector<1x2560x128xbf16> to vector<2560x128xbf16>
    %swap3A_27 = vector.shape_cast %convert_element_type3A_21 : vector<2560x128xbf16> to vector<1x2560x128xbf16>
    tpu.vector_store %arg4[%swap3A_22, %swap3A_23, %swap3A_24], %swap3A_27 {strides = array<i32>} : memref<2x2560x128xbf16, #tpu.memory_space<vmem>>, vector<1x2560x128xbf16>,
    return
  }
  func.func @transform_0(%arg0: i32) -> (i32, i32) {
    %c0_i32 = arith.constant 0 : i32
    %c0_i32_0 = arith.constant 0 : i32
    return %arg0, %c0_i32 : i32, i32
  }
  func.func @transform_1(%arg0: i32) -> (i32, i32) {
    %c0_i32 = arith.constant 0 : i32
    %c0_i32_0 = arith.constant 0 : i32
    %c0_i32_1 = arith.constant 0 : i32
    return %c0_i32, %c0_i32_0 : i32, i32
  }
  func.func @transform_2(%arg0: i32) -> (i32, i32) {
    %c0_i32 = arith.constant 0 : i32
    %c0_i32_0 = arith.constant 0 : i32
    return %c0_i32, %arg0 : i32, i32
  }
  func.func @transform_3(%arg0: i32) -> (i32, i32, i32) {
    %c0_i32 = arith.constant 0 : i32
    %c0_i32_0 = arith.constant 0 : i32
    %c0_i32_1 = arith.constant 0 : i32
    return %c0_i32, %arg0, %c0_i32_0 : i32, i32, i32
  }
}

module attributes {stable_mosaic.version = 14 : i64} {
  func.func @_mid_body(%arg0: i32, %arg1: memref<2x2560x128xbf16, #tpu.memory_space<vmem>>, %arg2: memref<2x2560x128xbf16, #tpu.memory_space<vmem>>, %arg3: memref<32x2560xf32, #tpu.memory_space<vmem>>, %arg4: memref<1x256xf32, #tpu.memory_space<vmem>>, %arg5: memref<256x256xf32, #tpu.memory_space<vmem>>, %arg6: memref<2x2560x128xbf16, #tpu.memory_space<vmem>>) attributes {dimension_semantics = [#tpu.dimension_semantics<arbitrary>], iteration_bounds = array<i64: 4>, scalar_prefetch = 0 : i64, scratch_operands = 0 : i64, tpu.core_type = #tpu.core_type<tc>, window_params = [{transform_indices = @transform_0, window_bounds = array<i64: 2, 2560, 128>}, {transform_indices = @transform_1, window_bounds = array<i64: 2, 2560, 128>}, {transform_indices = @transform_2, window_bounds = array<i64: 32, 2560>}, {pipeline_mode = #tpu.pipeline_mode<synchronous>, transform_indices = @transform_3, window_bounds = array<i64: 1, 256>}, {pipeline_mode = #tpu.pipeline_mode<synchronous>, transform_indices = @transform_4, window_bounds = array<i64: 256, 256>}, {transform_indices = @transform_5, window_bounds = array<i64: 2, 2560, 128>}]} {
    %get3A = arith.constant 0 : index
    %get3A_0 = arith.constant 0 : index
    %get3A_1 = vector.load %arg3[%get3A, %get3A_0] : memref<32x2560xf32, #tpu.memory_space<vmem>>, vector<32x2560xf32>
    %broadcast_in_dim3A = arith.constant 1.000000e+00 : f32
    %broadcast_in_dim3A_2 = vector.broadcast %broadcast_in_dim3A : f32 to vector<32x1xf32>
    %dot_general3A = arith.constant dense<0.000000e+00> : vector<2560x1xf32>
    %dot_general3A_3 = tpu.matmul %get3A_1, %broadcast_in_dim3A_2, %dot_general3A {dimension_numbers = #tpu.dot_dimension_numbers<[0], [0], [1], [1], [0, 1, 1, 1], [], []>, transpose_lhs_hint = false} : vector<32x2560xf32>, vector<32x1xf32>, vector<2560x1xf32> -> vector<2560x1xf32>
    %add3A = arith.constant 1.000000e+00 : f32
    %add3A_4 = vector.broadcast %add3A : f32 to vector<2560x1xf32>
    %add3A_5 = arith.addf %dot_general3A_3, %add3A_4 : vector<2560x1xf32>
    %rsqrt3A = math.rsqrt %add3A_5 : vector<2560x1xf32>
    %get3A_6 = arith.constant 0 : index
    %get3A_7 = arith.constant 0 : index
    %get3A_8 = vector.load %arg4[%get3A_6, %get3A_7] : memref<1x256xf32, #tpu.memory_space<vmem>>, vector<1x256xf32>
    %get3A_9 = arith.constant 0 : index
    %get3A_10 = arith.constant 0 : index
    %get3A_11 = arith.constant 0 : index
    %get3A_12 = vector.load %arg1[%get3A_9, %get3A_10, %get3A_11] : memref<2x2560x128xbf16, #tpu.memory_space<vmem>>, vector<1x2560x128xbf16>
    %get3A_13 = vector.shape_cast %get3A_12 : vector<1x2560x128xbf16> to vector<2560x128xbf16>
    %convert_element_type3A = arith.extf %get3A_13 : vector<2560x128xbf16> to vector<2560x128xf32>
    %get3A_14 = arith.constant 0 : index
    %get3A_15 = arith.constant 0 : index
    %get3A_16 = arith.constant 0 : index
    %get3A_17 = vector.load %arg2[%get3A_14, %get3A_15, %get3A_16] : memref<2x2560x128xbf16, #tpu.memory_space<vmem>>, vector<1x2560x128xbf16>
    %get3A_18 = vector.shape_cast %get3A_17 : vector<1x2560x128xbf16> to vector<2560x128xbf16>
    %convert_element_type3A_19 = arith.extf %get3A_18 : vector<2560x128xbf16> to vector<2560x128xf32>
    %add3A_20 = arith.addf %convert_element_type3A, %convert_element_type3A_19 : vector<2560x128xf32>
    %mul3A = vector.broadcast %rsqrt3A : vector<2560x1xf32> to vector<2560x128xf32>
    %mul3A_21 = arith.mulf %mul3A, %add3A_20 : vector<2560x128xf32>
    %slice3A = vector.extract_strided_slice %get3A_8 {offsets = [0, 0], sizes = [1, 128], strides = [1, 1]} : vector<1x256xf32> to vector<1x128xf32>
    %add3A_22 = vector.broadcast %slice3A : vector<1x128xf32> to vector<2560x128xf32>
    %add3A_23 = arith.addf %mul3A_21, %add3A_22 : vector<2560x128xf32>
    %max3A = arith.constant 0.000000e+00 : f32
    %max3A_24 = vector.broadcast %max3A : f32 to vector<2560x128xf32>
    %max3A_25 = arith.maximumf %add3A_23, %max3A_24 : vector<2560x128xf32>
    %get3A_26 = arith.constant 1 : index
    %get3A_27 = arith.constant 0 : index
    %get3A_28 = arith.constant 0 : index
    %get3A_29 = vector.load %arg1[%get3A_26, %get3A_27, %get3A_28] : memref<2x2560x128xbf16, #tpu.memory_space<vmem>>, vector<1x2560x128xbf16>
    %get3A_30 = vector.shape_cast %get3A_29 : vector<1x2560x128xbf16> to vector<2560x128xbf16>
    %convert_element_type3A_31 = arith.extf %get3A_30 : vector<2560x128xbf16> to vector<2560x128xf32>
    %get3A_32 = arith.constant 1 : index
    %get3A_33 = arith.constant 0 : index
    %get3A_34 = arith.constant 0 : index
    %get3A_35 = vector.load %arg2[%get3A_32, %get3A_33, %get3A_34] : memref<2x2560x128xbf16, #tpu.memory_space<vmem>>, vector<1x2560x128xbf16>
    %get3A_36 = vector.shape_cast %get3A_35 : vector<1x2560x128xbf16> to vector<2560x128xbf16>
    %convert_element_type3A_37 = arith.extf %get3A_36 : vector<2560x128xbf16> to vector<2560x128xf32>
    %add3A_38 = arith.addf %convert_element_type3A_31, %convert_element_type3A_37 : vector<2560x128xf32>
    %mul3A_39 = vector.broadcast %rsqrt3A : vector<2560x1xf32> to vector<2560x128xf32>
    %mul3A_40 = arith.mulf %mul3A_39, %add3A_38 : vector<2560x128xf32>
    %slice3A_41 = vector.extract_strided_slice %get3A_8 {offsets = [0, 128], sizes = [1, 128], strides = [1, 1]} : vector<1x256xf32> to vector<1x128xf32>
    %add3A_42 = vector.broadcast %slice3A_41 : vector<1x128xf32> to vector<2560x128xf32>
    %add3A_43 = arith.addf %mul3A_40, %add3A_42 : vector<2560x128xf32>
    %max3A_44 = arith.constant 0.000000e+00 : f32
    %max3A_45 = vector.broadcast %max3A_44 : f32 to vector<2560x128xf32>
    %max3A_46 = arith.maximumf %add3A_43, %max3A_45 : vector<2560x128xf32>
    %concatenate3A = tpu.concatenate %max3A_25, %max3A_46 in 1 : vector<2560x128xf32>, vector<2560x128xf32> -> vector<2560x256xf32>
    %get3A_47 = arith.constant 0 : index
    %get3A_48 = arith.constant 0 : index
    %get3A_49 = vector.load %arg5[%get3A_47, %get3A_48] : memref<256x256xf32, #tpu.memory_space<vmem>>, vector<256x256xf32>
    %dot_general3A_50 = arith.constant dense<0.000000e+00> : vector<2560x256xf32>
    %dot_general3A_51 = tpu.matmul %concatenate3A, %get3A_49, %dot_general3A_50 {dimension_numbers = #tpu.dot_dimension_numbers<[1], [0], [0], [1], [0, 0, 1, 1], [], []>, transpose_lhs_hint = false} : vector<2560x256xf32>, vector<256x256xf32>, vector<2560x256xf32> -> vector<2560x256xf32>
    %mul3A_52 = vector.broadcast %rsqrt3A : vector<2560x1xf32> to vector<2560x256xf32>
    %mul3A_53 = arith.mulf %dot_general3A_51, %mul3A_52 : vector<2560x256xf32>
    %slice3A_54 = vector.extract_strided_slice %mul3A_53 {offsets = [0, 0], sizes = [2560, 128], strides = [1, 1]} : vector<2560x256xf32> to vector<2560x128xf32>
    %convert_element_type3A_55 = arith.truncf %slice3A_54 : vector<2560x128xf32> to vector<2560x128xbf16>
    %swap3A = arith.constant 0 : index
    %swap3A_56 = arith.constant 0 : index
    %swap3A_57 = arith.constant 0 : index
    %swap3A_58 = vector.load %arg6[%swap3A, %swap3A_56, %swap3A_57] : memref<2x2560x128xbf16, #tpu.memory_space<vmem>>, vector<1x2560x128xbf16>
    %swap3A_59 = vector.shape_cast %swap3A_58 : vector<1x2560x128xbf16> to vector<2560x128xbf16>
    %swap3A_60 = vector.shape_cast %convert_element_type3A_55 : vector<2560x128xbf16> to vector<1x2560x128xbf16>
    tpu.vector_store %arg6[%swap3A, %swap3A_56, %swap3A_57], %swap3A_60 {strides = array<i32>} : memref<2x2560x128xbf16, #tpu.memory_space<vmem>>, vector<1x2560x128xbf16>,
    %slice3A_61 = vector.extract_strided_slice %mul3A_53 {offsets = [0, 128], sizes = [2560, 128], strides = [1, 1]} : vector<2560x256xf32> to vector<2560x128xf32>
    %convert_element_type3A_62 = arith.truncf %slice3A_61 : vector<2560x128xf32> to vector<2560x128xbf16>
    %swap3A_63 = arith.constant 1 : index
    %swap3A_64 = arith.constant 0 : index
    %swap3A_65 = arith.constant 0 : index
    %swap3A_66 = vector.load %arg6[%swap3A_63, %swap3A_64, %swap3A_65] : memref<2x2560x128xbf16, #tpu.memory_space<vmem>>, vector<1x2560x128xbf16>
    %swap3A_67 = vector.shape_cast %swap3A_66 : vector<1x2560x128xbf16> to vector<2560x128xbf16>
    %swap3A_68 = vector.shape_cast %convert_element_type3A_62 : vector<2560x128xbf16> to vector<1x2560x128xbf16>
    tpu.vector_store %arg6[%swap3A_63, %swap3A_64, %swap3A_65], %swap3A_68 {strides = array<i32>} : memref<2x2560x128xbf16, #tpu.memory_space<vmem>>, vector<1x2560x128xbf16>,
    return
  }
  func.func @transform_0(%arg0: i32) -> (i32, i32, i32) {
    %c0_i32 = arith.constant 0 : i32
    %c0_i32_0 = arith.constant 0 : i32
    %c0_i32_1 = arith.constant 0 : i32
    return %c0_i32, %arg0, %c0_i32_0 : i32, i32, i32
  }
  func.func @transform_1(%arg0: i32) -> (i32, i32, i32) {
    %c0_i32 = arith.constant 0 : i32
    %c0_i32_0 = arith.constant 0 : i32
    %c0_i32_1 = arith.constant 0 : i32
    return %c0_i32, %arg0, %c0_i32_0 : i32, i32, i32
  }
  func.func @transform_2(%arg0: i32) -> (i32, i32) {
    %c0_i32 = arith.constant 0 : i32
    %c0_i32_0 = arith.constant 0 : i32
    return %c0_i32, %arg0 : i32, i32
  }
  func.func @transform_3(%arg0: i32) -> (i32, i32) {
    %c0_i32 = arith.constant 0 : i32
    %c0_i32_0 = arith.constant 0 : i32
    %c0_i32_1 = arith.constant 0 : i32
    return %c0_i32, %c0_i32_0 : i32, i32
  }
  func.func @transform_4(%arg0: i32) -> (i32, i32) {
    %c0_i32 = arith.constant 0 : i32
    %c0_i32_0 = arith.constant 0 : i32
    %c0_i32_1 = arith.constant 0 : i32
    return %c0_i32, %c0_i32_0 : i32, i32
  }
  func.func @transform_5(%arg0: i32) -> (i32, i32, i32) {
    %c0_i32 = arith.constant 0 : i32
    %c0_i32_0 = arith.constant 0 : i32
    %c0_i32_1 = arith.constant 0 : i32
    return %c0_i32, %arg0, %c0_i32_0 : i32, i32, i32
  }
}

module attributes {stable_mosaic.version = 14 : i64} {
  func.func @_final_body(%arg0: i32, %arg1: memref<2x2560x128xbf16, #tpu.memory_space<vmem>>, %arg2: memref<2x2560x128xbf16, #tpu.memory_space<vmem>>, %arg3: memref<32x2560xf32, #tpu.memory_space<vmem>>, %arg4: memref<1x256xf32, #tpu.memory_space<vmem>>, %arg5: memref<2560x1xi32, #tpu.memory_space<vmem>>, %arg6: memref<256x128xf32, #tpu.memory_space<vmem>>, %arg7: memref<1x128xf32, #tpu.memory_space<vmem>>, %arg8: memref<128x10xf32, #tpu.memory_space<vmem>>, %arg9: memref<1x10xf32, #tpu.memory_space<vmem>>, %arg10: memref<16x10xf32, #tpu.memory_space<vmem>>, %arg11: memref<16x256xf32, #tpu.memory_space<vmem>>, %arg12: memref<16x1xf32, #tpu.memory_space<vmem>>) attributes {dimension_semantics = [#tpu.dimension_semantics<arbitrary>], iteration_bounds = array<i64: 4>, scalar_prefetch = 0 : i64, scratch_operands = 2 : i64, tpu.core_type = #tpu.core_type<tc>, window_params = [{transform_indices = @transform_0, window_bounds = array<i64: 2, 2560, 128>}, {transform_indices = @transform_1, window_bounds = array<i64: 2, 2560, 128>}, {transform_indices = @transform_2, window_bounds = array<i64: 32, 2560>}, {pipeline_mode = #tpu.pipeline_mode<synchronous>, transform_indices = @transform_3, window_bounds = array<i64: 1, 256>}, {transform_indices = @transform_4, window_bounds = array<i64: 2560, 1>}, {pipeline_mode = #tpu.pipeline_mode<synchronous>, transform_indices = @transform_5, window_bounds = array<i64: 256, 128>}, {pipeline_mode = #tpu.pipeline_mode<synchronous>, transform_indices = @transform_6, window_bounds = array<i64: 1, 128>}, {pipeline_mode = #tpu.pipeline_mode<synchronous>, transform_indices = @transform_7, window_bounds = array<i64: 128, 10>}, {pipeline_mode = #tpu.pipeline_mode<synchronous>, transform_indices = @transform_8, window_bounds = array<i64: 1, 10>}, {pipeline_mode = #tpu.pipeline_mode<synchronous>, transform_indices = @transform_9, window_bounds = array<i64: 16, 10>}]} {
    %get3A = arith.constant 0 : index
    %get3A_0 = arith.constant 0 : index
    %get3A_1 = vector.load %arg3[%get3A, %get3A_0] : memref<32x2560xf32, #tpu.memory_space<vmem>>, vector<32x2560xf32>
    %broadcast_in_dim3A = arith.constant 1.000000e+00 : f32
    %broadcast_in_dim3A_2 = vector.broadcast %broadcast_in_dim3A : f32 to vector<32x1xf32>
    %dot_general3A = arith.constant dense<0.000000e+00> : vector<2560x1xf32>
    %dot_general3A_3 = tpu.matmul %get3A_1, %broadcast_in_dim3A_2, %dot_general3A {dimension_numbers = #tpu.dot_dimension_numbers<[0], [0], [1], [1], [0, 1, 1, 1], [], []>, transpose_lhs_hint = false} : vector<32x2560xf32>, vector<32x1xf32>, vector<2560x1xf32> -> vector<2560x1xf32>
    %add3A = arith.constant 1.000000e+00 : f32
    %add3A_4 = vector.broadcast %add3A : f32 to vector<2560x1xf32>
    %add3A_5 = arith.addf %dot_general3A_3, %add3A_4 : vector<2560x1xf32>
    %rsqrt3A = math.rsqrt %add3A_5 : vector<2560x1xf32>
    %get3A_6 = arith.constant 0 : index
    %get3A_7 = arith.constant 0 : index
    %get3A_8 = vector.load %arg4[%get3A_6, %get3A_7] : memref<1x256xf32, #tpu.memory_space<vmem>>, vector<1x256xf32>
    %get3A_9 = arith.constant 0 : index
    %get3A_10 = arith.constant 0 : index
    %get3A_11 = arith.constant 0 : index
    %get3A_12 = vector.load %arg1[%get3A_9, %get3A_10, %get3A_11] : memref<2x2560x128xbf16, #tpu.memory_space<vmem>>, vector<1x2560x128xbf16>
    %get3A_13 = vector.shape_cast %get3A_12 : vector<1x2560x128xbf16> to vector<2560x128xbf16>
    %convert_element_type3A = arith.extf %get3A_13 : vector<2560x128xbf16> to vector<2560x128xf32>
    %get3A_14 = arith.constant 0 : index
    %get3A_15 = arith.constant 0 : index
    %get3A_16 = arith.constant 0 : index
    %get3A_17 = vector.load %arg2[%get3A_14, %get3A_15, %get3A_16] : memref<2x2560x128xbf16, #tpu.memory_space<vmem>>, vector<1x2560x128xbf16>
    %get3A_18 = vector.shape_cast %get3A_17 : vector<1x2560x128xbf16> to vector<2560x128xbf16>
    %convert_element_type3A_19 = arith.extf %get3A_18 : vector<2560x128xbf16> to vector<2560x128xf32>
    %add3A_20 = arith.addf %convert_element_type3A, %convert_element_type3A_19 : vector<2560x128xf32>
    %mul3A = vector.broadcast %rsqrt3A : vector<2560x1xf32> to vector<2560x128xf32>
    %mul3A_21 = arith.mulf %mul3A, %add3A_20 : vector<2560x128xf32>
    %slice3A = vector.extract_strided_slice %get3A_8 {offsets = [0, 0], sizes = [1, 128], strides = [1, 1]} : vector<1x256xf32> to vector<1x128xf32>
    %add3A_22 = vector.broadcast %slice3A : vector<1x128xf32> to vector<2560x128xf32>
    %add3A_23 = arith.addf %mul3A_21, %add3A_22 : vector<2560x128xf32>
    %max3A = arith.constant 0.000000e+00 : f32
    %max3A_24 = vector.broadcast %max3A : f32 to vector<2560x128xf32>
    %max3A_25 = arith.maximumf %add3A_23, %max3A_24 : vector<2560x128xf32>
    %get3A_26 = arith.constant 1 : index
    %get3A_27 = arith.constant 0 : index
    %get3A_28 = arith.constant 0 : index
    %get3A_29 = vector.load %arg1[%get3A_26, %get3A_27, %get3A_28] : memref<2x2560x128xbf16, #tpu.memory_space<vmem>>, vector<1x2560x128xbf16>
    %get3A_30 = vector.shape_cast %get3A_29 : vector<1x2560x128xbf16> to vector<2560x128xbf16>
    %convert_element_type3A_31 = arith.extf %get3A_30 : vector<2560x128xbf16> to vector<2560x128xf32>
    %get3A_32 = arith.constant 1 : index
    %get3A_33 = arith.constant 0 : index
    %get3A_34 = arith.constant 0 : index
    %get3A_35 = vector.load %arg2[%get3A_32, %get3A_33, %get3A_34] : memref<2x2560x128xbf16, #tpu.memory_space<vmem>>, vector<1x2560x128xbf16>
    %get3A_36 = vector.shape_cast %get3A_35 : vector<1x2560x128xbf16> to vector<2560x128xbf16>
    %convert_element_type3A_37 = arith.extf %get3A_36 : vector<2560x128xbf16> to vector<2560x128xf32>
    %add3A_38 = arith.addf %convert_element_type3A_31, %convert_element_type3A_37 : vector<2560x128xf32>
    %mul3A_39 = vector.broadcast %rsqrt3A : vector<2560x1xf32> to vector<2560x128xf32>
    %mul3A_40 = arith.mulf %mul3A_39, %add3A_38 : vector<2560x128xf32>
    %slice3A_41 = vector.extract_strided_slice %get3A_8 {offsets = [0, 128], sizes = [1, 128], strides = [1, 1]} : vector<1x256xf32> to vector<1x128xf32>
    %add3A_42 = vector.broadcast %slice3A_41 : vector<1x128xf32> to vector<2560x128xf32>
    %add3A_43 = arith.addf %mul3A_40, %add3A_42 : vector<2560x128xf32>
    %max3A_44 = arith.constant 0.000000e+00 : f32
    %max3A_45 = vector.broadcast %max3A_44 : f32 to vector<2560x128xf32>
    %max3A_46 = arith.maximumf %add3A_43, %max3A_45 : vector<2560x128xf32>
    %concatenate3A = tpu.concatenate %max3A_25, %max3A_46 in 1 : vector<2560x128xf32>, vector<2560x128xf32> -> vector<2560x256xf32>
    %get3A_47 = arith.constant 0 : index
    %get3A_48 = arith.constant 0 : index
    %get3A_49 = vector.load %arg5[%get3A_47, %get3A_48] : memref<2560x1xi32, #tpu.memory_space<vmem>>, vector<2560x1xi32>
    %iota3A = tpu.iota {dimensions = array<i32: 1>} : vector<2560x16xi32>
    %eq3A = vector.broadcast %get3A_49 : vector<2560x1xi32> to vector<2560x16xi32>
    %eq3A_50 = arith.cmpi eq, %eq3A, %iota3A : vector<2560x16xi32>
    %convert_element_type3A_51 = arith.extui %eq3A_50 : vector<2560x16xi1> to vector<2560x16xi32>
    %convert_element_type3A_52 = arith.sitofp %convert_element_type3A_51 : vector<2560x16xi32> to vector<2560x16xf32>
    %eq3A_53 = arith.constant 0 : i32
    %eq3A_54 = arith.cmpi eq, %arg0, %eq3A_53 : i32
    %convert_element_type3A_55 = arith.extui %eq3A_54 : i1 to i32
    %cond3A = arith.constant 0 : i32
    %cond3A_56 = arith.cmpi ne, %convert_element_type3A_55, %cond3A : i32
    scf.if %cond3A_56 {
      %broadcast_in_dim3A_81 = arith.constant 0.000000e+00 : f32
      %broadcast_in_dim3A_82 = vector.broadcast %broadcast_in_dim3A_81 : f32 to vector<16x256xf32>
      %swap3A_83 = arith.constant 0 : index
      %swap3A_84 = arith.constant 0 : index
      %swap3A_85 = vector.load %arg11[%swap3A_83, %swap3A_84] : memref<16x256xf32, #tpu.memory_space<vmem>>, vector<16x256xf32>
      tpu.vector_store %arg11[%swap3A_83, %swap3A_84], %broadcast_in_dim3A_82 {strides = array<i32>} : memref<16x256xf32, #tpu.memory_space<vmem>>, vector<16x256xf32>,
      %broadcast_in_dim3A_86 = arith.constant 0.000000e+00 : f32
      %broadcast_in_dim3A_87 = vector.broadcast %broadcast_in_dim3A_86 : f32 to vector<16x1xf32>
      %swap3A_88 = arith.constant 0 : index
      %swap3A_89 = arith.constant 0 : index
      %swap3A_90 = vector.load %arg12[%swap3A_88, %swap3A_89] : memref<16x1xf32, #tpu.memory_space<vmem>>, vector<16x1xf32>
      tpu.vector_store %arg12[%swap3A_88, %swap3A_89], %broadcast_in_dim3A_87 {strides = array<i32>} : memref<16x1xf32, #tpu.memory_space<vmem>>, vector<16x1xf32>,
    } else {
    }
    %get3A_57 = arith.constant 0 : index
    %get3A_58 = arith.constant 0 : index
    %get3A_59 = vector.load %arg11[%get3A_57, %get3A_58] : memref<16x256xf32, #tpu.memory_space<vmem>>, vector<16x256xf32>
    %dot_general3A_60 = arith.constant dense<0.000000e+00> : vector<16x256xf32>
    %dot_general3A_61 = tpu.matmul %convert_element_type3A_52, %concatenate3A, %dot_general3A_60 {dimension_numbers = #tpu.dot_dimension_numbers<[0], [0], [1], [1], [0, 1, 1, 1], [], []>, transpose_lhs_hint = false} : vector<2560x16xf32>, vector<2560x256xf32>, vector<16x256xf32> -> vector<16x256xf32>
    %add3A_62 = arith.addf %get3A_59, %dot_general3A_61 : vector<16x256xf32>
    %swap3A = arith.constant 0 : index
    %swap3A_63 = arith.constant 0 : index
    %swap3A_64 = vector.load %arg11[%swap3A, %swap3A_63] : memref<16x256xf32, #tpu.memory_space<vmem>>, vector<16x256xf32>
    tpu.vector_store %arg11[%swap3A, %swap3A_63], %add3A_62 {strides = array<i32>} : memref<16x256xf32, #tpu.memory_space<vmem>>, vector<16x256xf32>,
    %get3A_65 = arith.constant 0 : index
    %get3A_66 = arith.constant 0 : index
    %get3A_67 = vector.load %arg12[%get3A_65, %get3A_66] : memref<16x1xf32, #tpu.memory_space<vmem>>, vector<16x1xf32>
    %broadcast_in_dim3A_68 = arith.constant 1.000000e+00 : f32
    %broadcast_in_dim3A_69 = vector.broadcast %broadcast_in_dim3A_68 : f32 to vector<2560x1xf32>
    %dot_general3A_70 = arith.constant dense<0.000000e+00> : vector<16x1xf32>
    %dot_general3A_71 = tpu.matmul %convert_element_type3A_52, %broadcast_in_dim3A_69, %dot_general3A_70 {dimension_numbers = #tpu.dot_dimension_numbers<[0], [0], [1], [1], [0, 1, 1, 1], [], []>, transpose_lhs_hint = false} : vector<2560x16xf32>, vector<2560x1xf32>, vector<16x1xf32> -> vector<16x1xf32>
    %add3A_72 = arith.addf %get3A_67, %dot_general3A_71 : vector<16x1xf32>
    %swap3A_73 = arith.constant 0 : index
    %swap3A_74 = arith.constant 0 : index
    %swap3A_75 = vector.load %arg12[%swap3A_73, %swap3A_74] : memref<16x1xf32, #tpu.memory_space<vmem>>, vector<16x1xf32>
    tpu.vector_store %arg12[%swap3A_73, %swap3A_74], %add3A_72 {strides = array<i32>} : memref<16x1xf32, #tpu.memory_space<vmem>>, vector<16x1xf32>,
    %eq3A_76 = arith.constant 3 : i32
    %eq3A_77 = arith.cmpi eq, %arg0, %eq3A_76 : i32
    %convert_element_type3A_78 = arith.extui %eq3A_77 : i1 to i32
    %cond3A_79 = arith.constant 0 : i32
    %cond3A_80 = arith.cmpi ne, %convert_element_type3A_78, %cond3A_79 : i32
    scf.if %cond3A_80 {
      %get3A_81 = arith.constant 0 : index
      %get3A_82 = arith.constant 0 : index
      %get3A_83 = vector.load %arg11[%get3A_81, %get3A_82] : memref<16x256xf32, #tpu.memory_space<vmem>>, vector<16x256xf32>
      %get3A_84 = arith.constant 0 : index
      %get3A_85 = arith.constant 0 : index
      %get3A_86 = vector.load %arg12[%get3A_84, %get3A_85] : memref<16x1xf32, #tpu.memory_space<vmem>>, vector<16x1xf32>
      %max3A_87 = arith.constant 1.000000e+00 : f32
      %max3A_88 = vector.broadcast %max3A_87 : f32 to vector<16x1xf32>
      %max3A_89 = arith.maximumf %get3A_86, %max3A_88 : vector<16x1xf32>
      %div3A = vector.broadcast %max3A_89 : vector<16x1xf32> to vector<16x256xf32>
      %div3A_90 = arith.divf %get3A_83, %div3A : vector<16x256xf32>
      %get3A_91 = arith.constant 0 : index
      %get3A_92 = arith.constant 0 : index
      %get3A_93 = vector.load %arg6[%get3A_91, %get3A_92] : memref<256x128xf32, #tpu.memory_space<vmem>>, vector<256x128xf32>
      %dot_general3A_94 = arith.constant dense<0.000000e+00> : vector<16x128xf32>
      %dot_general3A_95 = tpu.matmul %div3A_90, %get3A_93, %dot_general3A_94 {dimension_numbers = #tpu.dot_dimension_numbers<[1], [0], [0], [1], [0, 0, 1, 1], [], []>, transpose_lhs_hint = false} : vector<16x256xf32>, vector<256x128xf32>, vector<16x128xf32> -> vector<16x128xf32>
      %get3A_96 = arith.constant 0 : index
      %get3A_97 = arith.constant 0 : index
      %get3A_98 = vector.load %arg7[%get3A_96, %get3A_97] : memref<1x128xf32, #tpu.memory_space<vmem>>, vector<1x128xf32>
      %add3A_99 = vector.broadcast %get3A_98 : vector<1x128xf32> to vector<16x128xf32>
      %add3A_100 = arith.addf %dot_general3A_95, %add3A_99 : vector<16x128xf32>
      %max3A_101 = arith.constant 0.000000e+00 : f32
      %max3A_102 = vector.broadcast %max3A_101 : f32 to vector<16x128xf32>
      %max3A_103 = arith.maximumf %add3A_100, %max3A_102 : vector<16x128xf32>
      %get3A_104 = arith.constant 0 : index
      %get3A_105 = arith.constant 0 : index
      %get3A_106 = vector.load %arg8[%get3A_104, %get3A_105] : memref<128x10xf32, #tpu.memory_space<vmem>>, vector<128x10xf32>
      %dot_general3A_107 = arith.constant dense<0.000000e+00> : vector<16x10xf32>
      %dot_general3A_108 = tpu.matmul %max3A_103, %get3A_106, %dot_general3A_107 {dimension_numbers = #tpu.dot_dimension_numbers<[1], [0], [0], [1], [0, 0, 1, 1], [], []>, transpose_lhs_hint = false} : vector<16x128xf32>, vector<128x10xf32>, vector<16x10xf32> -> vector<16x10xf32>
      %get3A_109 = arith.constant 0 : index
      %get3A_110 = arith.constant 0 : index
      %get3A_111 = vector.load %arg9[%get3A_109, %get3A_110] : memref<1x10xf32, #tpu.memory_space<vmem>>, vector<1x10xf32>
      %add3A_112 = vector.broadcast %get3A_111 : vector<1x10xf32> to vector<16x10xf32>
      %add3A_113 = arith.addf %dot_general3A_108, %add3A_112 : vector<16x10xf32>
      %swap3A_114 = arith.constant 0 : index
      %swap3A_115 = arith.constant 0 : index
      %swap3A_116 = vector.load %arg10[%swap3A_114, %swap3A_115] : memref<16x10xf32, #tpu.memory_space<vmem>>, vector<16x10xf32>
      tpu.vector_store %arg10[%swap3A_114, %swap3A_115], %add3A_113 {strides = array<i32>} : memref<16x10xf32, #tpu.memory_space<vmem>>, vector<16x10xf32>,
    } else {
    }
    return
  }
  func.func @transform_0(%arg0: i32) -> (i32, i32, i32) {
    %c0_i32 = arith.constant 0 : i32
    %c0_i32_0 = arith.constant 0 : i32
    %c0_i32_1 = arith.constant 0 : i32
    return %c0_i32, %arg0, %c0_i32_0 : i32, i32, i32
  }
  func.func @transform_1(%arg0: i32) -> (i32, i32, i32) {
    %c0_i32 = arith.constant 0 : i32
    %c0_i32_0 = arith.constant 0 : i32
    %c0_i32_1 = arith.constant 0 : i32
    return %c0_i32, %arg0, %c0_i32_0 : i32, i32, i32
  }
  func.func @transform_2(%arg0: i32) -> (i32, i32) {
    %c0_i32 = arith.constant 0 : i32
    %c0_i32_0 = arith.constant 0 : i32
    return %c0_i32, %arg0 : i32, i32
  }
  func.func @transform_3(%arg0: i32) -> (i32, i32) {
    %c0_i32 = arith.constant 0 : i32
    %c0_i32_0 = arith.constant 0 : i32
    %c0_i32_1 = arith.constant 0 : i32
    return %c0_i32, %c0_i32_0 : i32, i32
  }
  func.func @transform_4(%arg0: i32) -> (i32, i32) {
    %c0_i32 = arith.constant 0 : i32
    %c0_i32_0 = arith.constant 0 : i32
    return %arg0, %c0_i32 : i32, i32
  }
  func.func @transform_5(%arg0: i32) -> (i32, i32) {
    %c0_i32 = arith.constant 0 : i32
    %c0_i32_0 = arith.constant 0 : i32
    %c0_i32_1 = arith.constant 0 : i32
    return %c0_i32, %c0_i32_0 : i32, i32
  }
  func.func @transform_6(%arg0: i32) -> (i32, i32) {
    %c0_i32 = arith.constant 0 : i32
    %c0_i32_0 = arith.constant 0 : i32
    %c0_i32_1 = arith.constant 0 : i32
    return %c0_i32, %c0_i32_0 : i32, i32
  }
  func.func @transform_7(%arg0: i32) -> (i32, i32) {
    %c0_i32 = arith.constant 0 : i32
    %c0_i32_0 = arith.constant 0 : i32
    %c0_i32_1 = arith.constant 0 : i32
    return %c0_i32, %c0_i32_0 : i32, i32
  }
  func.func @transform_8(%arg0: i32) -> (i32, i32) {
    %c0_i32 = arith.constant 0 : i32
    %c0_i32_0 = arith.constant 0 : i32
    %c0_i32_1 = arith.constant 0 : i32
    return %c0_i32, %c0_i32_0 : i32, i32
  }
  func.func @transform_9(%arg0: i32) -> (i32, i32) {
    %c0_i32 = arith.constant 0 : i32
    %c0_i32_0 = arith.constant 0 : i32
    %c0_i32_1 = arith.constant 0 : i32
    return %c0_i32, %c0_i32_0 : i32, i32
  }
}

</mosaic_0001>

<sc_bundles>
// kernel: kernel.10.cloned.1.call-start
scs
__scs_entry_jumppad:
0x0: {  	(pc) =	sbr.rel $0x88, $3  }
0x1: {  	(tag) =	ssettag $0x0;
	lr =	simm.s32 $0x1  }
0x2: {  	[smem:$0x3F94] =	sst lr;
	_ =	strace $0xD0000000  }
0x3: {  	_ = 	snop  }
0x4: {  	_ = 	snop  }
0x5: {  	_ = 	snop  }
0x6: {  	_ = 	snop  }
0x7: {  	_ = 	snop  }
__scs_overlays_trampoline_lowered:
0x8: {  	[smem:$0x3FA3] =	sst s0  }
0x9: {  	[smem:$0x3FA4] =	sst s1  }
0xa: {  	[smem:$0x3FA5] =	sst s2  }
0xb: {  	[smem:$0x3FA6] =	sst s3  }
0xc: {  	[smem:$0x3FA7] =	sst s4  }
0xd: {  	[smem:$0x3FA8] =	sst s5  }
0xe: {  	[smem:$0x3FA9] =	sst s6  }
0xf: {  	[smem:$0x3FAA] =	sst s7  }
0x10: {  	[smem:$0x3FAB] =	sst s8  }
0x11: {  	[smem:$0x3FAC] =	sst s9;
	s0 =	simm.s32 @!p0 $0x0  }
0x12: {  	s1 =	sld [smem:$0x3F92];
	s0 =	simm.s32 @p0 $0x1  }
0x13: {  	[smem:$0x3FAD] =	sst s0;
	s0 =	simm.s32 @!p1 $0x0  }
0x14: {  	s2 =	sld [smem:$0x3F91];
	s0 =	simm.s32 @p1 $0x1  }
0x15: {  	[smem:$0x3FAE] =	sst s0;
	s0 =	simm.s32 @!p2 $0x0  }
0x16: {  	s3 =	sld [smem:$0x3FDB];
	s0 =	simm.s32 @p2 $0x1  }
0x17: {  	s4 =	simm.s32 $0x1BF5;
	[smem:$0x3FB0] =	sst s0  }
0x18: {  	s0 =	sld [smem:$0x3F93];
	_ =	swait.ge [sflag:s4], $0x0  }
0x19: {  	s7 =	sld [smem:$0x3F94]  }
0x1a: {  	s8 =	sadd.s32 $0xFFFFE003, lr  }
0x1b: {  	s9 =	sadd.s32 $0xFFFFFEF7, lr;
	s5 =	simm.s32 $0xFFFFFFFF;
	p2 =	slt.u32 s8, $0xFFFFF086  }
0x1c: {  	p1 =	slt.u32 s9, $0xF7A;
	s5 =	simm.s32 @!p2 $0x0  }
0x1d: {  	s5 =	simm.s32 @p1 $0x1;
	p0 =	seq.s32 s7, s2  }
0x1e: {  	s7 =	smul.u32 @!p0 $0xF7A, s2;
	p2 =	seq.s32 @!p0 s5, $0x0  }
0x1f: {  	s9 =	smul.u32 $0xF7A, s1;
	s8 =	simm.s32 @!p0 $0x1BF5;
	p2 =	por !p2, p0  }
0x20: {  	[sflag:s8] =	ssyncset.s32 @!p0 $0xFFFFF086;
	s6 =	sadd.s32 @!p0 s3, s7;
	s7 =	simm.s32 @!p0 $0x108  }
0x21: {  	s3 =	sadd.s32 s3, s9;
	s6 =	sadd.s32 @!p0 $0x88, s6;
	s7 =	simm.s32 @p2 $0x1082  }
0x22: {  	[simem:s7], [sflag:s8] =	dma.local @!p0 [hbm:s6], $0xF7A  }
0x23: {  	s9 =	sor.u32 $0xD0000000, s2;
	s6 =	simm.s32 $0x108;
	_ =	swait.ge @!p0 [sflag:s8], $0x0  }
0x24: {  	s3 =	sadd.s32 $0x88, s3;
	s6 =	simm.s32 @!p1 $0x1082;
	[sflag:s4] =	ssyncset.s32 $0xFFFFF086  }
0x25: {  	[simem:s6], [sflag:s4] =	dma.local [hbm:s3], $0xF7A  }
0x26: {  	[smem:$0x3F94] =	sst s1;
	(tag) =	ssettag s2;
	_ =	strace s9  }
0x27: {  	s1 =	sld [smem:$0x3FA4]  }
0x28: {  	s2 =	sld [smem:$0x3FA5]  }
0x29: {  	s4 =	sld [smem:$0x3FA7]  }
0x2a: {  	p0 =	seq.s32 s5, $0x0;
	s5 =	sld [smem:$0x3FA8]  }
0x2b: {  	s6 =	sld [smem:$0x3FA9]  }
0x2c: {  	s7 =	sld [smem:$0x3FAA]  }
0x2d: {  	s3 =	simm.s32 $0x108;
	s8 =	sld [smem:$0x3FAB]  }
0x2e: {  	s3 =	simm.s32 @!p0 $0x1082;
	s9 =	sld [smem:$0x3FAC]  }
0x2f: {  	lr =	sadd.s32 s0, s3;
	s0 =	sld [smem:$0x3FA3]  }
0x30: {  	s3 =	sld [smem:$0x3FA6]  }
0x31: {  	[smem:$0x3FAF] =	sst s10  }
0x32: {  	s10 =	sld [smem:$0x3FAD];
	_ =	sdelay $0x3  }
0x33: {  	p0 =	seq.s32 s10, $0x1;
	s10 =	sld [smem:$0x3FAF];
	_ =	sdelay $0x3  }
0x34: {  	[smem:$0x3FAF] =	sst s10  }
0x35: {  	s10 =	sld [smem:$0x3FAE];
	_ =	sdelay $0x3  }
0x36: {  	p1 =	seq.s32 s10, $0x1;
	s10 =	sld [smem:$0x3FAF];
	_ =	sdelay $0x3  }
0x37: {  	[smem:$0x3FAF] =	sst s10  }
0x38: {  	s10 =	sld [smem:$0x3FB0]  }
0x39: {  	_ = 	snop;
	(pc) =	sbr.ind lr, $3  }
0x3a: {  	_ = 	snop  }
0x3b: {  	_ = 	snop  }
0x3c: {  	p2 =	seq.s32 s10, $0x1;
	s10 =	sld [smem:$0x3FAF]  }
0x3d: {  	_ =	shalt  }
0x3e: {  	_ =	shalt  }
0x3f: {  	_ =	shalt  }
0x40: {  	_ =	shalt  }
0x41: {  	_ =	shalt  }
0x42: {  	_ =	shalt  }
0x43: {  	_ =	shalt  }
0x44: {  	_ =	shalt  }
0x45: {  	_ =	shalt  }
0x46: {  	_ =	shalt  }
0x47: {  	_ =	shalt  }
0x48: {  	_ =	shalt  }
0x49: {  	_ =	shalt  }
0x4a: {  	_ =	shalt  }
0x4b: {  	_ =	shalt  }
0x4c: {  	_ =	shalt  }
0x4d: {  	_ =	shalt  }
0x4e: {  	_ =	shalt  }
0x4f: {  	_ =	shalt  }
0x50: {  	_ =	shalt  }
0x51: {  	_ =	shalt  }
0x52: {  	_ =	shalt  }
0x53: {  	_ =	shalt  }
0x54: {  	_ =	shalt  }
0x55: {  	_ =	shalt  }
0x56: {  	_ =	shalt  }
0x57: {  	_ =	shalt  }
0x58: {  	_ =	shalt  }
0x59: {  	_ =	shalt  }
0x5a: {  	_ =	shalt  }
0x5b: {  	_ =	shalt  }
0x5c: {  	_ =	shalt  }
0x5d: {  	_ =	shalt  }
0x5e: {  	_ =	shalt  }
0x5f: {  	_ =	shalt  }
0x60: {  	_ =	shalt  }
0x61: {  	_ =	shalt  }
0x62: {  	_ =	shalt  }
0x63: {  	_ =	shalt  }
0x64: {  	_ =	shalt  }
0x65: {  	_ =	shalt  }
0x66: {  	_ =	shalt  }
0x67: {  	_ =	shalt  }
0x68: {  	_ =	shalt  }
0x69: {  	_ =	shalt  }
0x6a: {  	_ =	shalt  }
0x6b: {  	_ =	shalt  }
0x6c: {  	_ =	shalt  }
0x6d: {  	_ =	shalt  }
0x6e: {  	_ =	shalt  }
0x6f: {  	_ =	shalt  }
0x70: {  	_ =	shalt  }
0x71: {  	_ =	shalt  }
0x72: {  	_ =	shalt  }
0x73: {  	_ =	shalt  }
0x74: {  	_ =	shalt  }
0x75: {  	_ =	shalt  }
0x76: {  	_ =	shalt  }
0x77: {  	_ =	shalt  }
0x78: {  	_ =	shalt  }
0x79: {  	_ =	shalt  }
0x7a: {  	_ =	shalt  }
0x7b: {  	_ =	shalt  }
0x7c: {  	_ =	shalt  }
0x7d: {  	_ =	shalt  }
0x7e: {  	_ =	shalt  }
0x7f: {  	_ =	shalt  }
0x80: {  	_ =	shalt  }
0x81: {  	_ =	shalt  }
0x82: {  	_ =	shalt  }
0x83: {  	_ =	shalt  }
0x84: {  	_ =	shalt  }
0x85: {  	_ =	shalt  }
0x86: {  	_ =	shalt  }
0x87: {  	_ =	shalt  }
.Lfunc_end0:
.L_simem_size_0:
called_computation_lowered:
.L_overlay_start_0:
0x88: {  	s2 =	sld [smem:$0x3FD9]  }
0x89: {  	s3 =	sld [smem:$0x3FFE];
	_ =	sdelay $0x1  }
0x8a: {  	s1 =	srdreg.scid  }
0x8b: {  	s0 =	sand.u32 $0x1, s1  }
0x8c: {  	s16 =	sshll.u32 s0, $0xA;
	s2 =	sadd.s32 s3, s2  }
0x8d: {  	s2 =	sadd.s32 s2, s16  }
0x8e: {  	[smem:$0x3FBB] =	sst s2  }
0x8f: {  	_ = 	snop  }
0x90: {  	(tm) =	ssettm $0x1  }
0x91: {  	s17 =	sld [smem:$0x3FFB];
	_ =	sdelay $0x3  }
0x92: {  	_ =	strace s17  }
0x93: {  	s2 =	sld [smem:$0x3FFC];
	_ =	sdelay $0x3  }
0x94: {  	_ =	strace s2  }
0x95: {  	s2 =	sld [smem:$0x3FFD];
	_ =	sdelay $0x3  }
0x96: {  	_ =	strace s2  }
0x97: {  	_ =	strace $0x8FFFFFFF  }
0x98: {  	s18 =	sld [smem:$0x3FDB];
	_ =	sdelay $0x1  }
0x99: {  	s19 =	simm.s32 $_scs_section_size  }
0x9a: {  	s4 =	simm.s32 $_size__tile_overlayer_lowered;
	s5 =	simm.s32 $_tile_overlayer_lowered  }
0x9b: {  	s22 =	simm.s32 $0x1BFF;
	s21 =	sshll.u32 s5, $0x1;
	s2 =	sadd.s32 s19, s18  }
0x9c: {  	s6 =	simm.s32 $0x0;
	s20 =	sshll.u32 s4, $0x1;
	s4 =	sadd.s32 s21, s2  }
0x9d: {  	[timem:s6], [sflag:s22] =	dma.local [hbm:s4], s20  }
0x9e: {  	_ =	swait.ge [sflag:s22], s20  }
0x9f: {  	s3 =	ssub.s32 $0x0, s20;
	[sflag:s22] =	ssyncset.done $0x0  }
0xa0: {  	[sflag:s22] =	ssyncadd.s32 s3;
	_ =	sdelay $0x1  }
0xa1: {  	s23 =	simm.s32 $0x1B8B  }
0xa2: {  	_ =	swait.ge [sflag:s23], $0x1  }
0xa3: {  	[sflag:s23] =	ssyncset.done $0x0  }
0xa4: {  	s25 =	simm.s32 $0x1B8E;
	s24 =	sld [smem:$0x3FFE];
	[sflag:s23] =	ssyncadd.s32 $0xFFFFFFFF  }
0xa5: {  	s26 =	simm.s32 $execute0_lowered;
	[smem:$0x3FD2] =	sst s25  }
0xa6: {  	s4 =	sshll.u32 s26, $0x1;
	_ =	strace $0x80000046;
	[dreg:$0x1] =	wrdreg $0xFFFFFFFF  }
0xa7: {  	s28 =	simm.s32 $_size_execute0_lowered;
	s2 =	sadd.s32 s2, s4;
	[dreg:$0x0] =	wrdreg $0x0  }
0xa8: {  	s4 =	sshll.u32 s28, $0x1;
	[dreg:$0x2] =	wrdreg s2  }
0xa9: {  	[dreg:$0x3] =	wrdreg s4  }
0xaa: {  	[dreg:$0x4] =	wrdreg $0xC0  }
0xab: {  	_ =	task [dreg:s6], $0x5FFFF  }
0xac: {  	[dreg:$0x1] =	wrdreg $0xFFFFFFFF  }
0xad: {  	[dreg:$0x0] =	wrdreg $0x60  }
0xae: {  	[dreg:$0x2] =	wrdreg s24  }
0xaf: {  	[dreg:$0x3] =	wrdreg $0x9  }
0xb0: {  	_ =	task.clear_ibuf [dreg:s6], $0x4FFFF;
	_ =	strace $0x90000046  }
0xb1: {  	s29 =	simm.s32 $0x9;
	_ =	strace $0x80000048  }
0xb2: {  	_ =	swait.ge [sflag:s29], $0x1  }
0xb3: {  	[sflag:s29] =	ssyncadd.s32 $0xFFFFFFFF  }
0xb4: {  	_ =	strace $0x90000048  }
0xb5: {  	_ =	sfence  }
0xb6: {  	s30 =	sld [smem:$0x0];
	_ =	sdelay $0x2  }
0xb7: {  	s31 =	sshll.u32 s1, $0xD;
	s1 =	sshrl.u32 s1, $0x2  }
0xb8: {  	s3 =	sand.u32 $0x4000, s31;
	s1 =	sadd.s32 s1, s30  }
0xb9: {  	s0 =	sor.u32 s3, s0;
	s1 =	sshll.u32 s1, $0x11  }
0xba: {  	s0 =	sor.u32 s1, s0  }
0xbb: {  	s0 =	sadd.s32 $0x8F2B, s0  }
0xbc: {  	[sflag:s0] =	ssyncadd.remote.s32 $0x1  }
0xbd: {  	_ =	sfence.sel $0xFFFF  }
0xbe: {  	[dreg:$0x0] =	wrdreg $0xFFFFFFFF;
	(pc) =	sbr.abs _section_cstart, $3  }
0xbf: {  	[dreg:$0x1] =	wrdreg $0xFFFFFFFF  }
0xc0: {  	_ =	task.clear_ibuf [dreg:s6], $0x2FFFF;
	_ =	strace $0x9FFFFFFF  }
0xc1: {  	(tm) =	ssettm $0x7FFFFFFF  }
tec
execute0_lowered:
.L_overlay_start_1:
0x0: {  	(tag) =	ssettag $0x1  }
0x1: {  	s1 =	srdreg.scid;
	s0 =	stileid.u32  }
0x2: {  	s4 =	sand.u32 $0x1, s1;
	s2 =	sshll.u32 s0, $0x1  }
0x3: {  	s3 =	rddreg [dreg:$0x0];
	s5 =	sor.u32 s4, s2  }
0x4: {  	s7 =	simm.s32 $0x2800;
	s8 =	simm.s32 $0x0;
	s5 =	smul.u32 $0x500, s5  }
0x5: {  	s1 =	rddreg [dreg:$0x1];
	s2 =	simm.s32 $0x0;
	s4 =	ssub.s32 $0x2, s4  }
0x6: {  	[smem:$0x7FF] =	sst s2;
	s6 =	sshrl.u32 s4, $0x1;
	s5 =	sadd.s32 s5, s3  }
0x7: {  	_ =	strace $0x80000047;
	s6 =	ssub.s32 s4, s6;
	s3 =	sadd.s32 $0x2800, s5  }
0x8: {  	v0 =	vimm.f32 $0.0e+00;
	v1 =	vimm.f32 $1.000000000e+00;
	s4 =	sadd.s32 $0xC800, s5;
	s5 =	smax.u32 s6, $0x1;
	s6 =	simm.s32 $0x1  }
.LBB2_1:
0x9: {  	s9 =	simm.s32 $0x40;
	s10 =	simm.s32 $0x0  }
.LBB2_2:
0xa: {  	p0 =	sne.s32 s9, $0x9FC0;
	[tilespmem:s10+$0x2800] =	vst v0;
	s10 =	smov.u32 s9;
	s9 =	sadd.s32 $0x40, s9  }
.Ltmp0:
0xb: {  	(pc) =	sbr.rel @p0 .LBB2_2-.Ltmp0, $2  }
0xc: {  	_ =	sdelay $0x2  }
0xd: {  	s10 =	sshra.s32 s10, $0x2  }
0xe: {  	[tilespmem:s10+$0x2800] =	vst v0;
	s9 =	simm.s32 $0x0  }
0xf: {  	[tilespmem:s9], [sflag:$0x1] =	stream.linear.gather [hbm4b:s3+s9], $0x2800, $0x38;
	[tilespmem:$0x5000] =	vst v63  }
0x10: {  	_ =	swait.ge [sflag:s6], $0x2800  }
0x11: {  	[sflag:s6] =	ssyncset.done $0x0  }
0x12: {  	s10 =	simm.s32 $0x0;
	s9 =	simm.s32 $0x40;
	[sflag:s6] =	ssyncadd.s32 $0xFFFFD800  }
.LBB2_4:
0x13: {  	p0 =	sne.s32 s9, $0x9FC0;
	v2 =	vld [tilespmem:s10+$0x0];
	_ =	sdelay $0x3  }
.Ltmp1:
0x14: {  	(pc) =	sbr.rel @p0 .LBB2_4-.Ltmp1, $2  }
0x15: {  	_ =	sdelay $0x2  }
0x16: {  	s10 =	sshra.s32 s9, $0x2;
	s9 =	sadd.s32 $0x40, s9;
	[tilespmem:v2+s7+$0x0] =	vst.idx.add.f32.msk $0xffff, v1  }
0x17: {  	v2 =	vld [tilespmem:s10+$0x0];
	_ =	sdelay $0x5  }
0x18: {  	s8 =	sadd.s32 $0x1, s8  }
0x19: {  	p0 =	sne.s32 s8, s5  }
.Ltmp2:
0x1a: {  	[tilespmem:v2+s7+$0x0] =	vst.idx.add.f32.msk $0xffff, v1;
	(pc) =	sbr.rel @p0 .LBB2_1-.Ltmp2, $4  }
0x1b: {  	[hbm4b:s4+s2] =	stream.linear.scatter [tilespmem:s7], [sflag:$0x1], $0x2800, $0x38;
	[tilespmem:$0x5000] =	vst v63  }
0x1c: {  	_ =	swait.ge [sflag:s6], $0x2800  }
0x1d: {  	[sflag:s6] =	ssyncset.done $0x0  }
0x1e: {  	[sflag:s6] =	ssyncadd.s32 $0xFFFFD800  }
0x1f: {  	_ =	sfence.sel $0x180000  }
0x20: {  	[bflag:$0x0] =	sbarrier.arrive $0xFFFF  }
0x21: {  	p0 =	sne.s32 s0, $0x0;
	_ =	strace $0x90000047  }
0x22: {  	s0 =	sadd.s32 @!p0 $0x100000, s1;
	[bflag:$0x2] =	sbarrier.arrive $0xFFFF  }
0x23: {  	[sflag:s0] =	ssyncadd.tile.s32 @!p0 $0x1;
	_ =	shalt  }
.Lfunc_end2:
_tile_overlayer_lowered:
.L_overlay_start_2:
0x24: {  	(tag) =	ssettag $0x2  }
0x25: {  	s0 =	rddreg [dreg:$0x0];
	s2 =	stileid.u32  }
0x26: {  	s1 =	rddreg [dreg:$0x1];
	p0 =	sne.s32 s2, $0x0  }
0x27: {  	s3 =	rddreg [dreg:$0x2];
	[bflag:$0x3] =	sbarrier.arrive $0xFFFF;
	s2 =	simm.s32 @!p0 $0x1C01  }
0x28: {  	[timem:s3], [sflag:s2] =	dma.local @!p0 [hbm:s0], s1  }
0x29: {  	s0 =	simm.s32 @!p0 $0x1  }
0x2a: {  	_ =	swait.ge @!p0 [sflag:s0], s1  }
0x2b: {  	s1 =	ssub.s32 @!p0 $0x0, s1;
	[sflag:s0] =	ssyncset.done @!p0 $0x0  }
0x2c: {  	[sflag:s0] =	ssyncadd.s32 @!p0 s1  }
0x2d: {  	[bflag:$0x3] =	sbarrier.arrive $0xFFFF  }
0x2e: {  	_ =	shalt  }

// kernel: kernel.13.cloned.1.call-start
scs
__scs_entry_jumppad:
0x0: {  	(pc) =	sbr.rel $0x88, $3  }
0x1: {  	(tag) =	ssettag $0x0;
	lr =	simm.s32 $0x1  }
0x2: {  	[smem:$0x3F94] =	sst lr;
	_ =	strace $0xD0000000  }
0x3: {  	_ = 	snop  }
0x4: {  	_ = 	snop  }
0x5: {  	_ = 	snop  }
0x6: {  	_ = 	snop  }
0x7: {  	_ = 	snop  }
__scs_overlays_trampoline_lowered:
0x8: {  	[smem:$0x3FA3] =	sst s0  }
0x9: {  	[smem:$0x3FA4] =	sst s1  }
0xa: {  	[smem:$0x3FA5] =	sst s2  }
0xb: {  	[smem:$0x3FA6] =	sst s3  }
0xc: {  	[smem:$0x3FA7] =	sst s4  }
0xd: {  	[smem:$0x3FA8] =	sst s5  }
0xe: {  	[smem:$0x3FA9] =	sst s6  }
0xf: {  	[smem:$0x3FAA] =	sst s7  }
0x10: {  	[smem:$0x3FAB] =	sst s8  }
0x11: {  	[smem:$0x3FAC] =	sst s9;
	s0 =	simm.s32 @!p0 $0x0  }
0x12: {  	s1 =	sld [smem:$0x3F92];
	s0 =	simm.s32 @p0 $0x1  }
0x13: {  	[smem:$0x3FAD] =	sst s0;
	s0 =	simm.s32 @!p1 $0x0  }
0x14: {  	s2 =	sld [smem:$0x3F91];
	s0 =	simm.s32 @p1 $0x1  }
0x15: {  	[smem:$0x3FAE] =	sst s0;
	s0 =	simm.s32 @!p2 $0x0  }
0x16: {  	s3 =	sld [smem:$0x3FDB];
	s0 =	simm.s32 @p2 $0x1  }
0x17: {  	s4 =	simm.s32 $0x1BF5;
	[smem:$0x3FB0] =	sst s0  }
0x18: {  	s0 =	sld [smem:$0x3F93];
	_ =	swait.ge [sflag:s4], $0x0  }
0x19: {  	s7 =	sld [smem:$0x3F94]  }
0x1a: {  	s8 =	sadd.s32 $0xFFFFE003, lr  }
0x1b: {  	s9 =	sadd.s32 $0xFFFFFEF7, lr;
	s5 =	simm.s32 $0xFFFFFFFF;
	p2 =	slt.u32 s8, $0xFFFFF086  }
0x1c: {  	p1 =	slt.u32 s9, $0xF7A;
	s5 =	simm.s32 @!p2 $0x0  }
0x1d: {  	s5 =	simm.s32 @p1 $0x1;
	p0 =	seq.s32 s7, s2  }
0x1e: {  	s7 =	smul.u32 @!p0 $0xF7A, s2;
	p2 =	seq.s32 @!p0 s5, $0x0  }
0x1f: {  	s9 =	smul.u32 $0xF7A, s1;
	s8 =	simm.s32 @!p0 $0x1BF5;
	p2 =	por !p2, p0  }
0x20: {  	[sflag:s8] =	ssyncset.s32 @!p0 $0xFFFFF086;
	s6 =	sadd.s32 @!p0 s3, s7;
	s7 =	simm.s32 @!p0 $0x108  }
0x21: {  	s3 =	sadd.s32 s3, s9;
	s6 =	sadd.s32 @!p0 $0x88, s6;
	s7 =	simm.s32 @p2 $0x1082  }
0x22: {  	[simem:s7], [sflag:s8] =	dma.local @!p0 [hbm:s6], $0xF7A  }
0x23: {  	s9 =	sor.u32 $0xD0000000, s2;
	s6 =	simm.s32 $0x108;
	_ =	swait.ge @!p0 [sflag:s8], $0x0  }
0x24: {  	s3 =	sadd.s32 $0x88, s3;
	s6 =	simm.s32 @!p1 $0x1082;
	[sflag:s4] =	ssyncset.s32 $0xFFFFF086  }
0x25: {  	[simem:s6], [sflag:s4] =	dma.local [hbm:s3], $0xF7A  }
0x26: {  	[smem:$0x3F94] =	sst s1;
	(tag) =	ssettag s2;
	_ =	strace s9  }
0x27: {  	s1 =	sld [smem:$0x3FA4]  }
0x28: {  	s2 =	sld [smem:$0x3FA5]  }
0x29: {  	s4 =	sld [smem:$0x3FA7]  }
0x2a: {  	p0 =	seq.s32 s5, $0x0;
	s5 =	sld [smem:$0x3FA8]  }
0x2b: {  	s6 =	sld [smem:$0x3FA9]  }
0x2c: {  	s7 =	sld [smem:$0x3FAA]  }
0x2d: {  	s3 =	simm.s32 $0x108;
	s8 =	sld [smem:$0x3FAB]  }
0x2e: {  	s3 =	simm.s32 @!p0 $0x1082;
	s9 =	sld [smem:$0x3FAC]  }
0x2f: {  	lr =	sadd.s32 s0, s3;
	s0 =	sld [smem:$0x3FA3]  }
0x30: {  	s3 =	sld [smem:$0x3FA6]  }
0x31: {  	[smem:$0x3FAF] =	sst s10  }
0x32: {  	s10 =	sld [smem:$0x3FAD];
	_ =	sdelay $0x3  }
0x33: {  	p0 =	seq.s32 s10, $0x1;
	s10 =	sld [smem:$0x3FAF];
	_ =	sdelay $0x3  }
0x34: {  	[smem:$0x3FAF] =	sst s10  }
0x35: {  	s10 =	sld [smem:$0x3FAE];
	_ =	sdelay $0x3  }
0x36: {  	p1 =	seq.s32 s10, $0x1;
	s10 =	sld [smem:$0x3FAF];
	_ =	sdelay $0x3  }
0x37: {  	[smem:$0x3FAF] =	sst s10  }
0x38: {  	s10 =	sld [smem:$0x3FB0]  }
0x39: {  	_ = 	snop;
	(pc) =	sbr.ind lr, $3  }
0x3a: {  	_ = 	snop  }
0x3b: {  	_ = 	snop  }
0x3c: {  	p2 =	seq.s32 s10, $0x1;
	s10 =	sld [smem:$0x3FAF]  }
0x3d: {  	_ =	shalt  }
0x3e: {  	_ =	shalt  }
0x3f: {  	_ =	shalt  }
0x40: {  	_ =	shalt  }
0x41: {  	_ =	shalt  }
0x42: {  	_ =	shalt  }
0x43: {  	_ =	shalt  }
0x44: {  	_ =	shalt  }
0x45: {  	_ =	shalt  }
0x46: {  	_ =	shalt  }
0x47: {  	_ =	shalt  }
0x48: {  	_ =	shalt  }
0x49: {  	_ =	shalt  }
0x4a: {  	_ =	shalt  }
0x4b: {  	_ =	shalt  }
0x4c: {  	_ =	shalt  }
0x4d: {  	_ =	shalt  }
0x4e: {  	_ =	shalt  }
0x4f: {  	_ =	shalt  }
0x50: {  	_ =	shalt  }
0x51: {  	_ =	shalt  }
0x52: {  	_ =	shalt  }
0x53: {  	_ =	shalt  }
0x54: {  	_ =	shalt  }
0x55: {  	_ =	shalt  }
0x56: {  	_ =	shalt  }
0x57: {  	_ =	shalt  }
0x58: {  	_ =	shalt  }
0x59: {  	_ =	shalt  }
0x5a: {  	_ =	shalt  }
0x5b: {  	_ =	shalt  }
0x5c: {  	_ =	shalt  }
0x5d: {  	_ =	shalt  }
0x5e: {  	_ =	shalt  }
0x5f: {  	_ =	shalt  }
0x60: {  	_ =	shalt  }
0x61: {  	_ =	shalt  }
0x62: {  	_ =	shalt  }
0x63: {  	_ =	shalt  }
0x64: {  	_ =	shalt  }
0x65: {  	_ =	shalt  }
0x66: {  	_ =	shalt  }
0x67: {  	_ =	shalt  }
0x68: {  	_ =	shalt  }
0x69: {  	_ =	shalt  }
0x6a: {  	_ =	shalt  }
0x6b: {  	_ =	shalt  }
0x6c: {  	_ =	shalt  }
0x6d: {  	_ =	shalt  }
0x6e: {  	_ =	shalt  }
0x6f: {  	_ =	shalt  }
0x70: {  	_ =	shalt  }
0x71: {  	_ =	shalt  }
0x72: {  	_ =	shalt  }
0x73: {  	_ =	shalt  }
0x74: {  	_ =	shalt  }
0x75: {  	_ =	shalt  }
0x76: {  	_ =	shalt  }
0x77: {  	_ =	shalt  }
0x78: {  	_ =	shalt  }
0x79: {  	_ =	shalt  }
0x7a: {  	_ =	shalt  }
0x7b: {  	_ =	shalt  }
0x7c: {  	_ =	shalt  }
0x7d: {  	_ =	shalt  }
0x7e: {  	_ =	shalt  }
0x7f: {  	_ =	shalt  }
0x80: {  	_ =	shalt  }
0x81: {  	_ =	shalt  }
0x82: {  	_ =	shalt  }
0x83: {  	_ =	shalt  }
0x84: {  	_ =	shalt  }
0x85: {  	_ =	shalt  }
0x86: {  	_ =	shalt  }
0x87: {  	_ =	shalt  }
.Lfunc_end0:
.L_simem_size_0:
called_computation.1_lowered:
.L_overlay_start_0:
0x88: {  	s2 =	sld [smem:$0x3FD9]  }
0x89: {  	s3 =	sld [smem:$0x3FFE];
	_ =	sdelay $0x1  }
0x8a: {  	s1 =	srdreg.scid  }
0x8b: {  	s0 =	sand.u32 $0x1, s1  }
0x8c: {  	s16 =	sshll.u32 s0, $0xA;
	s2 =	sadd.s32 s3, s2  }
0x8d: {  	s2 =	sadd.s32 s2, s16  }
0x8e: {  	[smem:$0x3FBB] =	sst s2  }
0x8f: {  	_ = 	snop  }
0x90: {  	(tm) =	ssettm $0x1  }
0x91: {  	s17 =	sld [smem:$0x3FFB];
	_ =	sdelay $0x3  }
0x92: {  	_ =	strace s17  }
0x93: {  	s2 =	sld [smem:$0x3FFC];
	_ =	sdelay $0x3  }
0x94: {  	_ =	strace s2  }
0x95: {  	s2 =	sld [smem:$0x3FFD];
	_ =	sdelay $0x3  }
0x96: {  	_ =	strace s2  }
0x97: {  	_ =	strace $0x8FFFFFFF  }
0x98: {  	s18 =	sld [smem:$0x3FDB];
	_ =	sdelay $0x1  }
0x99: {  	s19 =	simm.s32 $_scs_section_size  }
0x9a: {  	s4 =	simm.s32 $_size__tile_overlayer_lowered;
	s5 =	simm.s32 $_tile_overlayer_lowered  }
0x9b: {  	s22 =	simm.s32 $0x1BFF;
	s21 =	sshll.u32 s5, $0x1;
	s2 =	sadd.s32 s19, s18  }
0x9c: {  	s6 =	simm.s32 $0x0;
	s20 =	sshll.u32 s4, $0x1;
	s4 =	sadd.s32 s21, s2  }
0x9d: {  	[timem:s6], [sflag:s22] =	dma.local [hbm:s4], s20  }
0x9e: {  	_ =	swait.ge [sflag:s22], s20  }
0x9f: {  	s3 =	ssub.s32 $0x0, s20;
	[sflag:s22] =	ssyncset.done $0x0  }
0xa0: {  	[sflag:s22] =	ssyncadd.s32 s3;
	_ =	sdelay $0x1  }
0xa1: {  	s23 =	simm.s32 $0x1B8B  }
0xa2: {  	_ =	swait.ge [sflag:s23], $0x1  }
0xa3: {  	[sflag:s23] =	ssyncset.done $0x0  }
0xa4: {  	s25 =	simm.s32 $0x1B8E;
	s24 =	sld [smem:$0x3FFE];
	[sflag:s23] =	ssyncadd.s32 $0xFFFFFFFF  }
0xa5: {  	s26 =	simm.s32 $execute0_lowered;
	[smem:$0x3FD2] =	sst s25  }
0xa6: {  	s4 =	sshll.u32 s26, $0x1;
	_ =	strace $0x80000049;
	[dreg:$0x1] =	wrdreg $0xFFFFFFFF  }
0xa7: {  	s28 =	simm.s32 $_size_execute0_lowered;
	s2 =	sadd.s32 s2, s4;
	[dreg:$0x0] =	wrdreg $0x0  }
0xa8: {  	s4 =	sshll.u32 s28, $0x1;
	[dreg:$0x2] =	wrdreg s2  }
0xa9: {  	[dreg:$0x3] =	wrdreg s4  }
0xaa: {  	[dreg:$0x4] =	wrdreg $0xC0  }
0xab: {  	_ =	task [dreg:s6], $0x5FFFF  }
0xac: {  	[dreg:$0x1] =	wrdreg $0xFFFFFFFF  }
0xad: {  	[dreg:$0x0] =	wrdreg $0x60  }
0xae: {  	[dreg:$0x2] =	wrdreg s24  }
0xaf: {  	[dreg:$0x3] =	wrdreg $0x120000  }
0xb0: {  	[dreg:$0x4] =	wrdreg $0x9  }
0xb1: {  	_ =	task.clear_ibuf [dreg:s6], $0x5FFFF;
	_ =	strace $0x90000049  }
0xb2: {  	s29 =	simm.s32 $0x9;
	_ =	strace $0x8000004B  }
0xb3: {  	_ =	swait.ge [sflag:s29], $0x1  }
0xb4: {  	[sflag:s29] =	ssyncadd.s32 $0xFFFFFFFF  }
0xb5: {  	_ =	strace $0x9000004B  }
0xb6: {  	_ =	sfence  }
0xb7: {  	s30 =	sld [smem:$0x0];
	_ =	sdelay $0x2  }
0xb8: {  	s31 =	sshll.u32 s1, $0xD;
	s1 =	sshrl.u32 s1, $0x2  }
0xb9: {  	s3 =	sand.u32 $0x4000, s31;
	s1 =	sadd.s32 s1, s30  }
0xba: {  	s0 =	sor.u32 s3, s0;
	s1 =	sshll.u32 s1, $0x11  }
0xbb: {  	s0 =	sor.u32 s1, s0  }
0xbc: {  	s0 =	sadd.s32 $0x8F2B, s0  }
0xbd: {  	[sflag:s0] =	ssyncadd.remote.s32 $0x1  }
0xbe: {  	_ =	sfence.sel $0xFFFF  }
0xbf: {  	[dreg:$0x0] =	wrdreg $0xFFFFFFFF;
	(pc) =	sbr.abs _section_cstart, $3  }
0xc0: {  	[dreg:$0x1] =	wrdreg $0xFFFFFFFF  }
0xc1: {  	_ =	task.clear_ibuf [dreg:s6], $0x2FFFF;
	_ =	strace $0x9FFFFFFF  }
0xc2: {  	(tm) =	ssettm $0x7FFFFFFF  }
0xc3: {  	_ =	shalt  }
tec
execute0_lowered:
.L_overlay_start_1:
0x0: {  	(tag) =	ssettag $0x1  }
0x1: {  	s1 =	srdreg.scid;
	s6 =	rddreg [dreg:$0x0]  }
0x2: {  	s0 =	stileid.u32;
	s2 =	rddreg [dreg:$0x1]  }
0x3: {  	s3 =	simm.s32 $0x0;
	s14 =	simm.s32 $0x80;
	s15 =	simm.s32 $0xA000  }
0x4: {  	s16 =	simm.s32 $0xC000;
	s17 =	simm.s32 $0x100;
	s18 =	simm.s32 $0xE000  }
0x5: {  	s19 =	simm.s32 $0x180;
	s20 =	simm.s32 $0x10000;
	s21 =	simm.s32 $0x1  }
0x6: {  	s22 =	simm.s32 $0x2;
	s23 =	simm.s32 $0x3;
	s24 =	simm.s32 $0x4  }
0x7: {  	s25 =	simm.s32 $0x9E00;
	s26 =	simm.s32 $0x9E80;
	s5 =	smul.u32 $0x5000, s0  }
0x8: {  	s28 =	simm.s32 $0x9F00;
	s1 =	sand.u32 $0x1, s1;
	s8 =	smul.u32 $0x14000, s0  }
0x9: {  	s29 =	simm.s32 $0x9F80;
	s30 =	simm.s32 $0x0;
	s4 =	smul.u32 $0x50000, s1  }
0xa: {  	[smem:$0x7FF] =	sst s3;
	s31 =	sshll.u32 s0, $0x6;
	s9 =	smul.u32 $0x140000, s1  }
0xb: {  	_ =	strace $0x8000004A;
	s1 =	ssub.s32 $0x2, s1;
	s12 =	sor.u32 $0x1C05, s31  }
0xc: {  	s11 =	sshrl.u32 s1, $0x1;
	s4 =	sadd.s32 s5, s4;
	s5 =	sshrl.u32 s5, $0x3  }
0xd: {  	s9 =	sadd.s32 s8, s9;
	s1 =	ssub.s32 s1, s11;
	s8 =	sshrl.u32 s8, $0x1  }
0xe: {  	s11 =	simm.s32 $0x5;
	s7 =	sshrl.u32 s4, $0x3;
	s4 =	sadd.s32 $0x2BC00, s6  }
0xf: {  	s10 =	sadd.s32 s5, s6;
	s9 =	sshrl.u32 s9, $0x4;
	s5 =	sadd.s32 $0x16800, s6  }
0x10: {  	s13 =	sadd.s32 s8, s2;
	s7 =	sadd.s32 s7, s6;
	s9 =	sadd.s32 s9, s6  }
0x11: {  	s6 =	sadd.s32 $0x2800, s10;
	s10 =	simm.s32 $0x5000;
	s13 =	sshrl.u32 s13, $0x3  }
0x12: {  	s7 =	sadd.s32 $0x17C00, s7;
	s8 =	sadd.s32 $0x53C00, s9;
	s9 =	smax.u32 s1, $0x1  }
.LBB2_1:
0x13: {  	[tilespmem:s10], [sflag:$0x5] =	stream.linear.gather [hbm4b:s6+s3], $0x5000, $0x38;
	[tilespmem:$0x1C000] =	vst v63  }
0x14: {  	_ =	swait.ge [sflag:s11], $0x5000  }
0x15: {  	[sflag:s11] =	ssyncset.done $0x0  }
0x16: {  	[sflag:s11] =	ssyncadd.s32 $0xFFFFB000  }
0x17: {  	[tilespmem:s3], [sflag:$0x5] =	stream.linear.gather [hbm4b:s7+s3], $0x5000, $0x38;
	[tilespmem:$0x1C000] =	vst v63  }
0x18: {  	_ =	swait.ge [sflag:s11], $0x5000  }
0x19: {  	[sflag:s11] =	ssyncset.done $0x0  }
0x1a: {  	[sflag:s11] =	ssyncadd.s32 $0xFFFFB000  }
0x1b: {  	[spmem:s13], [sflag:s12] =	dma.local [hbm:s5], $0x1400  }
0x1c: {  	_ =	swait.ge [sflag:s11], $0x1400  }
0x1d: {  	[sflag:s11] =	ssyncset.done $0x0  }
0x1e: {  	[sflag:s11] =	ssyncadd.s32 $0xFFFFEC00  }
0x1f: {  	[bflag:$0x0] =	sbarrier.arrive $0xFFFF  }
0x20: {  	[tilespmem:s15], [sflag:$0x1] =	stream.indirect.gather [hbm4b:s4+s14], $0x40, s3, s14, $0xb8;
	[tilespmem:$0x1C000] =	vst v63  }
0x21: {  	_ = 	snop  }
0x22: {  	[tilespmem:s16], [sflag:$0x2] =	stream.indirect.gather [hbm4b:s4+s14], $0x40, s14, s14, $0xb8;
	[tilespmem:$0x1C000] =	vst v63  }
0x23: {  	_ = 	snop  }
0x24: {  	[tilespmem:s18], [sflag:$0x3] =	stream.indirect.gather [hbm4b:s4+s14], $0x40, s17, s14, $0xb8;
	[tilespmem:$0x1C000] =	vst v63  }
0x25: {  	_ = 	snop  }
0x26: {  	[tilespmem:s20], [sflag:$0x4] =	stream.indirect.gather [hbm4b:s4+s14], $0x40, s19, s14, $0xb8;
	[tilespmem:$0x1C000] =	vst v63  }
0x27: {  	_ =	swait.ge [sflag:s21], $0x2000  }
0x28: {  	[sflag:s21] =	ssyncset.done $0x0  }
0x29: {  	s1 =	simm.s32 $0x5000;
	[sflag:s21] =	ssyncadd.s32 $0xFFFFE000  }
0x2a: {  	[spmem:s2] =	stream.indirect.scatter.add.bf16 [tilespmem:s15], [sflag:$0x5], $0x40, s1, s14, $0xb8;
	[tilespmem:$0x1C000] =	vst v63  }
0x2b: {  	_ =	swait.ge [sflag:s11], $0x2000  }
0x2c: {  	[sflag:s11] =	ssyncset.done $0x0  }
0x2d: {  	s0 =	simm.s32 $0x200;
	[sflag:s11] =	ssyncadd.s32 $0xFFFFE000  }
0x2e: {  	[tilespmem:s15], [sflag:$0x1] =	stream.indirect.gather [hbm4b:s4+s14], $0x40, s0, s14, $0xb8;
	[tilespmem:$0x1C000] =	vst v63  }
0x2f: {  	_ =	swait.ge [sflag:s22], $0x2000  }
0x30: {  	[sflag:s22] =	ssyncset.done $0x0  }
0x31: {  	s0 =	simm.s32 $0x5080;
	[sflag:s22] =	ssyncadd.s32 $0xFFFFE000  }
0x32: {  	[spmem:s2] =	stream.indirect.scatter.add.bf16 [tilespmem:s16], [sflag:$0x5], $0x40, s0, s14, $0xb8;
	[tilespmem:$0x1C000] =	vst v63  }
0x33: {  	_ =	swait.ge [sflag:s11], $0x2000  }
0x34: {  	[sflag:s11] =	ssyncset.done $0x0  }
0x35: {  	s0 =	simm.s32 $0x280;
	[sflag:s11] =	ssyncadd.s32 $0xFFFFE000  }
0x36: {  	[tilespmem:s16], [sflag:$0x2] =	stream.indirect.gather [hbm4b:s4+s14], $0x40, s0, s14, $0xb8;
	[tilespmem:$0x1C000] =	vst v63  }
0x37: {  	_ =	swait.ge [sflag:s23], $0x2000  }
0x38: {  	[sflag:s23] =	ssyncset.done $0x0  }
0x39: {  	s0 =	simm.s32 $0x5100;
	[sflag:s23] =	ssyncadd.s32 $0xFFFFE000  }
0x3a: {  	[spmem:s2] =	stream.indirect.scatter.add.bf16 [tilespmem:s18], [sflag:$0x5], $0x40, s0, s14, $0xb8;
	[tilespmem:$0x1C000] =	vst v63  }
0x3b: {  	_ =	swait.ge [sflag:s11], $0x2000  }
0x3c: {  	[sflag:s11] =	ssyncset.done $0x0  }
0x3d: {  	s0 =	simm.s32 $0x300;
	[sflag:s11] =	ssyncadd.s32 $0xFFFFE000  }
0x3e: {  	[tilespmem:s18], [sflag:$0x3] =	stream.indirect.gather [hbm4b:s4+s14], $0x40, s0, s14, $0xb8;
	[tilespmem:$0x1C000] =	vst v63  }
0x3f: {  	_ =	swait.ge [sflag:s24], $0x2000  }
0x40: {  	[sflag:s24] =	ssyncset.done $0x0  }
0x41: {  	s0 =	simm.s32 $0x5180;
	[sflag:s24] =	ssyncadd.s32 $0xFFFFE000  }
0x42: {  	[spmem:s2] =	stream.indirect.scatter.add.bf16 [tilespmem:s20], [sflag:$0x5], $0x40, s0, s14, $0xb8;
	[tilespmem:$0x1C000] =	vst v63  }
0x43: {  	_ =	swait.ge [sflag:s11], $0x2000  }
0x44: {  	[sflag:s11] =	ssyncset.done $0x0  }
0x45: {  	s31 =	simm.s32 $0x800;
	s1 =	simm.s32 $0x380;
	[sflag:s11] =	ssyncadd.s32 $0xFFFFE000  }
.LBB2_2:
0x46: {  	[tilespmem:s20], [sflag:$0x4] =	stream.indirect.gather [hbm4b:s4+s14], $0x40, s1, s14, $0xb8;
	[tilespmem:$0x1C000] =	vst v63  }
0x47: {  	s1 =	smov.u32 s31  }
0x48: {  	p0 =	sne.s32 s31, $0x13000;
	s31 =	sadd.s32 $0x800, s31;
	_ =	swait.ge [sflag:s21], $0x2000  }
0x49: {  	s1 =	sshra.s32 s1, $0x2;
	[sflag:s21] =	ssyncset.done $0x0  }
0x4a: {  	s0 =	sadd.s32 $0x5000, s1;
	[sflag:s21] =	ssyncadd.s32 $0xFFFFE000  }
0x4b: {  	[spmem:s2] =	stream.indirect.scatter.add.bf16 [tilespmem:s15], [sflag:$0x5], $0x40, s0, s14, $0xb8;
	[tilespmem:$0x1C000] =	vst v63  }
0x4c: {  	_ =	swait.ge [sflag:s11], $0x2000  }
0x4d: {  	[sflag:s11] =	ssyncset.done $0x0  }
0x4e: {  	s0 =	sadd.s32 $0x200, s1;
	[sflag:s11] =	ssyncadd.s32 $0xFFFFE000  }
0x4f: {  	[tilespmem:s15], [sflag:$0x1] =	stream.indirect.gather [hbm4b:s4+s14], $0x40, s0, s14, $0xb8;
	[tilespmem:$0x1C000] =	vst v63  }
0x50: {  	_ =	swait.ge [sflag:s22], $0x2000  }
0x51: {  	[sflag:s22] =	ssyncset.done $0x0  }
0x52: {  	s0 =	sadd.s32 $0x5080, s1;
	[sflag:s22] =	ssyncadd.s32 $0xFFFFE000  }
0x53: {  	[spmem:s2] =	stream.indirect.scatter.add.bf16 [tilespmem:s16], [sflag:$0x5], $0x40, s0, s14, $0xb8;
	[tilespmem:$0x1C000] =	vst v63  }
0x54: {  	_ =	swait.ge [sflag:s11], $0x2000  }
0x55: {  	[sflag:s11] =	ssyncset.done $0x0  }
0x56: {  	s0 =	sadd.s32 $0x280, s1;
	[sflag:s11] =	ssyncadd.s32 $0xFFFFE000  }
0x57: {  	[tilespmem:s16], [sflag:$0x2] =	stream.indirect.gather [hbm4b:s4+s14], $0x40, s0, s14, $0xb8;
	[tilespmem:$0x1C000] =	vst v63  }
0x58: {  	_ =	swait.ge [sflag:s23], $0x2000  }
0x59: {  	[sflag:s23] =	ssyncset.done $0x0  }
0x5a: {  	s0 =	sadd.s32 $0x5100, s1;
	[sflag:s23] =	ssyncadd.s32 $0xFFFFE000  }
0x5b: {  	[spmem:s2] =	stream.indirect.scatter.add.bf16 [tilespmem:s18], [sflag:$0x5], $0x40, s0, s14, $0xb8;
	[tilespmem:$0x1C000] =	vst v63  }
0x5c: {  	_ =	swait.ge [sflag:s11], $0x2000  }
0x5d: {  	[sflag:s11] =	ssyncset.done $0x0  }
0x5e: {  	s0 =	sadd.s32 $0x300, s1;
	[sflag:s11] =	ssyncadd.s32 $0xFFFFE000  }
0x5f: {  	[tilespmem:s18], [sflag:$0x3] =	stream.indirect.gather [hbm4b:s4+s14], $0x40, s0, s14, $0xb8;
	[tilespmem:$0x1C000] =	vst v63  }
0x60: {  	_ =	swait.ge [sflag:s24], $0x2000  }
0x61: {  	[sflag:s24] =	ssyncset.done $0x0  }
.Ltmp0:
0x62: {  	s0 =	sadd.s32 $0x5180, s1;
	[sflag:s24] =	ssyncadd.s32 $0xFFFFE000;
	(pc) =	sbr.rel @p0 .LBB2_2-.Ltmp0, $4  }
0x63: {  	[spmem:s2] =	stream.indirect.scatter.add.bf16 [tilespmem:s20], [sflag:$0x5], $0x40, s0, s14, $0xb8;
	[tilespmem:$0x1C000] =	vst v63  }
0x64: {  	_ =	swait.ge [sflag:s11], $0x2000  }
0x65: {  	[sflag:s11] =	ssyncset.done $0x0  }
0x66: {  	s1 =	sadd.s32 $0x380, s1;
	[sflag:s11] =	ssyncadd.s32 $0xFFFFE000  }
0x67: {  	[tilespmem:s20], [sflag:$0x4] =	stream.indirect.gather [hbm4b:s4+s14], $0x40, s1, s14, $0xb8;
	[tilespmem:$0x1C000] =	vst v63  }
0x68: {  	_ =	swait.ge [sflag:s21], $0x2000  }
0x69: {  	[sflag:s21] =	ssyncset.done $0x0  }
0x6a: {  	[sflag:s21] =	ssyncadd.s32 $0xFFFFE000  }
0x6b: {  	[spmem:s2] =	stream.indirect.scatter.add.bf16 [tilespmem:s15], [sflag:$0x5], $0x40, s25, s14, $0xb8;
	[tilespmem:$0x1C000] =	vst v63  }
0x6c: {  	_ =	swait.ge [sflag:s11], $0x2000  }
0x6d: {  	[sflag:s11] =	ssyncset.done $0x0  }
0x6e: {  	[sflag:s11] =	ssyncadd.s32 $0xFFFFE000  }
0x6f: {  	_ =	swait.ge [sflag:s22], $0x2000  }
0x70: {  	[sflag:s22] =	ssyncset.done $0x0  }
0x71: {  	[sflag:s22] =	ssyncadd.s32 $0xFFFFE000  }
0x72: {  	[spmem:s2] =	stream.indirect.scatter.add.bf16 [tilespmem:s16], [sflag:$0x5], $0x40, s26, s14, $0xb8;
	[tilespmem:$0x1C000] =	vst v63  }
0x73: {  	_ =	swait.ge [sflag:s11], $0x2000  }
0x74: {  	[sflag:s11] =	ssyncset.done $0x0  }
0x75: {  	[sflag:s11] =	ssyncadd.s32 $0xFFFFE000  }
0x76: {  	_ =	swait.ge [sflag:s23], $0x2000  }
0x77: {  	[sflag:s23] =	ssyncset.done $0x0  }
0x78: {  	[sflag:s23] =	ssyncadd.s32 $0xFFFFE000  }
0x79: {  	[spmem:s2] =	stream.indirect.scatter.add.bf16 [tilespmem:s18], [sflag:$0x5], $0x40, s28, s14, $0xb8;
	[tilespmem:$0x1C000] =	vst v63  }
0x7a: {  	_ =	swait.ge [sflag:s11], $0x2000  }
0x7b: {  	[sflag:s11] =	ssyncset.done $0x0  }
0x7c: {  	[sflag:s11] =	ssyncadd.s32 $0xFFFFE000  }
0x7d: {  	_ =	swait.ge [sflag:s24], $0x2000  }
0x7e: {  	[sflag:s24] =	ssyncset.done $0x0  }
0x7f: {  	[sflag:s24] =	ssyncadd.s32 $0xFFFFE000  }
0x80: {  	[spmem:s2] =	stream.indirect.scatter.add.bf16 [tilespmem:s20], [sflag:$0x5], $0x40, s29, s14, $0xb8;
	[tilespmem:$0x1C000] =	vst v63  }
0x81: {  	_ =	swait.ge [sflag:s11], $0x2000  }
0x82: {  	s30 =	sadd.s32 $0x1, s30;
	[sflag:s11] =	ssyncset.done $0x0  }
0x83: {  	p0 =	sne.s32 s30, s9;
	[sflag:s11] =	ssyncadd.s32 $0xFFFFE000  }
.Ltmp1:
0x84: {  	[bflag:$0x0] =	sbarrier.arrive $0xFFFF;
	(pc) =	sbr.rel @p0 .LBB2_1-.Ltmp1, $4  }
0x85: {  	[hbm:s8], [sflag:s12] =	dma.local [spmem:s13], $0x1400  }
0x86: {  	_ =	swait.ge [sflag:s11], $0x1400  }
0x87: {  	[sflag:s11] =	ssyncset.done $0x0  }
0x88: {  	[sflag:s11] =	ssyncadd.s32 $0xFFFFEC00  }
0x89: {  	_ =	sfence.sel $0x180000  }
0x8a: {  	[bflag:$0x0] =	sbarrier.arrive $0xFFFF  }
0x8b: {  	_ =	strace $0x9000004A  }
0x8c: {  	s0 =	stileid.u32;
	[bflag:$0x2] =	sbarrier.arrive $0xFFFF  }
0x8d: {  	p0 =	sne.s32 s0, $0x0;
	s0 =	rddreg [dreg:$0x2]  }
0x8e: {  	s0 =	sadd.s32 @!p0 $0x100000, s0  }
0x8f: {  	[sflag:s0] =	ssyncadd.tile.s32 @!p0 $0x1;
	_ =	shalt  }
.Lfunc_end2:
_tile_overlayer_lowered:
.L_overlay_start_2:
0x90: {  	(tag) =	ssettag $0x2  }
0x91: {  	s0 =	rddreg [dreg:$0x0];
	s2 =	stileid.u32  }
0x92: {  	s1 =	rddreg [dreg:$0x1];
	p0 =	sne.s32 s2, $0x0  }
0x93: {  	s3 =	rddreg [dreg:$0x2];
	[bflag:$0x3] =	sbarrier.arrive $0xFFFF;
	s2 =	simm.s32 @!p0 $0x1C05  }
0x94: {  	[timem:s3], [sflag:s2] =	dma.local @!p0 [hbm:s0], s1  }
0x95: {  	s0 =	simm.s32 @!p0 $0x5  }
0x96: {  	_ =	swait.ge @!p0 [sflag:s0], s1  }
0x97: {  	s1 =	ssub.s32 @!p0 $0x0, s1;
	[sflag:s0] =	ssyncset.done @!p0 $0x0  }
0x98: {  	[sflag:s0] =	ssyncadd.s32 @!p0 s1  }
0x99: {  	[bflag:$0x3] =	sbarrier.arrive $0xFFFF  }
0x9a: {  	_ =	shalt  }

// kernel: kernel.16.cloned.1.call-start
scs
__scs_entry_jumppad:
0x0: {  	(pc) =	sbr.rel $0x88, $3  }
0x1: {  	(tag) =	ssettag $0x0;
	lr =	simm.s32 $0x1  }
0x2: {  	[smem:$0x3F94] =	sst lr;
	_ =	strace $0xD0000000  }
0x3: {  	_ = 	snop  }
0x4: {  	_ = 	snop  }
0x5: {  	_ = 	snop  }
0x6: {  	_ = 	snop  }
0x7: {  	_ = 	snop  }
__scs_overlays_trampoline_lowered:
0x8: {  	[smem:$0x3FA3] =	sst s0  }
0x9: {  	[smem:$0x3FA4] =	sst s1  }
0xa: {  	[smem:$0x3FA5] =	sst s2  }
0xb: {  	[smem:$0x3FA6] =	sst s3  }
0xc: {  	[smem:$0x3FA7] =	sst s4  }
0xd: {  	[smem:$0x3FA8] =	sst s5  }
0xe: {  	[smem:$0x3FA9] =	sst s6  }
0xf: {  	[smem:$0x3FAA] =	sst s7  }
0x10: {  	[smem:$0x3FAB] =	sst s8  }
0x11: {  	[smem:$0x3FAC] =	sst s9;
	s0 =	simm.s32 @!p0 $0x0  }
0x12: {  	s1 =	sld [smem:$0x3F92];
	s0 =	simm.s32 @p0 $0x1  }
0x13: {  	[smem:$0x3FAD] =	sst s0;
	s0 =	simm.s32 @!p1 $0x0  }
0x14: {  	s2 =	sld [smem:$0x3F91];
	s0 =	simm.s32 @p1 $0x1  }
0x15: {  	[smem:$0x3FAE] =	sst s0;
	s0 =	simm.s32 @!p2 $0x0  }
0x16: {  	s3 =	sld [smem:$0x3FDB];
	s0 =	simm.s32 @p2 $0x1  }
0x17: {  	s4 =	simm.s32 $0x1BF5;
	[smem:$0x3FB0] =	sst s0  }
0x18: {  	s0 =	sld [smem:$0x3F93];
	_ =	swait.ge [sflag:s4], $0x0  }
0x19: {  	s7 =	sld [smem:$0x3F94]  }
0x1a: {  	s8 =	sadd.s32 $0xFFFFE003, lr  }
0x1b: {  	s9 =	sadd.s32 $0xFFFFFEF7, lr;
	s5 =	simm.s32 $0xFFFFFFFF;
	p2 =	slt.u32 s8, $0xFFFFF086  }
0x1c: {  	p1 =	slt.u32 s9, $0xF7A;
	s5 =	simm.s32 @!p2 $0x0  }
0x1d: {  	s5 =	simm.s32 @p1 $0x1;
	p0 =	seq.s32 s7, s2  }
0x1e: {  	s7 =	smul.u32 @!p0 $0xF7A, s2;
	p2 =	seq.s32 @!p0 s5, $0x0  }
0x1f: {  	s9 =	smul.u32 $0xF7A, s1;
	s8 =	simm.s32 @!p0 $0x1BF5;
	p2 =	por !p2, p0  }
0x20: {  	[sflag:s8] =	ssyncset.s32 @!p0 $0xFFFFF086;
	s6 =	sadd.s32 @!p0 s3, s7;
	s7 =	simm.s32 @!p0 $0x108  }
0x21: {  	s3 =	sadd.s32 s3, s9;
	s6 =	sadd.s32 @!p0 $0x88, s6;
	s7 =	simm.s32 @p2 $0x1082  }
0x22: {  	[simem:s7], [sflag:s8] =	dma.local @!p0 [hbm:s6], $0xF7A  }
0x23: {  	s9 =	sor.u32 $0xD0000000, s2;
	s6 =	simm.s32 $0x108;
	_ =	swait.ge @!p0 [sflag:s8], $0x0  }
0x24: {  	s3 =	sadd.s32 $0x88, s3;
	s6 =	simm.s32 @!p1 $0x1082;
	[sflag:s4] =	ssyncset.s32 $0xFFFFF086  }
0x25: {  	[simem:s6], [sflag:s4] =	dma.local [hbm:s3], $0xF7A  }
0x26: {  	[smem:$0x3F94] =	sst s1;
	(tag) =	ssettag s2;
	_ =	strace s9  }
0x27: {  	s1 =	sld [smem:$0x3FA4]  }
0x28: {  	s2 =	sld [smem:$0x3FA5]  }
0x29: {  	s4 =	sld [smem:$0x3FA7]  }
0x2a: {  	p0 =	seq.s32 s5, $0x0;
	s5 =	sld [smem:$0x3FA8]  }
0x2b: {  	s6 =	sld [smem:$0x3FA9]  }
0x2c: {  	s7 =	sld [smem:$0x3FAA]  }
0x2d: {  	s3 =	simm.s32 $0x108;
	s8 =	sld [smem:$0x3FAB]  }
0x2e: {  	s3 =	simm.s32 @!p0 $0x1082;
	s9 =	sld [smem:$0x3FAC]  }
0x2f: {  	lr =	sadd.s32 s0, s3;
	s0 =	sld [smem:$0x3FA3]  }
0x30: {  	s3 =	sld [smem:$0x3FA6]  }
0x31: {  	[smem:$0x3FAF] =	sst s10  }
0x32: {  	s10 =	sld [smem:$0x3FAD];
	_ =	sdelay $0x3  }
0x33: {  	p0 =	seq.s32 s10, $0x1;
	s10 =	sld [smem:$0x3FAF];
	_ =	sdelay $0x3  }
0x34: {  	[smem:$0x3FAF] =	sst s10  }
0x35: {  	s10 =	sld [smem:$0x3FAE];
	_ =	sdelay $0x3  }
0x36: {  	p1 =	seq.s32 s10, $0x1;
	s10 =	sld [smem:$0x3FAF];
	_ =	sdelay $0x3  }
0x37: {  	[smem:$0x3FAF] =	sst s10  }
0x38: {  	s10 =	sld [smem:$0x3FB0]  }
0x39: {  	_ = 	snop;
	(pc) =	sbr.ind lr, $3  }
0x3a: {  	_ = 	snop  }
0x3b: {  	_ = 	snop  }
0x3c: {  	p2 =	seq.s32 s10, $0x1;
	s10 =	sld [smem:$0x3FAF]  }
0x3d: {  	_ =	shalt  }
0x3e: {  	_ =	shalt  }
0x3f: {  	_ =	shalt  }
0x40: {  	_ =	shalt  }
0x41: {  	_ =	shalt  }
0x42: {  	_ =	shalt  }
0x43: {  	_ =	shalt  }
0x44: {  	_ =	shalt  }
0x45: {  	_ =	shalt  }
0x46: {  	_ =	shalt  }
0x47: {  	_ =	shalt  }
0x48: {  	_ =	shalt  }
0x49: {  	_ =	shalt  }
0x4a: {  	_ =	shalt  }
0x4b: {  	_ =	shalt  }
0x4c: {  	_ =	shalt  }
0x4d: {  	_ =	shalt  }
0x4e: {  	_ =	shalt  }
0x4f: {  	_ =	shalt  }
0x50: {  	_ =	shalt  }
0x51: {  	_ =	shalt  }
0x52: {  	_ =	shalt  }
0x53: {  	_ =	shalt  }
0x54: {  	_ =	shalt  }
0x55: {  	_ =	shalt  }
0x56: {  	_ =	shalt  }
0x57: {  	_ =	shalt  }
0x58: {  	_ =	shalt  }
0x59: {  	_ =	shalt  }
0x5a: {  	_ =	shalt  }
0x5b: {  	_ =	shalt  }
0x5c: {  	_ =	shalt  }
0x5d: {  	_ =	shalt  }
0x5e: {  	_ =	shalt  }
0x5f: {  	_ =	shalt  }
0x60: {  	_ =	shalt  }
0x61: {  	_ =	shalt  }
0x62: {  	_ =	shalt  }
0x63: {  	_ =	shalt  }
0x64: {  	_ =	shalt  }
0x65: {  	_ =	shalt  }
0x66: {  	_ =	shalt  }
0x67: {  	_ =	shalt  }
0x68: {  	_ =	shalt  }
0x69: {  	_ =	shalt  }
0x6a: {  	_ =	shalt  }
0x6b: {  	_ =	shalt  }
0x6c: {  	_ =	shalt  }
0x6d: {  	_ =	shalt  }
0x6e: {  	_ =	shalt  }
0x6f: {  	_ =	shalt  }
0x70: {  	_ =	shalt  }
0x71: {  	_ =	shalt  }
0x72: {  	_ =	shalt  }
0x73: {  	_ =	shalt  }
0x74: {  	_ =	shalt  }
0x75: {  	_ =	shalt  }
0x76: {  	_ =	shalt  }
0x77: {  	_ =	shalt  }
0x78: {  	_ =	shalt  }
0x79: {  	_ =	shalt  }
0x7a: {  	_ =	shalt  }
0x7b: {  	_ =	shalt  }
0x7c: {  	_ =	shalt  }
0x7d: {  	_ =	shalt  }
0x7e: {  	_ =	shalt  }
0x7f: {  	_ =	shalt  }
0x80: {  	_ =	shalt  }
0x81: {  	_ =	shalt  }
0x82: {  	_ =	shalt  }
0x83: {  	_ =	shalt  }
0x84: {  	_ =	shalt  }
0x85: {  	_ =	shalt  }
0x86: {  	_ =	shalt  }
0x87: {  	_ =	shalt  }
.Lfunc_end0:
.L_simem_size_0:
called_computation.2_lowered:
.L_overlay_start_0:
0x88: {  	s2 =	sld [smem:$0x3FD9]  }
0x89: {  	s3 =	sld [smem:$0x3FFE];
	_ =	sdelay $0x1  }
0x8a: {  	s1 =	srdreg.scid  }
0x8b: {  	s0 =	sand.u32 $0x1, s1  }
0x8c: {  	s16 =	sshll.u32 s0, $0xA;
	s2 =	sadd.s32 s3, s2  }
0x8d: {  	s2 =	sadd.s32 s2, s16  }
0x8e: {  	[smem:$0x3FBB] =	sst s2  }
0x8f: {  	_ = 	snop  }
0x90: {  	(tm) =	ssettm $0x1  }
0x91: {  	s17 =	sld [smem:$0x3FFB];
	_ =	sdelay $0x3  }
0x92: {  	_ =	strace s17  }
0x93: {  	s2 =	sld [smem:$0x3FFC];
	_ =	sdelay $0x3  }
0x94: {  	_ =	strace s2  }
0x95: {  	s2 =	sld [smem:$0x3FFD];
	_ =	sdelay $0x3  }
0x96: {  	_ =	strace s2  }
0x97: {  	_ =	strace $0x8FFFFFFF  }
0x98: {  	s18 =	sld [smem:$0x3FDB];
	_ =	sdelay $0x1  }
0x99: {  	s19 =	simm.s32 $_scs_section_size  }
0x9a: {  	s4 =	simm.s32 $_size__tile_overlayer_lowered;
	s5 =	simm.s32 $_tile_overlayer_lowered  }
0x9b: {  	s22 =	simm.s32 $0x1BFF;
	s21 =	sshll.u32 s5, $0x1;
	s2 =	sadd.s32 s19, s18  }
0x9c: {  	s6 =	simm.s32 $0x0;
	s20 =	sshll.u32 s4, $0x1;
	s4 =	sadd.s32 s21, s2  }
0x9d: {  	[timem:s6], [sflag:s22] =	dma.local [hbm:s4], s20  }
0x9e: {  	_ =	swait.ge [sflag:s22], s20  }
0x9f: {  	s3 =	ssub.s32 $0x0, s20;
	[sflag:s22] =	ssyncset.done $0x0  }
0xa0: {  	[sflag:s22] =	ssyncadd.s32 s3;
	_ =	sdelay $0x1  }
0xa1: {  	s23 =	simm.s32 $0x1B8B  }
0xa2: {  	_ =	swait.ge [sflag:s23], $0x1  }
0xa3: {  	[sflag:s23] =	ssyncset.done $0x0  }
0xa4: {  	s25 =	simm.s32 $0x1B8E;
	s24 =	sld [smem:$0x3FFE];
	[sflag:s23] =	ssyncadd.s32 $0xFFFFFFFF  }
0xa5: {  	s26 =	simm.s32 $execute0_lowered;
	[smem:$0x3FD2] =	sst s25  }
0xa6: {  	s4 =	sshll.u32 s26, $0x1;
	_ =	strace $0x8000004C;
	[dreg:$0x1] =	wrdreg $0xFFFFFFFF  }
0xa7: {  	s28 =	simm.s32 $_size_execute0_lowered;
	s2 =	sadd.s32 s2, s4;
	[dreg:$0x0] =	wrdreg $0x0  }
0xa8: {  	s4 =	sshll.u32 s28, $0x1;
	[dreg:$0x2] =	wrdreg s2  }
0xa9: {  	[dreg:$0x3] =	wrdreg s4  }
0xaa: {  	[dreg:$0x4] =	wrdreg $0xC0  }
0xab: {  	_ =	task [dreg:s6], $0x5FFFF  }
0xac: {  	[dreg:$0x1] =	wrdreg $0xFFFFFFFF  }
0xad: {  	[dreg:$0x0] =	wrdreg $0x60  }
0xae: {  	[dreg:$0x2] =	wrdreg s24  }
0xaf: {  	[dreg:$0x3] =	wrdreg $0x120000  }
0xb0: {  	[dreg:$0x4] =	wrdreg $0x9  }
0xb1: {  	_ =	task.clear_ibuf [dreg:s6], $0x5FFFF;
	_ =	strace $0x9000004C  }
0xb2: {  	s29 =	simm.s32 $0x9;
	_ =	strace $0x8000004E  }
0xb3: {  	_ =	swait.ge [sflag:s29], $0x1  }
0xb4: {  	[sflag:s29] =	ssyncadd.s32 $0xFFFFFFFF  }
0xb5: {  	_ =	strace $0x9000004E  }
0xb6: {  	_ =	sfence  }
0xb7: {  	s30 =	sld [smem:$0x0];
	_ =	sdelay $0x2  }
0xb8: {  	s31 =	sshll.u32 s1, $0xD;
	s1 =	sshrl.u32 s1, $0x2  }
0xb9: {  	s3 =	sand.u32 $0x4000, s31;
	s1 =	sadd.s32 s1, s30  }
0xba: {  	s0 =	sor.u32 s3, s0;
	s1 =	sshll.u32 s1, $0x11  }
0xbb: {  	s0 =	sor.u32 s1, s0  }
0xbc: {  	s0 =	sadd.s32 $0x8F2B, s0  }
0xbd: {  	[sflag:s0] =	ssyncadd.remote.s32 $0x1  }
0xbe: {  	_ =	sfence.sel $0xFFFF  }
0xbf: {  	[dreg:$0x0] =	wrdreg $0xFFFFFFFF;
	(pc) =	sbr.abs _section_cstart, $3  }
0xc0: {  	[dreg:$0x1] =	wrdreg $0xFFFFFFFF  }
0xc1: {  	_ =	task.clear_ibuf [dreg:s6], $0x2FFFF;
	_ =	strace $0x9FFFFFFF  }
0xc2: {  	(tm) =	ssettm $0x7FFFFFFF  }
0xc3: {  	_ =	shalt  }
tec
execute0_lowered:
.L_overlay_start_1:
0x0: {  	(tag) =	ssettag $0x1  }
0x1: {  	s1 =	srdreg.scid;
	s6 =	rddreg [dreg:$0x0]  }
0x2: {  	s0 =	stileid.u32;
	s2 =	rddreg [dreg:$0x1]  }
0x3: {  	s3 =	simm.s32 $0x0;
	s14 =	simm.s32 $0x80;
	s15 =	simm.s32 $0xA000  }
0x4: {  	s16 =	simm.s32 $0xC000;
	s17 =	simm.s32 $0x100;
	s18 =	simm.s32 $0xE000  }
0x5: {  	s19 =	simm.s32 $0x180;
	s20 =	simm.s32 $0x10000;
	s21 =	simm.s32 $0x1  }
0x6: {  	s22 =	simm.s32 $0x2;
	s23 =	simm.s32 $0x3;
	s24 =	simm.s32 $0x4  }
0x7: {  	s25 =	simm.s32 $0x9E00;
	s26 =	simm.s32 $0x9E80;
	s5 =	smul.u32 $0x5000, s0  }
0x8: {  	s28 =	simm.s32 $0x9F00;
	s1 =	sand.u32 $0x1, s1;
	s8 =	smul.u32 $0x14000, s0  }
0x9: {  	s29 =	simm.s32 $0x9F80;
	s30 =	simm.s32 $0x0;
	s4 =	smul.u32 $0x50000, s1  }
0xa: {  	[smem:$0x7FF] =	sst s3;
	s31 =	sshll.u32 s0, $0x6;
	s9 =	smul.u32 $0x140000, s1  }
0xb: {  	_ =	strace $0x8000004D;
	s1 =	ssub.s32 $0x2, s1;
	s12 =	sor.u32 $0x1C05, s31  }
0xc: {  	s11 =	sshrl.u32 s1, $0x1;
	s4 =	sadd.s32 s5, s4;
	s5 =	sshrl.u32 s5, $0x3  }
0xd: {  	s9 =	sadd.s32 s8, s9;
	s1 =	ssub.s32 s1, s11;
	s8 =	sshrl.u32 s8, $0x1  }
0xe: {  	s11 =	simm.s32 $0x5;
	s7 =	sshrl.u32 s4, $0x3;
	s4 =	sadd.s32 $0x2BC00, s6  }
0xf: {  	s10 =	sadd.s32 s5, s6;
	s9 =	sshrl.u32 s9, $0x4;
	s5 =	sadd.s32 $0x16800, s6  }
0x10: {  	s13 =	sadd.s32 s8, s2;
	s7 =	sadd.s32 s7, s6;
	s9 =	sadd.s32 s9, s6  }
0x11: {  	s6 =	sadd.s32 $0x2800, s10;
	s10 =	simm.s32 $0x5000;
	s13 =	sshrl.u32 s13, $0x3  }
0x12: {  	s7 =	sadd.s32 $0x17C00, s7;
	s8 =	sadd.s32 $0x53C00, s9;
	s9 =	smax.u32 s1, $0x1  }
.LBB2_1:
0x13: {  	[tilespmem:s10], [sflag:$0x5] =	stream.linear.gather [hbm4b:s6+s3], $0x5000, $0x38;
	[tilespmem:$0x1C000] =	vst v63  }
0x14: {  	_ =	swait.ge [sflag:s11], $0x5000  }
0x15: {  	[sflag:s11] =	ssyncset.done $0x0  }
0x16: {  	[sflag:s11] =	ssyncadd.s32 $0xFFFFB000  }
0x17: {  	[tilespmem:s3], [sflag:$0x5] =	stream.linear.gather [hbm4b:s7+s3], $0x5000, $0x38;
	[tilespmem:$0x1C000] =	vst v63  }
0x18: {  	_ =	swait.ge [sflag:s11], $0x5000  }
0x19: {  	[sflag:s11] =	ssyncset.done $0x0  }
0x1a: {  	[sflag:s11] =	ssyncadd.s32 $0xFFFFB000  }
0x1b: {  	[spmem:s13], [sflag:s12] =	dma.local [hbm:s5], $0x1400  }
0x1c: {  	_ =	swait.ge [sflag:s11], $0x1400  }
0x1d: {  	[sflag:s11] =	ssyncset.done $0x0  }
0x1e: {  	[sflag:s11] =	ssyncadd.s32 $0xFFFFEC00  }
0x1f: {  	[bflag:$0x0] =	sbarrier.arrive $0xFFFF  }
0x20: {  	[tilespmem:s15], [sflag:$0x1] =	stream.indirect.gather [hbm4b:s4+s14], $0x40, s3, s14, $0xb8;
	[tilespmem:$0x1C000] =	vst v63  }
0x21: {  	_ = 	snop  }
0x22: {  	[tilespmem:s16], [sflag:$0x2] =	stream.indirect.gather [hbm4b:s4+s14], $0x40, s14, s14, $0xb8;
	[tilespmem:$0x1C000] =	vst v63  }
0x23: {  	_ = 	snop  }
0x24: {  	[tilespmem:s18], [sflag:$0x3] =	stream.indirect.gather [hbm4b:s4+s14], $0x40, s17, s14, $0xb8;
	[tilespmem:$0x1C000] =	vst v63  }
0x25: {  	_ = 	snop  }
0x26: {  	[tilespmem:s20], [sflag:$0x4] =	stream.indirect.gather [hbm4b:s4+s14], $0x40, s19, s14, $0xb8;
	[tilespmem:$0x1C000] =	vst v63  }
0x27: {  	_ =	swait.ge [sflag:s21], $0x2000  }
0x28: {  	[sflag:s21] =	ssyncset.done $0x0  }
0x29: {  	s1 =	simm.s32 $0x5000;
	[sflag:s21] =	ssyncadd.s32 $0xFFFFE000  }
0x2a: {  	[spmem:s2] =	stream.indirect.scatter.add.bf16 [tilespmem:s15], [sflag:$0x5], $0x40, s1, s14, $0xb8;
	[tilespmem:$0x1C000] =	vst v63  }
0x2b: {  	_ =	swait.ge [sflag:s11], $0x2000  }
0x2c: {  	[sflag:s11] =	ssyncset.done $0x0  }
0x2d: {  	s0 =	simm.s32 $0x200;
	[sflag:s11] =	ssyncadd.s32 $0xFFFFE000  }
0x2e: {  	[tilespmem:s15], [sflag:$0x1] =	stream.indirect.gather [hbm4b:s4+s14], $0x40, s0, s14, $0xb8;
	[tilespmem:$0x1C000] =	vst v63  }
0x2f: {  	_ =	swait.ge [sflag:s22], $0x2000  }
0x30: {  	[sflag:s22] =	ssyncset.done $0x0  }
0x31: {  	s0 =	simm.s32 $0x5080;
	[sflag:s22] =	ssyncadd.s32 $0xFFFFE000  }
0x32: {  	[spmem:s2] =	stream.indirect.scatter.add.bf16 [tilespmem:s16], [sflag:$0x5], $0x40, s0, s14, $0xb8;
	[tilespmem:$0x1C000] =	vst v63  }
0x33: {  	_ =	swait.ge [sflag:s11], $0x2000  }
0x34: {  	[sflag:s11] =	ssyncset.done $0x0  }
0x35: {  	s0 =	simm.s32 $0x280;
	[sflag:s11] =	ssyncadd.s32 $0xFFFFE000  }
0x36: {  	[tilespmem:s16], [sflag:$0x2] =	stream.indirect.gather [hbm4b:s4+s14], $0x40, s0, s14, $0xb8;
	[tilespmem:$0x1C000] =	vst v63  }
0x37: {  	_ =	swait.ge [sflag:s23], $0x2000  }
0x38: {  	[sflag:s23] =	ssyncset.done $0x0  }
0x39: {  	s0 =	simm.s32 $0x5100;
	[sflag:s23] =	ssyncadd.s32 $0xFFFFE000  }
0x3a: {  	[spmem:s2] =	stream.indirect.scatter.add.bf16 [tilespmem:s18], [sflag:$0x5], $0x40, s0, s14, $0xb8;
	[tilespmem:$0x1C000] =	vst v63  }
0x3b: {  	_ =	swait.ge [sflag:s11], $0x2000  }
0x3c: {  	[sflag:s11] =	ssyncset.done $0x0  }
0x3d: {  	s0 =	simm.s32 $0x300;
	[sflag:s11] =	ssyncadd.s32 $0xFFFFE000  }
0x3e: {  	[tilespmem:s18], [sflag:$0x3] =	stream.indirect.gather [hbm4b:s4+s14], $0x40, s0, s14, $0xb8;
	[tilespmem:$0x1C000] =	vst v63  }
0x3f: {  	_ =	swait.ge [sflag:s24], $0x2000  }
0x40: {  	[sflag:s24] =	ssyncset.done $0x0  }
0x41: {  	s0 =	simm.s32 $0x5180;
	[sflag:s24] =	ssyncadd.s32 $0xFFFFE000  }
0x42: {  	[spmem:s2] =	stream.indirect.scatter.add.bf16 [tilespmem:s20], [sflag:$0x5], $0x40, s0, s14, $0xb8;
	[tilespmem:$0x1C000] =	vst v63  }
0x43: {  	_ =	swait.ge [sflag:s11], $0x2000  }
0x44: {  	[sflag:s11] =	ssyncset.done $0x0  }
0x45: {  	s31 =	simm.s32 $0x800;
	s1 =	simm.s32 $0x380;
	[sflag:s11] =	ssyncadd.s32 $0xFFFFE000  }
.LBB2_2:
0x46: {  	[tilespmem:s20], [sflag:$0x4] =	stream.indirect.gather [hbm4b:s4+s14], $0x40, s1, s14, $0xb8;
	[tilespmem:$0x1C000] =	vst v63  }
0x47: {  	s1 =	smov.u32 s31  }
0x48: {  	p0 =	sne.s32 s31, $0x13000;
	s31 =	sadd.s32 $0x800, s31;
	_ =	swait.ge [sflag:s21], $0x2000  }
0x49: {  	s1 =	sshra.s32 s1, $0x2;
	[sflag:s21] =	ssyncset.done $0x0  }
0x4a: {  	s0 =	sadd.s32 $0x5000, s1;
	[sflag:s21] =	ssyncadd.s32 $0xFFFFE000  }
0x4b: {  	[spmem:s2] =	stream.indirect.scatter.add.bf16 [tilespmem:s15], [sflag:$0x5], $0x40, s0, s14, $0xb8;
	[tilespmem:$0x1C000] =	vst v63  }
0x4c: {  	_ =	swait.ge [sflag:s11], $0x2000  }
0x4d: {  	[sflag:s11] =	ssyncset.done $0x0  }
0x4e: {  	s0 =	sadd.s32 $0x200, s1;
	[sflag:s11] =	ssyncadd.s32 $0xFFFFE000  }
0x4f: {  	[tilespmem:s15], [sflag:$0x1] =	stream.indirect.gather [hbm4b:s4+s14], $0x40, s0, s14, $0xb8;
	[tilespmem:$0x1C000] =	vst v63  }
0x50: {  	_ =	swait.ge [sflag:s22], $0x2000  }
0x51: {  	[sflag:s22] =	ssyncset.done $0x0  }
0x52: {  	s0 =	sadd.s32 $0x5080, s1;
	[sflag:s22] =	ssyncadd.s32 $0xFFFFE000  }
0x53: {  	[spmem:s2] =	stream.indirect.scatter.add.bf16 [tilespmem:s16], [sflag:$0x5], $0x40, s0, s14, $0xb8;
	[tilespmem:$0x1C000] =	vst v63  }
0x54: {  	_ =	swait.ge [sflag:s11], $0x2000  }
0x55: {  	[sflag:s11] =	ssyncset.done $0x0  }
0x56: {  	s0 =	sadd.s32 $0x280, s1;
	[sflag:s11] =	ssyncadd.s32 $0xFFFFE000  }
0x57: {  	[tilespmem:s16], [sflag:$0x2] =	stream.indirect.gather [hbm4b:s4+s14], $0x40, s0, s14, $0xb8;
	[tilespmem:$0x1C000] =	vst v63  }
0x58: {  	_ =	swait.ge [sflag:s23], $0x2000  }
0x59: {  	[sflag:s23] =	ssyncset.done $0x0  }
0x5a: {  	s0 =	sadd.s32 $0x5100, s1;
	[sflag:s23] =	ssyncadd.s32 $0xFFFFE000  }
0x5b: {  	[spmem:s2] =	stream.indirect.scatter.add.bf16 [tilespmem:s18], [sflag:$0x5], $0x40, s0, s14, $0xb8;
	[tilespmem:$0x1C000] =	vst v63  }
0x5c: {  	_ =	swait.ge [sflag:s11], $0x2000  }
0x5d: {  	[sflag:s11] =	ssyncset.done $0x0  }
0x5e: {  	s0 =	sadd.s32 $0x300, s1;
	[sflag:s11] =	ssyncadd.s32 $0xFFFFE000  }
0x5f: {  	[tilespmem:s18], [sflag:$0x3] =	stream.indirect.gather [hbm4b:s4+s14], $0x40, s0, s14, $0xb8;
	[tilespmem:$0x1C000] =	vst v63  }
0x60: {  	_ =	swait.ge [sflag:s24], $0x2000  }
0x61: {  	[sflag:s24] =	ssyncset.done $0x0  }
.Ltmp0:
0x62: {  	s0 =	sadd.s32 $0x5180, s1;
	[sflag:s24] =	ssyncadd.s32 $0xFFFFE000;
	(pc) =	sbr.rel @p0 .LBB2_2-.Ltmp0, $4  }
0x63: {  	[spmem:s2] =	stream.indirect.scatter.add.bf16 [tilespmem:s20], [sflag:$0x5], $0x40, s0, s14, $0xb8;
	[tilespmem:$0x1C000] =	vst v63  }
0x64: {  	_ =	swait.ge [sflag:s11], $0x2000  }
0x65: {  	[sflag:s11] =	ssyncset.done $0x0  }
0x66: {  	s1 =	sadd.s32 $0x380, s1;
	[sflag:s11] =	ssyncadd.s32 $0xFFFFE000  }
0x67: {  	[tilespmem:s20], [sflag:$0x4] =	stream.indirect.gather [hbm4b:s4+s14], $0x40, s1, s14, $0xb8;
	[tilespmem:$0x1C000] =	vst v63  }
0x68: {  	_ =	swait.ge [sflag:s21], $0x2000  }
0x69: {  	[sflag:s21] =	ssyncset.done $0x0  }
0x6a: {  	[sflag:s21] =	ssyncadd.s32 $0xFFFFE000  }
0x6b: {  	[spmem:s2] =	stream.indirect.scatter.add.bf16 [tilespmem:s15], [sflag:$0x5], $0x40, s25, s14, $0xb8;
	[tilespmem:$0x1C000] =	vst v63  }
0x6c: {  	_ =	swait.ge [sflag:s11], $0x2000  }
0x6d: {  	[sflag:s11] =	ssyncset.done $0x0  }
0x6e: {  	[sflag:s11] =	ssyncadd.s32 $0xFFFFE000  }
0x6f: {  	_ =	swait.ge [sflag:s22], $0x2000  }
0x70: {  	[sflag:s22] =	ssyncset.done $0x0  }
0x71: {  	[sflag:s22] =	ssyncadd.s32 $0xFFFFE000  }
0x72: {  	[spmem:s2] =	stream.indirect.scatter.add.bf16 [tilespmem:s16], [sflag:$0x5], $0x40, s26, s14, $0xb8;
	[tilespmem:$0x1C000] =	vst v63  }
0x73: {  	_ =	swait.ge [sflag:s11], $0x2000  }
0x74: {  	[sflag:s11] =	ssyncset.done $0x0  }
0x75: {  	[sflag:s11] =	ssyncadd.s32 $0xFFFFE000  }
0x76: {  	_ =	swait.ge [sflag:s23], $0x2000  }
0x77: {  	[sflag:s23] =	ssyncset.done $0x0  }
0x78: {  	[sflag:s23] =	ssyncadd.s32 $0xFFFFE000  }
0x79: {  	[spmem:s2] =	stream.indirect.scatter.add.bf16 [tilespmem:s18], [sflag:$0x5], $0x40, s28, s14, $0xb8;
	[tilespmem:$0x1C000] =	vst v63  }
0x7a: {  	_ =	swait.ge [sflag:s11], $0x2000  }
0x7b: {  	[sflag:s11] =	ssyncset.done $0x0  }
0x7c: {  	[sflag:s11] =	ssyncadd.s32 $0xFFFFE000  }
0x7d: {  	_ =	swait.ge [sflag:s24], $0x2000  }
0x7e: {  	[sflag:s24] =	ssyncset.done $0x0  }
0x7f: {  	[sflag:s24] =	ssyncadd.s32 $0xFFFFE000  }
0x80: {  	[spmem:s2] =	stream.indirect.scatter.add.bf16 [tilespmem:s20], [sflag:$0x5], $0x40, s29, s14, $0xb8;
	[tilespmem:$0x1C000] =	vst v63  }
0x81: {  	_ =	swait.ge [sflag:s11], $0x2000  }
0x82: {  	s30 =	sadd.s32 $0x1, s30;
	[sflag:s11] =	ssyncset.done $0x0  }
0x83: {  	p0 =	sne.s32 s30, s9;
	[sflag:s11] =	ssyncadd.s32 $0xFFFFE000  }
.Ltmp1:
0x84: {  	[bflag:$0x0] =	sbarrier.arrive $0xFFFF;
	(pc) =	sbr.rel @p0 .LBB2_1-.Ltmp1, $4  }
0x85: {  	[hbm:s8], [sflag:s12] =	dma.local [spmem:s13], $0x1400  }
0x86: {  	_ =	swait.ge [sflag:s11], $0x1400  }
0x87: {  	[sflag:s11] =	ssyncset.done $0x0  }
0x88: {  	[sflag:s11] =	ssyncadd.s32 $0xFFFFEC00  }
0x89: {  	_ =	sfence.sel $0x180000  }
0x8a: {  	[bflag:$0x0] =	sbarrier.arrive $0xFFFF  }
0x8b: {  	_ =	strace $0x9000004D  }
0x8c: {  	s0 =	stileid.u32;
	[bflag:$0x2] =	sbarrier.arrive $0xFFFF  }
0x8d: {  	p0 =	sne.s32 s0, $0x0;
	s0 =	rddreg [dreg:$0x2]  }
0x8e: {  	s0 =	sadd.s32 @!p0 $0x100000, s0  }
0x8f: {  	[sflag:s0] =	ssyncadd.tile.s32 @!p0 $0x1;
	_ =	shalt  }
.Lfunc_end2:
_tile_overlayer_lowered:
.L_overlay_start_2:
0x90: {  	(tag) =	ssettag $0x2  }
0x91: {  	s0 =	rddreg [dreg:$0x0];
	s2 =	stileid.u32  }
0x92: {  	s1 =	rddreg [dreg:$0x1];
	p0 =	sne.s32 s2, $0x0  }
0x93: {  	s3 =	rddreg [dreg:$0x2];
	[bflag:$0x3] =	sbarrier.arrive $0xFFFF;
	s2 =	simm.s32 @!p0 $0x1C05  }
0x94: {  	[timem:s3], [sflag:s2] =	dma.local @!p0 [hbm:s0], s1  }
0x95: {  	s0 =	simm.s32 @!p0 $0x5  }
0x96: {  	_ =	swait.ge @!p0 [sflag:s0], s1  }
0x97: {  	s1 =	ssub.s32 @!p0 $0x0, s1;
	[sflag:s0] =	ssyncset.done @!p0 $0x0  }
0x98: {  	[sflag:s0] =	ssyncadd.s32 @!p0 s1  }
0x99: {  	[bflag:$0x3] =	sbarrier.arrive $0xFFFF  }
0x9a: {  	_ =	shalt  }

// kernel: kernel.19.cloned.1.call-start
scs
__scs_entry_jumppad:
0x0: {  	(pc) =	sbr.rel $0x88, $3  }
0x1: {  	(tag) =	ssettag $0x0;
	lr =	simm.s32 $0x1  }
0x2: {  	[smem:$0x3F94] =	sst lr;
	_ =	strace $0xD0000000  }
0x3: {  	_ = 	snop  }
0x4: {  	_ = 	snop  }
0x5: {  	_ = 	snop  }
0x6: {  	_ = 	snop  }
0x7: {  	_ = 	snop  }
__scs_overlays_trampoline_lowered:
0x8: {  	[smem:$0x3FA3] =	sst s0  }
0x9: {  	[smem:$0x3FA4] =	sst s1  }
0xa: {  	[smem:$0x3FA5] =	sst s2  }
0xb: {  	[smem:$0x3FA6] =	sst s3  }
0xc: {  	[smem:$0x3FA7] =	sst s4  }
0xd: {  	[smem:$0x3FA8] =	sst s5  }
0xe: {  	[smem:$0x3FA9] =	sst s6  }
0xf: {  	[smem:$0x3FAA] =	sst s7  }
0x10: {  	[smem:$0x3FAB] =	sst s8  }
0x11: {  	[smem:$0x3FAC] =	sst s9;
	s0 =	simm.s32 @!p0 $0x0  }
0x12: {  	s1 =	sld [smem:$0x3F92];
	s0 =	simm.s32 @p0 $0x1  }
0x13: {  	[smem:$0x3FAD] =	sst s0;
	s0 =	simm.s32 @!p1 $0x0  }
0x14: {  	s2 =	sld [smem:$0x3F91];
	s0 =	simm.s32 @p1 $0x1  }
0x15: {  	[smem:$0x3FAE] =	sst s0;
	s0 =	simm.s32 @!p2 $0x0  }
0x16: {  	s3 =	sld [smem:$0x3FDB];
	s0 =	simm.s32 @p2 $0x1  }
0x17: {  	s4 =	simm.s32 $0x1BF5;
	[smem:$0x3FB0] =	sst s0  }
0x18: {  	s0 =	sld [smem:$0x3F93];
	_ =	swait.ge [sflag:s4], $0x0  }
0x19: {  	s7 =	sld [smem:$0x3F94]  }
0x1a: {  	s8 =	sadd.s32 $0xFFFFE003, lr  }
0x1b: {  	s9 =	sadd.s32 $0xFFFFFEF7, lr;
	s5 =	simm.s32 $0xFFFFFFFF;
	p2 =	slt.u32 s8, $0xFFFFF086  }
0x1c: {  	p1 =	slt.u32 s9, $0xF7A;
	s5 =	simm.s32 @!p2 $0x0  }
0x1d: {  	s5 =	simm.s32 @p1 $0x1;
	p0 =	seq.s32 s7, s2  }
0x1e: {  	s7 =	smul.u32 @!p0 $0xF7A, s2;
	p2 =	seq.s32 @!p0 s5, $0x0  }
0x1f: {  	s9 =	smul.u32 $0xF7A, s1;
	s8 =	simm.s32 @!p0 $0x1BF5;
	p2 =	por !p2, p0  }
0x20: {  	[sflag:s8] =	ssyncset.s32 @!p0 $0xFFFFF086;
	s6 =	sadd.s32 @!p0 s3, s7;
	s7 =	simm.s32 @!p0 $0x108  }
0x21: {  	s3 =	sadd.s32 s3, s9;
	s6 =	sadd.s32 @!p0 $0x88, s6;
	s7 =	simm.s32 @p2 $0x1082  }
0x22: {  	[simem:s7], [sflag:s8] =	dma.local @!p0 [hbm:s6], $0xF7A  }
0x23: {  	s9 =	sor.u32 $0xD0000000, s2;
	s6 =	simm.s32 $0x108;
	_ =	swait.ge @!p0 [sflag:s8], $0x0  }
0x24: {  	s3 =	sadd.s32 $0x88, s3;
	s6 =	simm.s32 @!p1 $0x1082;
	[sflag:s4] =	ssyncset.s32 $0xFFFFF086  }
0x25: {  	[simem:s6], [sflag:s4] =	dma.local [hbm:s3], $0xF7A  }
0x26: {  	[smem:$0x3F94] =	sst s1;
	(tag) =	ssettag s2;
	_ =	strace s9  }
0x27: {  	s1 =	sld [smem:$0x3FA4]  }
0x28: {  	s2 =	sld [smem:$0x3FA5]  }
0x29: {  	s4 =	sld [smem:$0x3FA7]  }
0x2a: {  	p0 =	seq.s32 s5, $0x0;
	s5 =	sld [smem:$0x3FA8]  }
0x2b: {  	s6 =	sld [smem:$0x3FA9]  }
0x2c: {  	s7 =	sld [smem:$0x3FAA]  }
0x2d: {  	s3 =	simm.s32 $0x108;
	s8 =	sld [smem:$0x3FAB]  }
0x2e: {  	s3 =	simm.s32 @!p0 $0x1082;
	s9 =	sld [smem:$0x3FAC]  }
0x2f: {  	lr =	sadd.s32 s0, s3;
	s0 =	sld [smem:$0x3FA3]  }
0x30: {  	s3 =	sld [smem:$0x3FA6]  }
0x31: {  	[smem:$0x3FAF] =	sst s10  }
0x32: {  	s10 =	sld [smem:$0x3FAD];
	_ =	sdelay $0x3  }
0x33: {  	p0 =	seq.s32 s10, $0x1;
	s10 =	sld [smem:$0x3FAF];
	_ =	sdelay $0x3  }
0x34: {  	[smem:$0x3FAF] =	sst s10  }
0x35: {  	s10 =	sld [smem:$0x3FAE];
	_ =	sdelay $0x3  }
0x36: {  	p1 =	seq.s32 s10, $0x1;
	s10 =	sld [smem:$0x3FAF];
	_ =	sdelay $0x3  }
0x37: {  	[smem:$0x3FAF] =	sst s10  }
0x38: {  	s10 =	sld [smem:$0x3FB0]  }
0x39: {  	_ = 	snop;
	(pc) =	sbr.ind lr, $3  }
0x3a: {  	_ = 	snop  }
0x3b: {  	_ = 	snop  }
0x3c: {  	p2 =	seq.s32 s10, $0x1;
	s10 =	sld [smem:$0x3FAF]  }
0x3d: {  	_ =	shalt  }
0x3e: {  	_ =	shalt  }
0x3f: {  	_ =	shalt  }
0x40: {  	_ =	shalt  }
0x41: {  	_ =	shalt  }
0x42: {  	_ =	shalt  }
0x43: {  	_ =	shalt  }
0x44: {  	_ =	shalt  }
0x45: {  	_ =	shalt  }
0x46: {  	_ =	shalt  }
0x47: {  	_ =	shalt  }
0x48: {  	_ =	shalt  }
0x49: {  	_ =	shalt  }
0x4a: {  	_ =	shalt  }
0x4b: {  	_ =	shalt  }
0x4c: {  	_ =	shalt  }
0x4d: {  	_ =	shalt  }
0x4e: {  	_ =	shalt  }
0x4f: {  	_ =	shalt  }
0x50: {  	_ =	shalt  }
0x51: {  	_ =	shalt  }
0x52: {  	_ =	shalt  }
0x53: {  	_ =	shalt  }
0x54: {  	_ =	shalt  }
0x55: {  	_ =	shalt  }
0x56: {  	_ =	shalt  }
0x57: {  	_ =	shalt  }
0x58: {  	_ =	shalt  }
0x59: {  	_ =	shalt  }
0x5a: {  	_ =	shalt  }
0x5b: {  	_ =	shalt  }
0x5c: {  	_ =	shalt  }
0x5d: {  	_ =	shalt  }
0x5e: {  	_ =	shalt  }
0x5f: {  	_ =	shalt  }
0x60: {  	_ =	shalt  }
0x61: {  	_ =	shalt  }
0x62: {  	_ =	shalt  }
0x63: {  	_ =	shalt  }
0x64: {  	_ =	shalt  }
0x65: {  	_ =	shalt  }
0x66: {  	_ =	shalt  }
0x67: {  	_ =	shalt  }
0x68: {  	_ =	shalt  }
0x69: {  	_ =	shalt  }
0x6a: {  	_ =	shalt  }
0x6b: {  	_ =	shalt  }
0x6c: {  	_ =	shalt  }
0x6d: {  	_ =	shalt  }
0x6e: {  	_ =	shalt  }
0x6f: {  	_ =	shalt  }
0x70: {  	_ =	shalt  }
0x71: {  	_ =	shalt  }
0x72: {  	_ =	shalt  }
0x73: {  	_ =	shalt  }
0x74: {  	_ =	shalt  }
0x75: {  	_ =	shalt  }
0x76: {  	_ =	shalt  }
0x77: {  	_ =	shalt  }
0x78: {  	_ =	shalt  }
0x79: {  	_ =	shalt  }
0x7a: {  	_ =	shalt  }
0x7b: {  	_ =	shalt  }
0x7c: {  	_ =	shalt  }
0x7d: {  	_ =	shalt  }
0x7e: {  	_ =	shalt  }
0x7f: {  	_ =	shalt  }
0x80: {  	_ =	shalt  }
0x81: {  	_ =	shalt  }
0x82: {  	_ =	shalt  }
0x83: {  	_ =	shalt  }
0x84: {  	_ =	shalt  }
0x85: {  	_ =	shalt  }
0x86: {  	_ =	shalt  }
0x87: {  	_ =	shalt  }
.Lfunc_end0:
.L_simem_size_0:
called_computation.3_lowered:
.L_overlay_start_0:
0x88: {  	s2 =	sld [smem:$0x3FD9]  }
0x89: {  	s3 =	sld [smem:$0x3FFE];
	_ =	sdelay $0x1  }
0x8a: {  	s1 =	srdreg.scid  }
0x8b: {  	s0 =	sand.u32 $0x1, s1  }
0x8c: {  	s16 =	sshll.u32 s0, $0xA;
	s2 =	sadd.s32 s3, s2  }
0x8d: {  	s2 =	sadd.s32 s2, s16  }
0x8e: {  	[smem:$0x3FBB] =	sst s2  }
0x8f: {  	_ = 	snop  }
0x90: {  	(tm) =	ssettm $0x1  }
0x91: {  	s17 =	sld [smem:$0x3FFB];
	_ =	sdelay $0x3  }
0x92: {  	_ =	strace s17  }
0x93: {  	s2 =	sld [smem:$0x3FFC];
	_ =	sdelay $0x3  }
0x94: {  	_ =	strace s2  }
0x95: {  	s2 =	sld [smem:$0x3FFD];
	_ =	sdelay $0x3  }
0x96: {  	_ =	strace s2  }
0x97: {  	_ =	strace $0x8FFFFFFF  }
0x98: {  	s18 =	sld [smem:$0x3FDB];
	_ =	sdelay $0x1  }
0x99: {  	s19 =	simm.s32 $_scs_section_size  }
0x9a: {  	s4 =	simm.s32 $_size__tile_overlayer_lowered;
	s5 =	simm.s32 $_tile_overlayer_lowered  }
0x9b: {  	s22 =	simm.s32 $0x1BFF;
	s21 =	sshll.u32 s5, $0x1;
	s2 =	sadd.s32 s19, s18  }
0x9c: {  	s6 =	simm.s32 $0x0;
	s20 =	sshll.u32 s4, $0x1;
	s4 =	sadd.s32 s21, s2  }
0x9d: {  	[timem:s6], [sflag:s22] =	dma.local [hbm:s4], s20  }
0x9e: {  	_ =	swait.ge [sflag:s22], s20  }
0x9f: {  	s3 =	ssub.s32 $0x0, s20;
	[sflag:s22] =	ssyncset.done $0x0  }
0xa0: {  	[sflag:s22] =	ssyncadd.s32 s3;
	_ =	sdelay $0x1  }
0xa1: {  	s23 =	simm.s32 $0x1B8B  }
0xa2: {  	_ =	swait.ge [sflag:s23], $0x1  }
0xa3: {  	[sflag:s23] =	ssyncset.done $0x0  }
0xa4: {  	s25 =	simm.s32 $0x1B8E;
	s24 =	sld [smem:$0x3FFE];
	[sflag:s23] =	ssyncadd.s32 $0xFFFFFFFF  }
0xa5: {  	s26 =	simm.s32 $execute0_lowered;
	[smem:$0x3FD2] =	sst s25  }
0xa6: {  	s4 =	sshll.u32 s26, $0x1;
	_ =	strace $0x8000004F;
	[dreg:$0x1] =	wrdreg $0xFFFFFFFF  }
0xa7: {  	s28 =	simm.s32 $_size_execute0_lowered;
	s2 =	sadd.s32 s2, s4;
	[dreg:$0x0] =	wrdreg $0x0  }
0xa8: {  	s4 =	sshll.u32 s28, $0x1;
	[dreg:$0x2] =	wrdreg s2  }
0xa9: {  	[dreg:$0x3] =	wrdreg s4  }
0xaa: {  	[dreg:$0x4] =	wrdreg $0xC0  }
0xab: {  	_ =	task [dreg:s6], $0x5FFFF  }
0xac: {  	[dreg:$0x1] =	wrdreg $0xFFFFFFFF  }
0xad: {  	[dreg:$0x0] =	wrdreg $0x60  }
0xae: {  	[dreg:$0x2] =	wrdreg s24  }
0xaf: {  	[dreg:$0x3] =	wrdreg $0x120000  }
0xb0: {  	[dreg:$0x4] =	wrdreg $0x9  }
0xb1: {  	_ =	task.clear_ibuf [dreg:s6], $0x5FFFF;
	_ =	strace $0x9000004F  }
0xb2: {  	s29 =	simm.s32 $0x9;
	_ =	strace $0x80000051  }
0xb3: {  	_ =	swait.ge [sflag:s29], $0x1  }
0xb4: {  	[sflag:s29] =	ssyncadd.s32 $0xFFFFFFFF  }
0xb5: {  	_ =	strace $0x90000051  }
0xb6: {  	_ =	sfence  }
0xb7: {  	s30 =	sld [smem:$0x0];
	_ =	sdelay $0x2  }
0xb8: {  	s31 =	sshll.u32 s1, $0xD;
	s1 =	sshrl.u32 s1, $0x2  }
0xb9: {  	s3 =	sand.u32 $0x4000, s31;
	s1 =	sadd.s32 s1, s30  }
0xba: {  	s0 =	sor.u32 s3, s0;
	s1 =	sshll.u32 s1, $0x11  }
0xbb: {  	s0 =	sor.u32 s1, s0  }
0xbc: {  	s0 =	sadd.s32 $0x8F2B, s0  }
0xbd: {  	[sflag:s0] =	ssyncadd.remote.s32 $0x1  }
0xbe: {  	_ =	sfence.sel $0xFFFF  }
0xbf: {  	[dreg:$0x0] =	wrdreg $0xFFFFFFFF;
	(pc) =	sbr.abs _section_cstart, $3  }
0xc0: {  	[dreg:$0x1] =	wrdreg $0xFFFFFFFF  }
0xc1: {  	_ =	task.clear_ibuf [dreg:s6], $0x2FFFF;
	_ =	strace $0x9FFFFFFF  }
0xc2: {  	(tm) =	ssettm $0x7FFFFFFF  }
0xc3: {  	_ =	shalt  }
tec
execute0_lowered:
.L_overlay_start_1:
0x0: {  	(tag) =	ssettag $0x1  }
0x1: {  	s1 =	srdreg.scid;
	s6 =	rddreg [dreg:$0x0]  }
0x2: {  	s0 =	stileid.u32;
	s2 =	rddreg [dreg:$0x1]  }
0x3: {  	s3 =	simm.s32 $0x0;
	s14 =	simm.s32 $0x80;
	s15 =	simm.s32 $0xA000  }
0x4: {  	s16 =	simm.s32 $0xC000;
	s17 =	simm.s32 $0x100;
	s18 =	simm.s32 $0xE000  }
0x5: {  	s19 =	simm.s32 $0x180;
	s20 =	simm.s32 $0x10000;
	s21 =	simm.s32 $0x1  }
0x6: {  	s22 =	simm.s32 $0x2;
	s23 =	simm.s32 $0x3;
	s24 =	simm.s32 $0x4  }
0x7: {  	s25 =	simm.s32 $0x9E00;
	s26 =	simm.s32 $0x9E80;
	s5 =	smul.u32 $0x5000, s0  }
0x8: {  	s28 =	simm.s32 $0x9F00;
	s1 =	sand.u32 $0x1, s1;
	s8 =	smul.u32 $0x14000, s0  }
0x9: {  	s29 =	simm.s32 $0x9F80;
	s30 =	simm.s32 $0x0;
	s4 =	smul.u32 $0x50000, s1  }
0xa: {  	[smem:$0x7FF] =	sst s3;
	s31 =	sshll.u32 s0, $0x6;
	s9 =	smul.u32 $0x140000, s1  }
0xb: {  	_ =	strace $0x80000050;
	s1 =	ssub.s32 $0x2, s1;
	s12 =	sor.u32 $0x1C05, s31  }
0xc: {  	s11 =	sshrl.u32 s1, $0x1;
	s4 =	sadd.s32 s5, s4;
	s5 =	sshrl.u32 s5, $0x3  }
0xd: {  	s9 =	sadd.s32 s8, s9;
	s1 =	ssub.s32 s1, s11;
	s8 =	sshrl.u32 s8, $0x1  }
0xe: {  	s11 =	simm.s32 $0x5;
	s7 =	sshrl.u32 s4, $0x3;
	s4 =	sadd.s32 $0x2BC00, s6  }
0xf: {  	s10 =	sadd.s32 s5, s6;
	s9 =	sshrl.u32 s9, $0x4;
	s5 =	sadd.s32 $0x16800, s6  }
0x10: {  	s13 =	sadd.s32 s8, s2;
	s7 =	sadd.s32 s7, s6;
	s9 =	sadd.s32 s9, s6  }
0x11: {  	s6 =	sadd.s32 $0x2800, s10;
	s10 =	simm.s32 $0x5000;
	s13 =	sshrl.u32 s13, $0x3  }
0x12: {  	s7 =	sadd.s32 $0x17C00, s7;
	s8 =	sadd.s32 $0x53C00, s9;
	s9 =	smax.u32 s1, $0x1  }
.LBB2_1:
0x13: {  	[tilespmem:s10], [sflag:$0x5] =	stream.linear.gather [hbm4b:s6+s3], $0x5000, $0x38;
	[tilespmem:$0x1C000] =	vst v63  }
0x14: {  	_ =	swait.ge [sflag:s11], $0x5000  }
0x15: {  	[sflag:s11] =	ssyncset.done $0x0  }
0x16: {  	[sflag:s11] =	ssyncadd.s32 $0xFFFFB000  }
0x17: {  	[tilespmem:s3], [sflag:$0x5] =	stream.linear.gather [hbm4b:s7+s3], $0x5000, $0x38;
	[tilespmem:$0x1C000] =	vst v63  }
0x18: {  	_ =	swait.ge [sflag:s11], $0x5000  }
0x19: {  	[sflag:s11] =	ssyncset.done $0x0  }
0x1a: {  	[sflag:s11] =	ssyncadd.s32 $0xFFFFB000  }
0x1b: {  	[spmem:s13], [sflag:s12] =	dma.local [hbm:s5], $0x1400  }
0x1c: {  	_ =	swait.ge [sflag:s11], $0x1400  }
0x1d: {  	[sflag:s11] =	ssyncset.done $0x0  }
0x1e: {  	[sflag:s11] =	ssyncadd.s32 $0xFFFFEC00  }
0x1f: {  	[bflag:$0x0] =	sbarrier.arrive $0xFFFF  }
0x20: {  	[tilespmem:s15], [sflag:$0x1] =	stream.indirect.gather [hbm4b:s4+s14], $0x40, s3, s14, $0xb8;
	[tilespmem:$0x1C000] =	vst v63  }
0x21: {  	_ = 	snop  }
0x22: {  	[tilespmem:s16], [sflag:$0x2] =	stream.indirect.gather [hbm4b:s4+s14], $0x40, s14, s14, $0xb8;
	[tilespmem:$0x1C000] =	vst v63  }
0x23: {  	_ = 	snop  }
0x24: {  	[tilespmem:s18], [sflag:$0x3] =	stream.indirect.gather [hbm4b:s4+s14], $0x40, s17, s14, $0xb8;
	[tilespmem:$0x1C000] =	vst v63  }
0x25: {  	_ = 	snop  }
0x26: {  	[tilespmem:s20], [sflag:$0x4] =	stream.indirect.gather [hbm4b:s4+s14], $0x40, s19, s14, $0xb8;
	[tilespmem:$0x1C000] =	vst v63  }
0x27: {  	_ =	swait.ge [sflag:s21], $0x2000  }
0x28: {  	[sflag:s21] =	ssyncset.done $0x0  }
0x29: {  	s1 =	simm.s32 $0x5000;
	[sflag:s21] =	ssyncadd.s32 $0xFFFFE000  }
0x2a: {  	[spmem:s2] =	stream.indirect.scatter.add.bf16 [tilespmem:s15], [sflag:$0x5], $0x40, s1, s14, $0xb8;
	[tilespmem:$0x1C000] =	vst v63  }
0x2b: {  	_ =	swait.ge [sflag:s11], $0x2000  }
0x2c: {  	[sflag:s11] =	ssyncset.done $0x0  }
0x2d: {  	s0 =	simm.s32 $0x200;
	[sflag:s11] =	ssyncadd.s32 $0xFFFFE000  }
0x2e: {  	[tilespmem:s15], [sflag:$0x1] =	stream.indirect.gather [hbm4b:s4+s14], $0x40, s0, s14, $0xb8;
	[tilespmem:$0x1C000] =	vst v63  }
0x2f: {  	_ =	swait.ge [sflag:s22], $0x2000  }
0x30: {  	[sflag:s22] =	ssyncset.done $0x0  }
0x31: {  	s0 =	simm.s32 $0x5080;
	[sflag:s22] =	ssyncadd.s32 $0xFFFFE000  }
0x32: {  	[spmem:s2] =	stream.indirect.scatter.add.bf16 [tilespmem:s16], [sflag:$0x5], $0x40, s0, s14, $0xb8;
	[tilespmem:$0x1C000] =	vst v63  }
0x33: {  	_ =	swait.ge [sflag:s11], $0x2000  }
0x34: {  	[sflag:s11] =	ssyncset.done $0x0  }
0x35: {  	s0 =	simm.s32 $0x280;
	[sflag:s11] =	ssyncadd.s32 $0xFFFFE000  }
0x36: {  	[tilespmem:s16], [sflag:$0x2] =	stream.indirect.gather [hbm4b:s4+s14], $0x40, s0, s14, $0xb8;
	[tilespmem:$0x1C000] =	vst v63  }
0x37: {  	_ =	swait.ge [sflag:s23], $0x2000  }
0x38: {  	[sflag:s23] =	ssyncset.done $0x0  }
0x39: {  	s0 =	simm.s32 $0x5100;
	[sflag:s23] =	ssyncadd.s32 $0xFFFFE000  }
0x3a: {  	[spmem:s2] =	stream.indirect.scatter.add.bf16 [tilespmem:s18], [sflag:$0x5], $0x40, s0, s14, $0xb8;
	[tilespmem:$0x1C000] =	vst v63  }
0x3b: {  	_ =	swait.ge [sflag:s11], $0x2000  }
0x3c: {  	[sflag:s11] =	ssyncset.done $0x0  }
0x3d: {  	s0 =	simm.s32 $0x300;
	[sflag:s11] =	ssyncadd.s32 $0xFFFFE000  }
0x3e: {  	[tilespmem:s18], [sflag:$0x3] =	stream.indirect.gather [hbm4b:s4+s14], $0x40, s0, s14, $0xb8;
	[tilespmem:$0x1C000] =	vst v63  }
0x3f: {  	_ =	swait.ge [sflag:s24], $0x2000  }
0x40: {  	[sflag:s24] =	ssyncset.done $0x0  }
0x41: {  	s0 =	simm.s32 $0x5180;
	[sflag:s24] =	ssyncadd.s32 $0xFFFFE000  }
0x42: {  	[spmem:s2] =	stream.indirect.scatter.add.bf16 [tilespmem:s20], [sflag:$0x5], $0x40, s0, s14, $0xb8;
	[tilespmem:$0x1C000] =	vst v63  }
0x43: {  	_ =	swait.ge [sflag:s11], $0x2000  }
0x44: {  	[sflag:s11] =	ssyncset.done $0x0  }
0x45: {  	s31 =	simm.s32 $0x800;
	s1 =	simm.s32 $0x380;
	[sflag:s11] =	ssyncadd.s32 $0xFFFFE000  }
.LBB2_2:
0x46: {  	[tilespmem:s20], [sflag:$0x4] =	stream.indirect.gather [hbm4b:s4+s14], $0x40, s1, s14, $0xb8;
	[tilespmem:$0x1C000] =	vst v63  }
0x47: {  	s1 =	smov.u32 s31  }
0x48: {  	p0 =	sne.s32 s31, $0x13000;
	s31 =	sadd.s32 $0x800, s31;
	_ =	swait.ge [sflag:s21], $0x2000  }
0x49: {  	s1 =	sshra.s32 s1, $0x2;
	[sflag:s21] =	ssyncset.done $0x0  }
0x4a: {  	s0 =	sadd.s32 $0x5000, s1;
	[sflag:s21] =	ssyncadd.s32 $0xFFFFE000  }
0x4b: {  	[spmem:s2] =	stream.indirect.scatter.add.bf16 [tilespmem:s15], [sflag:$0x5], $0x40, s0, s14, $0xb8;
	[tilespmem:$0x1C000] =	vst v63  }
0x4c: {  	_ =	swait.ge [sflag:s11], $0x2000  }
0x4d: {  	[sflag:s11] =	ssyncset.done $0x0  }
0x4e: {  	s0 =	sadd.s32 $0x200, s1;
	[sflag:s11] =	ssyncadd.s32 $0xFFFFE000  }
0x4f: {  	[tilespmem:s15], [sflag:$0x1] =	stream.indirect.gather [hbm4b:s4+s14], $0x40, s0, s14, $0xb8;
	[tilespmem:$0x1C000] =	vst v63  }
0x50: {  	_ =	swait.ge [sflag:s22], $0x2000  }
0x51: {  	[sflag:s22] =	ssyncset.done $0x0  }
0x52: {  	s0 =	sadd.s32 $0x5080, s1;
	[sflag:s22] =	ssyncadd.s32 $0xFFFFE000  }
0x53: {  	[spmem:s2] =	stream.indirect.scatter.add.bf16 [tilespmem:s16], [sflag:$0x5], $0x40, s0, s14, $0xb8;
	[tilespmem:$0x1C000] =	vst v63  }
0x54: {  	_ =	swait.ge [sflag:s11], $0x2000  }
0x55: {  	[sflag:s11] =	ssyncset.done $0x0  }
0x56: {  	s0 =	sadd.s32 $0x280, s1;
	[sflag:s11] =	ssyncadd.s32 $0xFFFFE000  }
0x57: {  	[tilespmem:s16], [sflag:$0x2] =	stream.indirect.gather [hbm4b:s4+s14], $0x40, s0, s14, $0xb8;
	[tilespmem:$0x1C000] =	vst v63  }
0x58: {  	_ =	swait.ge [sflag:s23], $0x2000  }
0x59: {  	[sflag:s23] =	ssyncset.done $0x0  }
0x5a: {  	s0 =	sadd.s32 $0x5100, s1;
	[sflag:s23] =	ssyncadd.s32 $0xFFFFE000  }
0x5b: {  	[spmem:s2] =	stream.indirect.scatter.add.bf16 [tilespmem:s18], [sflag:$0x5], $0x40, s0, s14, $0xb8;
	[tilespmem:$0x1C000] =	vst v63  }
0x5c: {  	_ =	swait.ge [sflag:s11], $0x2000  }
0x5d: {  	[sflag:s11] =	ssyncset.done $0x0  }
0x5e: {  	s0 =	sadd.s32 $0x300, s1;
	[sflag:s11] =	ssyncadd.s32 $0xFFFFE000  }
0x5f: {  	[tilespmem:s18], [sflag:$0x3] =	stream.indirect.gather [hbm4b:s4+s14], $0x40, s0, s14, $0xb8;
	[tilespmem:$0x1C000] =	vst v63  }
0x60: {  	_ =	swait.ge [sflag:s24], $0x2000  }
0x61: {  	[sflag:s24] =	ssyncset.done $0x0  }
.Ltmp0:
0x62: {  	s0 =	sadd.s32 $0x5180, s1;
	[sflag:s24] =	ssyncadd.s32 $0xFFFFE000;
	(pc) =	sbr.rel @p0 .LBB2_2-.Ltmp0, $4  }
0x63: {  	[spmem:s2] =	stream.indirect.scatter.add.bf16 [tilespmem:s20], [sflag:$0x5], $0x40, s0, s14, $0xb8;
	[tilespmem:$0x1C000] =	vst v63  }
0x64: {  	_ =	swait.ge [sflag:s11], $0x2000  }
0x65: {  	[sflag:s11] =	ssyncset.done $0x0  }
0x66: {  	s1 =	sadd.s32 $0x380, s1;
	[sflag:s11] =	ssyncadd.s32 $0xFFFFE000  }
0x67: {  	[tilespmem:s20], [sflag:$0x4] =	stream.indirect.gather [hbm4b:s4+s14], $0x40, s1, s14, $0xb8;
	[tilespmem:$0x1C000] =	vst v63  }
0x68: {  	_ =	swait.ge [sflag:s21], $0x2000  }
0x69: {  	[sflag:s21] =	ssyncset.done $0x0  }
0x6a: {  	[sflag:s21] =	ssyncadd.s32 $0xFFFFE000  }
0x6b: {  	[spmem:s2] =	stream.indirect.scatter.add.bf16 [tilespmem:s15], [sflag:$0x5], $0x40, s25, s14, $0xb8;
	[tilespmem:$0x1C000] =	vst v63  }
0x6c: {  	_ =	swait.ge [sflag:s11], $0x2000  }
0x6d: {  	[sflag:s11] =	ssyncset.done $0x0  }
0x6e: {  	[sflag:s11] =	ssyncadd.s32 $0xFFFFE000  }
0x6f: {  	_ =	swait.ge [sflag:s22], $0x2000  }
0x70: {  	[sflag:s22] =	ssyncset.done $0x0  }
0x71: {  	[sflag:s22] =	ssyncadd.s32 $0xFFFFE000  }
0x72: {  	[spmem:s2] =	stream.indirect.scatter.add.bf16 [tilespmem:s16], [sflag:$0x5], $0x40, s26, s14, $0xb8;
	[tilespmem:$0x1C000] =	vst v63  }
0x73: {  	_ =	swait.ge [sflag:s11], $0x2000  }
0x74: {  	[sflag:s11] =	ssyncset.done $0x0  }
0x75: {  	[sflag:s11] =	ssyncadd.s32 $0xFFFFE000  }
0x76: {  	_ =	swait.ge [sflag:s23], $0x2000  }
0x77: {  	[sflag:s23] =	ssyncset.done $0x0  }
0x78: {  	[sflag:s23] =	ssyncadd.s32 $0xFFFFE000  }
0x79: {  	[spmem:s2] =	stream.indirect.scatter.add.bf16 [tilespmem:s18], [sflag:$0x5], $0x40, s28, s14, $0xb8;
	[tilespmem:$0x1C000] =	vst v63  }
0x7a: {  	_ =	swait.ge [sflag:s11], $0x2000  }
0x7b: {  	[sflag:s11] =	ssyncset.done $0x0  }
0x7c: {  	[sflag:s11] =	ssyncadd.s32 $0xFFFFE000  }
0x7d: {  	_ =	swait.ge [sflag:s24], $0x2000  }
0x7e: {  	[sflag:s24] =	ssyncset.done $0x0  }
0x7f: {  	[sflag:s24] =	ssyncadd.s32 $0xFFFFE000  }
0x80: {  	[spmem:s2] =	stream.indirect.scatter.add.bf16 [tilespmem:s20], [sflag:$0x5], $0x40, s29, s14, $0xb8;
	[tilespmem:$0x1C000] =	vst v63  }
0x81: {  	_ =	swait.ge [sflag:s11], $0x2000  }
0x82: {  	s30 =	sadd.s32 $0x1, s30;
	[sflag:s11] =	ssyncset.done $0x0  }
0x83: {  	p0 =	sne.s32 s30, s9;
	[sflag:s11] =	ssyncadd.s32 $0xFFFFE000  }
.Ltmp1:
0x84: {  	[bflag:$0x0] =	sbarrier.arrive $0xFFFF;
	(pc) =	sbr.rel @p0 .LBB2_1-.Ltmp1, $4  }
0x85: {  	[hbm:s8], [sflag:s12] =	dma.local [spmem:s13], $0x1400  }
0x86: {  	_ =	swait.ge [sflag:s11], $0x1400  }
0x87: {  	[sflag:s11] =	ssyncset.done $0x0  }
0x88: {  	[sflag:s11] =	ssyncadd.s32 $0xFFFFEC00  }
0x89: {  	_ =	sfence.sel $0x180000  }
0x8a: {  	[bflag:$0x0] =	sbarrier.arrive $0xFFFF  }
0x8b: {  	_ =	strace $0x90000050  }
0x8c: {  	s0 =	stileid.u32;
	[bflag:$0x2] =	sbarrier.arrive $0xFFFF  }
0x8d: {  	p0 =	sne.s32 s0, $0x0;
	s0 =	rddreg [dreg:$0x2]  }
0x8e: {  	s0 =	sadd.s32 @!p0 $0x100000, s0  }
0x8f: {  	[sflag:s0] =	ssyncadd.tile.s32 @!p0 $0x1;
	_ =	shalt  }
.Lfunc_end2:
_tile_overlayer_lowered:
.L_overlay_start_2:
0x90: {  	(tag) =	ssettag $0x2  }
0x91: {  	s0 =	rddreg [dreg:$0x0];
	s2 =	stileid.u32  }
0x92: {  	s1 =	rddreg [dreg:$0x1];
	p0 =	sne.s32 s2, $0x0  }
0x93: {  	s3 =	rddreg [dreg:$0x2];
	[bflag:$0x3] =	sbarrier.arrive $0xFFFF;
	s2 =	simm.s32 @!p0 $0x1C05  }
0x94: {  	[timem:s3], [sflag:s2] =	dma.local @!p0 [hbm:s0], s1  }
0x95: {  	s0 =	simm.s32 @!p0 $0x5  }
0x96: {  	_ =	swait.ge @!p0 [sflag:s0], s1  }
0x97: {  	s1 =	ssub.s32 @!p0 $0x0, s1;
	[sflag:s0] =	ssyncset.done @!p0 $0x0  }
0x98: {  	[sflag:s0] =	ssyncadd.s32 @!p0 s1  }
0x99: {  	[bflag:$0x3] =	sbarrier.arrive $0xFFFF  }
0x9a: {  	_ =	shalt  }

</sc_bundles>
